<compile_context>
chip_gen: v7x
topology: tpu7x:2x2x1
jax: 0.10.2.dev20260603
libtpu: 0.0.44.dev20260713+nightly
codegen_flags: <defaults>
</compile_context>

<pallas_src>
import functools

import jax
import jax.numpy as jnp
from jax import lax
from jax.experimental import pallas as pl
from jax.experimental.pallas import tpu as pltpu
from jax.experimental.pallas import tpu_sc as plsc

_K = 16
_BIG = 3.0e38
_NSPLIT = 2


def _mm_t(a, w):
    return lax.dot_general(a, w, (((1,), (1,)), ((), ())),
                           preferred_element_type=jnp.float32)


def _pack_low(x):
    b = lax.bitcast_convert_type(x.astype(jnp.bfloat16), jnp.uint16)
    return b.astype(jnp.uint32)


def _proj_body(xyz_ref, feat_ref, fc1_w_ref, fc1_b_ref,
               wq_ref, wk_ref, wv_ref, w1_ref,
               q_ref, p_ref, tbl_ref):
    f = _mm_t(feat_ref[0], fc1_w_ref[...]) + fc1_b_ref[...]
    q_ref[0] = _mm_t(f, wq_ref[...])
    p = _mm_t(xyz_ref[0], w1_ref[...])
    p_ref[0] = p
    kv = _pack_low(_mm_t(f, wk_ref[...])) | (
        _pack_low(_mm_t(f, wv_ref[...])) << 16)
    pp = _pack_low(p)
    tbl_ref[0] = lax.bitcast_convert_type(
        jnp.concatenate([kv, pp], axis=1), jnp.int32)


def _topk_body(xyz_ref, xyzt_ref, gidx_ref):
    b = pl.program_id(0)
    nblk = xyz_ref.shape[1]
    n_tot = xyzt_ref.shape[2]
    x = xyz_ref[0]
    xt = xyzt_ref[0]

    s_src = jnp.sum(x * x, axis=1, keepdims=True)
    s_dst = jnp.sum(xt * xt, axis=0, keepdims=True)
    cross = jnp.dot(x, xt, preferred_element_type=jnp.float32)
    d = (s_src + s_dst) - 2.0 * cross

    colf = lax.broadcasted_iota(
        jnp.int32, (nblk, n_tot), 1).astype(jnp.float32)
    base = b * n_tot
    for k in range(_K):
        m = jnp.min(d, axis=1, keepdims=True)
        cand = jnp.where(d == m, colf, _BIG)
        i_f = jnp.min(cand, axis=1, keepdims=True)
        gidx_ref[0, :, k:k + 1] = i_f.astype(jnp.int32) + base
        d = jnp.where(colf == i_f, _BIG, d)


def _make_sc_gather(n_rows, width, chunk):
    info = plsc.get_sparse_core_info()
    nw = info.num_cores * info.num_subcores
    rows_per_w = n_rows // nw
    nchunks = rows_per_w // chunk
    mesh = plsc.VectorSubcoreMesh(core_axis_name="c", subcore_axis_name="s")

    @functools.partial(
        pl.kernel, mesh=mesh,
        out_type=jax.ShapeDtypeStruct((n_rows, width), jnp.int32),
        scratch_types=[
            pltpu.VMEM((chunk,), jnp.int32),
            pltpu.VMEM((chunk, width), jnp.int32),
            pltpu.SemaphoreType.DMA,
        ],
        compiler_params=pltpu.CompilerParams(use_tc_tiling_on_sc=True),
    )
    def sc_gather(gidx_hbm, tbl_hbm, out_hbm, idx_v, buf, sem):
        wid = lax.axis_index("s") * info.num_cores + lax.axis_index("c")
        base0 = wid * rows_per_w
        for ci in range(nchunks):
            base = base0 + ci * chunk
            pltpu.sync_copy(gidx_hbm.at[pl.ds(base, chunk)], idx_v)
            pltpu.async_copy(tbl_hbm.at[idx_v], buf, sem).wait()
            pltpu.sync_copy(buf, out_hbm.at[pl.ds(base, chunk)])

    return sc_gather


def _unpack_lo(x):
    return lax.bitcast_convert_type(
        (x & 0xFFFF).astype(jnp.uint16), jnp.bfloat16).astype(jnp.float32)


def _unpack_hi(x):
    return lax.bitcast_convert_type(
        lax.shift_right_logical(x, jnp.uint32(16)).astype(jnp.uint16),
        jnp.bfloat16).astype(jnp.float32)


def _attn_body(q_ref, p_ref, feat_ref, g_ref,
               w2d_ref, b2d_ref, g1_ref, gb1_ref, g2_ref, gb2_ref,
               fc2_ref, fc2b_ref, b1d_ref, out_ref):
    nblk = q_ref.shape[1]
    d_model = q_ref.shape[2]
    q = q_ref[0]
    p = p_ref[0]
    gp = lax.bitcast_convert_type(g_ref[...], jnp.uint32)
    kvp = gp[:, :d_model]
    kk = _unpack_lo(kvp)
    kv = _unpack_hi(kvp)
    kp = _unpack_lo(gp[:, d_model:])

    pos1 = jnp.maximum(
        p[:, None, :] - kp.reshape(nblk, _K, d_model) + b1d_ref[...], 0.0)
    pos = _mm_t(pos1.reshape(nblk * _K, d_model), w2d_ref[...]) \
        + b2d_ref[...]

    attn_in = (q[:, None, :] - kk.reshape(nblk, _K, d_model)) \
        .reshape(nblk * _K, d_model) + pos
    h = jnp.maximum(_mm_t(attn_in, g1_ref[...]) + gb1_ref[...], 0.0)
    a = _mm_t(h, g2_ref[...]) + gb2_ref[...]

    a3 = a.reshape(nblk, _K, d_model) * (1.0 / 8.0)
    m = jnp.max(a3, axis=1, keepdims=True)
    e = jnp.exp(a3 - m)
    s = jnp.sum(e, axis=1, keepdims=True)
    w = e / s

    vpe = kv.reshape(nblk, _K, d_model) + pos.reshape(nblk, _K, d_model)
    res = jnp.sum(w * vpe, axis=1)
    out_ref[0] = _mm_t(res, fc2_ref[...]) + fc2b_ref[...] + feat_ref[0]


def kernel(xyz, features, fc_delta_w1, fc_delta_b1, fc_delta_w2, fc_delta_b2,
           fc1_w, fc1_b, wq, wk, wv,
           fc_gamma_w1, fc_gamma_b1, fc_gamma_w2, fc_gamma_b2,
           fc2_w, fc2_b):
    B, N, _ = xyz.shape
    d_model = fc1_w.shape[0]
    d_pts = features.shape[2]
    width = 2 * d_model
    n_s = N // _NSPLIT
    nblk_a = min(512, n_s)
    nblk_c = 256

    xyzt = xyz.transpose(0, 2, 1)

    full = lambda shp: pl.BlockSpec(shp, lambda b, nb: tuple(0 for _ in shp))

    q, p, tbl = pl.pallas_call(
        _proj_body,
        grid=(B,),
        in_specs=[
            pl.BlockSpec((1, N, 3), lambda b: (b, 0, 0)),
            pl.BlockSpec((1, N, d_pts), lambda b: (b, 0, 0)),
            pl.BlockSpec((d_model, d_pts), lambda b: (0, 0)),
            pl.BlockSpec((1, d_model), lambda b: (0, 0)),
            pl.BlockSpec((d_model, d_model), lambda b: (0, 0)),
            pl.BlockSpec((d_model, d_model), lambda b: (0, 0)),
            pl.BlockSpec((d_model, d_model), lambda b: (0, 0)),
            pl.BlockSpec((d_model, 3), lambda b: (0, 0)),
        ],
        out_specs=[
            pl.BlockSpec((1, N, d_model), lambda b: (b, 0, 0)),
            pl.BlockSpec((1, N, d_model), lambda b: (b, 0, 0)),
            pl.BlockSpec((1, N, width), lambda b: (b, 0, 0)),
        ],
        out_shape=[
            jax.ShapeDtypeStruct((B, N, d_model), jnp.float32),
            jax.ShapeDtypeStruct((B, N, d_model), jnp.float32),
            jax.ShapeDtypeStruct((B, N, width), jnp.int32),
        ],
    )(xyz, features, fc1_w, fc1_b[None, :], wq, wk, wv, fc_delta_w1)

    tbl2 = tbl.reshape(B * N, width)

    n_rows_s = B * n_s * _K
    sc_gather = _make_sc_gather(n_rows_s, width, chunk=128)

    g_blk = pl.BlockSpec(
        (nblk_c * _K, width),
        lambda b, nb, r=(n_s // nblk_c): (b * r + nb, 0))

    gathered = []
    for s in range(_NSPLIT):
        row_off_a = s * (n_s // nblk_a)
        gidx = pl.pallas_call(
            _topk_body,
            grid=(B, n_s // nblk_a),
            in_specs=[
                pl.BlockSpec((1, nblk_a, 3),
                             lambda b, nb, o=row_off_a: (b, nb + o, 0)),
                pl.BlockSpec((1, 3, N), lambda b, nb: (b, 0, 0)),
            ],
            out_specs=pl.BlockSpec((1, nblk_a, _K), lambda b, nb: (b, nb, 0)),
            out_shape=jax.ShapeDtypeStruct((B, n_s, _K), jnp.int32),
        )(xyz, xyzt)
        gathered.append(sc_gather(gidx.reshape(n_rows_s), tbl2))

    outs = []
    for s in range(_NSPLIT):
        row_off_c = s * (n_s // nblk_c)
        row_blk_off = lambda w, o: pl.BlockSpec(
            (1, nblk_c, w), lambda b, nb, o=o: (b, nb + o, 0))
        out_s = pl.pallas_call(
            _attn_body,
            grid=(B, n_s // nblk_c),
            in_specs=[
                row_blk_off(d_model, row_off_c),
                row_blk_off(d_model, row_off_c),
                row_blk_off(d_pts, row_off_c),
                g_blk,
                full((d_model, d_model)),
                full((1, d_model)),
                full((d_model, d_model)),
                full((1, d_model)),
                full((d_model, d_model)),
                full((1, d_model)),
                full((d_pts, d_model)),
                full((1, d_pts)),
                full((1, d_model)),
            ],
            out_specs=pl.BlockSpec((1, nblk_c, d_pts),
                                   lambda b, nb: (b, nb, 0)),
            out_shape=jax.ShapeDtypeStruct((B, n_s, d_pts), jnp.float32),
        )(q, p, features, gathered[s],
          fc_delta_w2, fc_delta_b2[None, :],
          fc_gamma_w1, fc_gamma_b1[None, :],
          fc_gamma_w2, fc_gamma_b2[None, :],
          fc2_w, fc2_b[None, :],
          fc_delta_b1[None, :])
        outs.append(out_s)

    return jnp.concatenate(outs, axis=1)

# --- scband reference (transcript-rebuilt; emitter-appended) ---
"""Pipeline reference for scband-transformer-block-67525475828367 (READ-ONLY COPY).

The authoritative reference and input builder live on the scoring server;
editing this copy changes nothing except your own understanding.
"""

import jax, jax.numpy as jnp
import numpy as np

B, N, K, D_POINTS, D_MODEL = 2, 2048, 16, 64, 64


def _lin(k, out_f, in_f):
    return jax.random.normal(k, (out_f, in_f), dtype=jnp.float32) / np.sqrt(in_f)


def setup_inputs(seed: int = 0) -> dict:
    key = jax.random.key(seed)
    ks = jax.random.split(key, 20)
    inp = {}
    inp["xyz"] = jax.random.normal(ks[0], (B, N, 3), dtype=jnp.float32)
    inp["features"] = jax.random.normal(ks[1], (B, N, D_POINTS), dtype=jnp.float32)
    inp["fc_delta_w1"] = _lin(ks[2], D_MODEL, 3)
    inp["fc_delta_b1"] = jnp.zeros((D_MODEL,), dtype=jnp.float32)
    inp["fc_delta_w2"] = _lin(ks[3], D_MODEL, D_MODEL)
    inp["fc_delta_b2"] = jnp.zeros((D_MODEL,), dtype=jnp.float32)
    inp["fc1_w"] = _lin(ks[4], D_MODEL, D_POINTS)
    inp["fc1_b"] = jnp.zeros((D_MODEL,), dtype=jnp.float32)
    inp["wq"] = _lin(ks[5], D_MODEL, D_MODEL)
    inp["wk"] = _lin(ks[6], D_MODEL, D_MODEL)
    inp["wv"] = _lin(ks[7], D_MODEL, D_MODEL)
    inp["fc_gamma_w1"] = _lin(ks[8], D_MODEL, D_MODEL)
    inp["fc_gamma_b1"] = jnp.zeros((D_MODEL,), dtype=jnp.float32)
    inp["fc_gamma_w2"] = _lin(ks[9], D_MODEL, D_MODEL)
    inp["fc_gamma_b2"] = jnp.zeros((D_MODEL,), dtype=jnp.float32)
    inp["fc2_w"] = _lin(ks[10], D_POINTS, D_MODEL)
    inp["fc2_b"] = jnp.zeros((D_POINTS,), dtype=jnp.float32)
    return inp


def _square_distance(src, dst):
    # ||src - dst||^2 : [B, N, M]
    return (
        jnp.sum(src ** 2, axis=-1)[:, :, None]
        + jnp.sum(dst ** 2, axis=-1)[:, None, :]
        - 2.0 * jnp.einsum("bnc,bmc->bnm", src, dst)
    )


def _index_points(points, idx):
    # points: [B, N, C], idx: [B, M, K] -> [B, M, K, C]
    return jax.vmap(lambda p, i: p[i])(points, idx)


def reference(xyz, features, fc_delta_w1, fc_delta_b1, fc_delta_w2, fc_delta_b2,
              fc1_w, fc1_b, wq, wk, wv,
              fc_gamma_w1, fc_gamma_b1, fc_gamma_w2, fc_gamma_b2,
              fc2_w, fc2_b):
    dists = _square_distance(xyz, xyz)
    knn_idx = jnp.argsort(dists, axis=-1)[:, :, :K]  # [B, N, K]
    knn_xyz = _index_points(xyz, knn_idx)            # [B, N, K, 3]

    delta = xyz[:, :, None, :] - knn_xyz             # [B, N, K, 3]
    pos_enc = jax.nn.relu(delta @ fc_delta_w1.T + fc_delta_b1) @ fc_delta_w2.T + fc_delta_b2

    shortcut = features
    f = features @ fc1_w.T + fc1_b                   # [B, N, d_model]
    knn_f = _index_points(f, knn_idx)                # [B, N, K, d_model]

    q = f @ wq.T                                     # [B, N, d_model]
    k = knn_f @ wk.T                                 # [B, N, K, d_model]
    v = knn_f @ wv.T                                 # [B, N, K, d_model]

    attn_in = q[:, :, None, :] - k + pos_enc
    attn = jax.nn.relu(attn_in @ fc_gamma_w1.T + fc_gamma_b1) @ fc_gamma_w2.T + fc_gamma_b2
    attn = jax.nn.softmax(attn / np.sqrt(D_MODEL), axis=-2)

    res = jnp.einsum("bmnf,bmnf->bmf", attn, v + pos_enc)
    res = res @ fc2_w.T + fc2_b + shortcut
    return res

if __name__ == "__main__":
    import jax
    _d = setup_inputs()
    print(jax.jit(kernel)(*tuple(_d.values())))

</pallas_src>

<mosaic_0001>
#map = affine_map<(d0, d1) -> (0)>
#map1 = affine_map<(d0, d1) -> (0, 0)>
module attributes {stable_mosaic.version = 14 : i64} {
  func.func @sc_gather(%arg0: i32, %arg1: i32, %arg2: memref<32768xi32, #tpu.memory_space<hbm>>, %arg3: memref<4096x128xi32, #tpu.memory_space<hbm>>, %arg4: memref<32768x128xi32, #tpu.memory_space<hbm>>, %arg5: memref<128xi32, #tpu.memory_space<vmem>>, %arg6: memref<128x128xi32, #tpu.memory_space<vmem>>, %arg7: memref<!tpu.dma_semaphore, #tpu.memory_space<semaphore_mem>>) attributes {dimension_semantics = [#tpu.dimension_semantics<core_parallel>, #tpu.dimension_semantics<subcore_parallel>], iteration_bounds = array<i64: 2, 16>, scalar_prefetch = 0 : i64, scratch_operands = 3 : i64, tpu.core_type = #tpu.core_type<sc_vector_subcore>, window_params = [{transform_indices = #map}, {transform_indices = #map1}, {transform_indices = #map1}]} {
    %mul3A = arith.constant 2 : i32
    %mul3A_0 = arith.muli %arg1, %mul3A : i32
    %add3A = arith.addi %mul3A_0, %arg0 : i32
    %mul3A_1 = arith.constant 1024 : i32
    %mul3A_2 = arith.muli %add3A, %mul3A_1 : i32
    %add3A_3 = arith.constant 0 : i32
    %add3A_4 = arith.addi %mul3A_2, %add3A_3 : i32
    "tpu.region"() ({
      %run_scoped3A = tpu.sem_alloc : memref<!tpu.dma_semaphore, #tpu.memory_space<semaphore_mem>>
      %dma_start3A_65 = tpu.memref_slice %arg2[%add3A_4] : memref<32768xi32, #tpu.memory_space<hbm>> -> memref<128xi32, #tpu.memory_space<hbm>>
      %dma_start3A_66 = tpu.memref_slice %arg2[%add3A_4] : memref<32768xi32, #tpu.memory_space<hbm>> -> memref<128xi32, #tpu.memory_space<hbm>>
      tpu.enqueue_dma source(%dma_start3A_66 : memref<128xi32, #tpu.memory_space<hbm>>) target(%arg5 : memref<128xi32, #tpu.memory_space<vmem>>) target_semaphore(%run_scoped3A : memref<!tpu.dma_semaphore, #tpu.memory_space<semaphore_mem>>)
      %dma_wait3A_67 = tpu.memref_slice %arg2[%add3A_4] : memref<32768xi32, #tpu.memory_space<hbm>> -> memref<128xi32, #tpu.memory_space<hbm>>
      %dma_wait3A_68 = tpu.memref_slice %arg2[%add3A_4] : memref<32768xi32, #tpu.memory_space<hbm>> -> memref<128xi32, #tpu.memory_space<hbm>>
      tpu.wait_dma2 semaphore(%run_scoped3A : memref<!tpu.dma_semaphore, #tpu.memory_space<semaphore_mem>>) src(%dma_wait3A_68 : memref<128xi32, #tpu.memory_space<hbm>>) dst(%arg5 : memref<128xi32, #tpu.memory_space<vmem>>)
      tpu.yield
    }) : () -> ()
    %dma_start3A = arith.constant 0 : i32
    %dma_start3A_5 = arith.constant 0 : i32
    %dma_start3A_6 = tpu.memref_slice %arg3[%dma_start3A, %dma_start3A_5] : memref<4096x128xi32, #tpu.memory_space<hbm>> -> memref<4096x128xi32, #tpu.memory_space<hbm>>
    tpu.enqueue_indirect_dma source(%dma_start3A_6 : memref<4096x128xi32, #tpu.memory_space<hbm>>) target(%arg6 : memref<128x128xi32, #tpu.memory_space<vmem>>) offsets(%arg5 : memref<128xi32, #tpu.memory_space<vmem>>) semaphore(%arg7 : memref<!tpu.dma_semaphore, #tpu.memory_space<semaphore_mem>>)
    %dma_wait3A = arith.constant 0 : i32
    %dma_wait3A_7 = arith.constant 0 : i32
    %dma_wait3A_8 = tpu.memref_slice %arg3[%dma_wait3A, %dma_wait3A_7] : memref<4096x128xi32, #tpu.memory_space<hbm>> -> memref<4096x128xi32, #tpu.memory_space<hbm>>
    tpu.wait_indirect_dma semaphore(%arg7 : memref<!tpu.dma_semaphore, #tpu.memory_space<semaphore_mem>>) src(%dma_wait3A_8 : memref<4096x128xi32, #tpu.memory_space<hbm>>) dst(%arg6 : memref<128x128xi32, #tpu.memory_space<vmem>>)
    "tpu.region"() ({
      %run_scoped3A = tpu.sem_alloc : memref<!tpu.dma_semaphore, #tpu.memory_space<semaphore_mem>>
      %dma_start3A_65 = arith.constant 0 : i32
      %dma_start3A_66 = tpu.memref_slice %arg4[%add3A_4, %dma_start3A_65] : memref<32768x128xi32, #tpu.memory_space<hbm>> -> memref<128x128xi32, #tpu.memory_space<hbm>>
      %dma_start3A_67 = arith.constant 0 : i32
      %dma_start3A_68 = tpu.memref_slice %arg4[%add3A_4, %dma_start3A_67] : memref<32768x128xi32, #tpu.memory_space<hbm>> -> memref<128x128xi32, #tpu.memory_space<hbm>>
      tpu.enqueue_dma source(%arg6 : memref<128x128xi32, #tpu.memory_space<vmem>>) target(%dma_start3A_68 : memref<128x128xi32, #tpu.memory_space<hbm>>) target_semaphore(%run_scoped3A : memref<!tpu.dma_semaphore, #tpu.memory_space<semaphore_mem>>)
      %dma_wait3A_69 = arith.constant 0 : i32
      %dma_wait3A_70 = tpu.memref_slice %arg4[%add3A_4, %dma_wait3A_69] : memref<32768x128xi32, #tpu.memory_space<hbm>> -> memref<128x128xi32, #tpu.memory_space<hbm>>
      %dma_wait3A_71 = arith.constant 0 : i32
      %dma_wait3A_72 = tpu.memref_slice %arg4[%add3A_4, %dma_wait3A_71] : memref<32768x128xi32, #tpu.memory_space<hbm>> -> memref<128x128xi32, #tpu.memory_space<hbm>>
      tpu.wait_dma2 semaphore(%run_scoped3A : memref<!tpu.dma_semaphore, #tpu.memory_space<semaphore_mem>>) src(%arg6 : memref<128x128xi32, #tpu.memory_space<vmem>>) dst(%dma_wait3A_72 : memref<128x128xi32, #tpu.memory_space<hbm>>)
      tpu.yield
    }) : () -> ()
    %add3A_9 = arith.constant 128 : i32
    %add3A_10 = arith.addi %mul3A_2, %add3A_9 : i32
    "tpu.region"() ({
      %run_scoped3A = tpu.sem_alloc : memref<!tpu.dma_semaphore, #tpu.memory_space<semaphore_mem>>
      %dma_start3A_65 = tpu.memref_slice %arg2[%add3A_10] : memref<32768xi32, #tpu.memory_space<hbm>> -> memref<128xi32, #tpu.memory_space<hbm>>
      %dma_start3A_66 = tpu.memref_slice %arg2[%add3A_10] : memref<32768xi32, #tpu.memory_space<hbm>> -> memref<128xi32, #tpu.memory_space<hbm>>
      tpu.enqueue_dma source(%dma_start3A_66 : memref<128xi32, #tpu.memory_space<hbm>>) target(%arg5 : memref<128xi32, #tpu.memory_space<vmem>>) target_semaphore(%run_scoped3A : memref<!tpu.dma_semaphore, #tpu.memory_space<semaphore_mem>>)
      %dma_wait3A_67 = tpu.memref_slice %arg2[%add3A_10] : memref<32768xi32, #tpu.memory_space<hbm>> -> memref<128xi32, #tpu.memory_space<hbm>>
      %dma_wait3A_68 = tpu.memref_slice %arg2[%add3A_10] : memref<32768xi32, #tpu.memory_space<hbm>> -> memref<128xi32, #tpu.memory_space<hbm>>
      tpu.wait_dma2 semaphore(%run_scoped3A : memref<!tpu.dma_semaphore, #tpu.memory_space<semaphore_mem>>) src(%dma_wait3A_68 : memref<128xi32, #tpu.memory_space<hbm>>) dst(%arg5 : memref<128xi32, #tpu.memory_space<vmem>>)
      tpu.yield
    }) : () -> ()
    %dma_start3A_11 = arith.constant 0 : i32
    %dma_start3A_12 = arith.constant 0 : i32
    %dma_start3A_13 = tpu.memref_slice %arg3[%dma_start3A_11, %dma_start3A_12] : memref<4096x128xi32, #tpu.memory_space<hbm>> -> memref<4096x128xi32, #tpu.memory_space<hbm>>
    tpu.enqueue_indirect_dma source(%dma_start3A_13 : memref<4096x128xi32, #tpu.memory_space<hbm>>) target(%arg6 : memref<128x128xi32, #tpu.memory_space<vmem>>) offsets(%arg5 : memref<128xi32, #tpu.memory_space<vmem>>) semaphore(%arg7 : memref<!tpu.dma_semaphore, #tpu.memory_space<semaphore_mem>>)
    %dma_wait3A_14 = arith.constant 0 : i32
    %dma_wait3A_15 = arith.constant 0 : i32
    %dma_wait3A_16 = tpu.memref_slice %arg3[%dma_wait3A_14, %dma_wait3A_15] : memref<4096x128xi32, #tpu.memory_space<hbm>> -> memref<4096x128xi32, #tpu.memory_space<hbm>>
    tpu.wait_indirect_dma semaphore(%arg7 : memref<!tpu.dma_semaphore, #tpu.memory_space<semaphore_mem>>) src(%dma_wait3A_16 : memref<4096x128xi32, #tpu.memory_space<hbm>>) dst(%arg6 : memref<128x128xi32, #tpu.memory_space<vmem>>)
    "tpu.region"() ({
      %run_scoped3A = tpu.sem_alloc : memref<!tpu.dma_semaphore, #tpu.memory_space<semaphore_mem>>
      %dma_start3A_65 = arith.constant 0 : i32
      %dma_start3A_66 = tpu.memref_slice %arg4[%add3A_10, %dma_start3A_65] : memref<32768x128xi32, #tpu.memory_space<hbm>> -> memref<128x128xi32, #tpu.memory_space<hbm>>
      %dma_start3A_67 = arith.constant 0 : i32
      %dma_start3A_68 = tpu.memref_slice %arg4[%add3A_10, %dma_start3A_67] : memref<32768x128xi32, #tpu.memory_space<hbm>> -> memref<128x128xi32, #tpu.memory_space<hbm>>
      tpu.enqueue_dma source(%arg6 : memref<128x128xi32, #tpu.memory_space<vmem>>) target(%dma_start3A_68 : memref<128x128xi32, #tpu.memory_space<hbm>>) target_semaphore(%run_scoped3A : memref<!tpu.dma_semaphore, #tpu.memory_space<semaphore_mem>>)
      %dma_wait3A_69 = arith.constant 0 : i32
      %dma_wait3A_70 = tpu.memref_slice %arg4[%add3A_10, %dma_wait3A_69] : memref<32768x128xi32, #tpu.memory_space<hbm>> -> memref<128x128xi32, #tpu.memory_space<hbm>>
      %dma_wait3A_71 = arith.constant 0 : i32
      %dma_wait3A_72 = tpu.memref_slice %arg4[%add3A_10, %dma_wait3A_71] : memref<32768x128xi32, #tpu.memory_space<hbm>> -> memref<128x128xi32, #tpu.memory_space<hbm>>
      tpu.wait_dma2 semaphore(%run_scoped3A : memref<!tpu.dma_semaphore, #tpu.memory_space<semaphore_mem>>) src(%arg6 : memref<128x128xi32, #tpu.memory_space<vmem>>) dst(%dma_wait3A_72 : memref<128x128xi32, #tpu.memory_space<hbm>>)
      tpu.yield
    }) : () -> ()
    %add3A_17 = arith.constant 256 : i32
    %add3A_18 = arith.addi %mul3A_2, %add3A_17 : i32
    "tpu.region"() ({
      %run_scoped3A = tpu.sem_alloc : memref<!tpu.dma_semaphore, #tpu.memory_space<semaphore_mem>>
      %dma_start3A_65 = tpu.memref_slice %arg2[%add3A_18] : memref<32768xi32, #tpu.memory_space<hbm>> -> memref<128xi32, #tpu.memory_space<hbm>>
      %dma_start3A_66 = tpu.memref_slice %arg2[%add3A_18] : memref<32768xi32, #tpu.memory_space<hbm>> -> memref<128xi32, #tpu.memory_space<hbm>>
      tpu.enqueue_dma source(%dma_start3A_66 : memref<128xi32, #tpu.memory_space<hbm>>) target(%arg5 : memref<128xi32, #tpu.memory_space<vmem>>) target_semaphore(%run_scoped3A : memref<!tpu.dma_semaphore, #tpu.memory_space<semaphore_mem>>)
      %dma_wait3A_67 = tpu.memref_slice %arg2[%add3A_18] : memref<32768xi32, #tpu.memory_space<hbm>> -> memref<128xi32, #tpu.memory_space<hbm>>
      %dma_wait3A_68 = tpu.memref_slice %arg2[%add3A_18] : memref<32768xi32, #tpu.memory_space<hbm>> -> memref<128xi32, #tpu.memory_space<hbm>>
      tpu.wait_dma2 semaphore(%run_scoped3A : memref<!tpu.dma_semaphore, #tpu.memory_space<semaphore_mem>>) src(%dma_wait3A_68 : memref<128xi32, #tpu.memory_space<hbm>>) dst(%arg5 : memref<128xi32, #tpu.memory_space<vmem>>)
      tpu.yield
    }) : () -> ()
    %dma_start3A_19 = arith.constant 0 : i32
    %dma_start3A_20 = arith.constant 0 : i32
    %dma_start3A_21 = tpu.memref_slice %arg3[%dma_start3A_19, %dma_start3A_20] : memref<4096x128xi32, #tpu.memory_space<hbm>> -> memref<4096x128xi32, #tpu.memory_space<hbm>>
    tpu.enqueue_indirect_dma source(%dma_start3A_21 : memref<4096x128xi32, #tpu.memory_space<hbm>>) target(%arg6 : memref<128x128xi32, #tpu.memory_space<vmem>>) offsets(%arg5 : memref<128xi32, #tpu.memory_space<vmem>>) semaphore(%arg7 : memref<!tpu.dma_semaphore, #tpu.memory_space<semaphore_mem>>)
    %dma_wait3A_22 = arith.constant 0 : i32
    %dma_wait3A_23 = arith.constant 0 : i32
    %dma_wait3A_24 = tpu.memref_slice %arg3[%dma_wait3A_22, %dma_wait3A_23] : memref<4096x128xi32, #tpu.memory_space<hbm>> -> memref<4096x128xi32, #tpu.memory_space<hbm>>
    tpu.wait_indirect_dma semaphore(%arg7 : memref<!tpu.dma_semaphore, #tpu.memory_space<semaphore_mem>>) src(%dma_wait3A_24 : memref<4096x128xi32, #tpu.memory_space<hbm>>) dst(%arg6 : memref<128x128xi32, #tpu.memory_space<vmem>>)
    "tpu.region"() ({
      %run_scoped3A = tpu.sem_alloc : memref<!tpu.dma_semaphore, #tpu.memory_space<semaphore_mem>>
      %dma_start3A_65 = arith.constant 0 : i32
      %dma_start3A_66 = tpu.memref_slice %arg4[%add3A_18, %dma_start3A_65] : memref<32768x128xi32, #tpu.memory_space<hbm>> -> memref<128x128xi32, #tpu.memory_space<hbm>>
      %dma_start3A_67 = arith.constant 0 : i32
      %dma_start3A_68 = tpu.memref_slice %arg4[%add3A_18, %dma_start3A_67] : memref<32768x128xi32, #tpu.memory_space<hbm>> -> memref<128x128xi32, #tpu.memory_space<hbm>>
      tpu.enqueue_dma source(%arg6 : memref<128x128xi32, #tpu.memory_space<vmem>>) target(%dma_start3A_68 : memref<128x128xi32, #tpu.memory_space<hbm>>) target_semaphore(%run_scoped3A : memref<!tpu.dma_semaphore, #tpu.memory_space<semaphore_mem>>)
      %dma_wait3A_69 = arith.constant 0 : i32
      %dma_wait3A_70 = tpu.memref_slice %arg4[%add3A_18, %dma_wait3A_69] : memref<32768x128xi32, #tpu.memory_space<hbm>> -> memref<128x128xi32, #tpu.memory_space<hbm>>
      %dma_wait3A_71 = arith.constant 0 : i32
      %dma_wait3A_72 = tpu.memref_slice %arg4[%add3A_18, %dma_wait3A_71] : memref<32768x128xi32, #tpu.memory_space<hbm>> -> memref<128x128xi32, #tpu.memory_space<hbm>>
      tpu.wait_dma2 semaphore(%run_scoped3A : memref<!tpu.dma_semaphore, #tpu.memory_space<semaphore_mem>>) src(%arg6 : memref<128x128xi32, #tpu.memory_space<vmem>>) dst(%dma_wait3A_72 : memref<128x128xi32, #tpu.memory_space<hbm>>)
      tpu.yield
    }) : () -> ()
    %add3A_25 = arith.constant 384 : i32
    %add3A_26 = arith.addi %mul3A_2, %add3A_25 : i32
    "tpu.region"() ({
      %run_scoped3A = tpu.sem_alloc : memref<!tpu.dma_semaphore, #tpu.memory_space<semaphore_mem>>
      %dma_start3A_65 = tpu.memref_slice %arg2[%add3A_26] : memref<32768xi32, #tpu.memory_space<hbm>> -> memref<128xi32, #tpu.memory_space<hbm>>
      %dma_start3A_66 = tpu.memref_slice %arg2[%add3A_26] : memref<32768xi32, #tpu.memory_space<hbm>> -> memref<128xi32, #tpu.memory_space<hbm>>
      tpu.enqueue_dma source(%dma_start3A_66 : memref<128xi32, #tpu.memory_space<hbm>>) target(%arg5 : memref<128xi32, #tpu.memory_space<vmem>>) target_semaphore(%run_scoped3A : memref<!tpu.dma_semaphore, #tpu.memory_space<semaphore_mem>>)
      %dma_wait3A_67 = tpu.memref_slice %arg2[%add3A_26] : memref<32768xi32, #tpu.memory_space<hbm>> -> memref<128xi32, #tpu.memory_space<hbm>>
      %dma_wait3A_68 = tpu.memref_slice %arg2[%add3A_26] : memref<32768xi32, #tpu.memory_space<hbm>> -> memref<128xi32, #tpu.memory_space<hbm>>
      tpu.wait_dma2 semaphore(%run_scoped3A : memref<!tpu.dma_semaphore, #tpu.memory_space<semaphore_mem>>) src(%dma_wait3A_68 : memref<128xi32, #tpu.memory_space<hbm>>) dst(%arg5 : memref<128xi32, #tpu.memory_space<vmem>>)
      tpu.yield
    }) : () -> ()
    %dma_start3A_27 = arith.constant 0 : i32
    %dma_start3A_28 = arith.constant 0 : i32
    %dma_start3A_29 = tpu.memref_slice %arg3[%dma_start3A_27, %dma_start3A_28] : memref<4096x128xi32, #tpu.memory_space<hbm>> -> memref<4096x128xi32, #tpu.memory_space<hbm>>
    tpu.enqueue_indirect_dma source(%dma_start3A_29 : memref<4096x128xi32, #tpu.memory_space<hbm>>) target(%arg6 : memref<128x128xi32, #tpu.memory_space<vmem>>) offsets(%arg5 : memref<128xi32, #tpu.memory_space<vmem>>) semaphore(%arg7 : memref<!tpu.dma_semaphore, #tpu.memory_space<semaphore_mem>>)
    %dma_wait3A_30 = arith.constant 0 : i32
    %dma_wait3A_31 = arith.constant 0 : i32
    %dma_wait3A_32 = tpu.memref_slice %arg3[%dma_wait3A_30, %dma_wait3A_31] : memref<4096x128xi32, #tpu.memory_space<hbm>> -> memref<4096x128xi32, #tpu.memory_space<hbm>>
    tpu.wait_indirect_dma semaphore(%arg7 : memref<!tpu.dma_semaphore, #tpu.memory_space<semaphore_mem>>) src(%dma_wait3A_32 : memref<4096x128xi32, #tpu.memory_space<hbm>>) dst(%arg6 : memref<128x128xi32, #tpu.memory_space<vmem>>)
    "tpu.region"() ({
      %run_scoped3A = tpu.sem_alloc : memref<!tpu.dma_semaphore, #tpu.memory_space<semaphore_mem>>
      %dma_start3A_65 = arith.constant 0 : i32
      %dma_start3A_66 = tpu.memref_slice %arg4[%add3A_26, %dma_start3A_65] : memref<32768x128xi32, #tpu.memory_space<hbm>> -> memref<128x128xi32, #tpu.memory_space<hbm>>
      %dma_start3A_67 = arith.constant 0 : i32
      %dma_start3A_68 = tpu.memref_slice %arg4[%add3A_26, %dma_start3A_67] : memref<32768x128xi32, #tpu.memory_space<hbm>> -> memref<128x128xi32, #tpu.memory_space<hbm>>
      tpu.enqueue_dma source(%arg6 : memref<128x128xi32, #tpu.memory_space<vmem>>) target(%dma_start3A_68 : memref<128x128xi32, #tpu.memory_space<hbm>>) target_semaphore(%run_scoped3A : memref<!tpu.dma_semaphore, #tpu.memory_space<semaphore_mem>>)
      %dma_wait3A_69 = arith.constant 0 : i32
      %dma_wait3A_70 = tpu.memref_slice %arg4[%add3A_26, %dma_wait3A_69] : memref<32768x128xi32, #tpu.memory_space<hbm>> -> memref<128x128xi32, #tpu.memory_space<hbm>>
      %dma_wait3A_71 = arith.constant 0 : i32
      %dma_wait3A_72 = tpu.memref_slice %arg4[%add3A_26, %dma_wait3A_71] : memref<32768x128xi32, #tpu.memory_space<hbm>> -> memref<128x128xi32, #tpu.memory_space<hbm>>
      tpu.wait_dma2 semaphore(%run_scoped3A : memref<!tpu.dma_semaphore, #tpu.memory_space<semaphore_mem>>) src(%arg6 : memref<128x128xi32, #tpu.memory_space<vmem>>) dst(%dma_wait3A_72 : memref<128x128xi32, #tpu.memory_space<hbm>>)
      tpu.yield
    }) : () -> ()
    %add3A_33 = arith.constant 512 : i32
    %add3A_34 = arith.addi %mul3A_2, %add3A_33 : i32
    "tpu.region"() ({
      %run_scoped3A = tpu.sem_alloc : memref<!tpu.dma_semaphore, #tpu.memory_space<semaphore_mem>>
      %dma_start3A_65 = tpu.memref_slice %arg2[%add3A_34] : memref<32768xi32, #tpu.memory_space<hbm>> -> memref<128xi32, #tpu.memory_space<hbm>>
      %dma_start3A_66 = tpu.memref_slice %arg2[%add3A_34] : memref<32768xi32, #tpu.memory_space<hbm>> -> memref<128xi32, #tpu.memory_space<hbm>>
      tpu.enqueue_dma source(%dma_start3A_66 : memref<128xi32, #tpu.memory_space<hbm>>) target(%arg5 : memref<128xi32, #tpu.memory_space<vmem>>) target_semaphore(%run_scoped3A : memref<!tpu.dma_semaphore, #tpu.memory_space<semaphore_mem>>)
      %dma_wait3A_67 = tpu.memref_slice %arg2[%add3A_34] : memref<32768xi32, #tpu.memory_space<hbm>> -> memref<128xi32, #tpu.memory_space<hbm>>
      %dma_wait3A_68 = tpu.memref_slice %arg2[%add3A_34] : memref<32768xi32, #tpu.memory_space<hbm>> -> memref<128xi32, #tpu.memory_space<hbm>>
      tpu.wait_dma2 semaphore(%run_scoped3A : memref<!tpu.dma_semaphore, #tpu.memory_space<semaphore_mem>>) src(%dma_wait3A_68 : memref<128xi32, #tpu.memory_space<hbm>>) dst(%arg5 : memref<128xi32, #tpu.memory_space<vmem>>)
      tpu.yield
    }) : () -> ()
    %dma_start3A_35 = arith.constant 0 : i32
    %dma_start3A_36 = arith.constant 0 : i32
    %dma_start3A_37 = tpu.memref_slice %arg3[%dma_start3A_35, %dma_start3A_36] : memref<4096x128xi32, #tpu.memory_space<hbm>> -> memref<4096x128xi32, #tpu.memory_space<hbm>>
    tpu.enqueue_indirect_dma source(%dma_start3A_37 : memref<4096x128xi32, #tpu.memory_space<hbm>>) target(%arg6 : memref<128x128xi32, #tpu.memory_space<vmem>>) offsets(%arg5 : memref<128xi32, #tpu.memory_space<vmem>>) semaphore(%arg7 : memref<!tpu.dma_semaphore, #tpu.memory_space<semaphore_mem>>)
    %dma_wait3A_38 = arith.constant 0 : i32
    %dma_wait3A_39 = arith.constant 0 : i32
    %dma_wait3A_40 = tpu.memref_slice %arg3[%dma_wait3A_38, %dma_wait3A_39] : memref<4096x128xi32, #tpu.memory_space<hbm>> -> memref<4096x128xi32, #tpu.memory_space<hbm>>
    tpu.wait_indirect_dma semaphore(%arg7 : memref<!tpu.dma_semaphore, #tpu.memory_space<semaphore_mem>>) src(%dma_wait3A_40 : memref<4096x128xi32, #tpu.memory_space<hbm>>) dst(%arg6 : memref<128x128xi32, #tpu.memory_space<vmem>>)
    "tpu.region"() ({
      %run_scoped3A = tpu.sem_alloc : memref<!tpu.dma_semaphore, #tpu.memory_space<semaphore_mem>>
      %dma_start3A_65 = arith.constant 0 : i32
      %dma_start3A_66 = tpu.memref_slice %arg4[%add3A_34, %dma_start3A_65] : memref<32768x128xi32, #tpu.memory_space<hbm>> -> memref<128x128xi32, #tpu.memory_space<hbm>>
      %dma_start3A_67 = arith.constant 0 : i32
      %dma_start3A_68 = tpu.memref_slice %arg4[%add3A_34, %dma_start3A_67] : memref<32768x128xi32, #tpu.memory_space<hbm>> -> memref<128x128xi32, #tpu.memory_space<hbm>>
      tpu.enqueue_dma source(%arg6 : memref<128x128xi32, #tpu.memory_space<vmem>>) target(%dma_start3A_68 : memref<128x128xi32, #tpu.memory_space<hbm>>) target_semaphore(%run_scoped3A : memref<!tpu.dma_semaphore, #tpu.memory_space<semaphore_mem>>)
      %dma_wait3A_69 = arith.constant 0 : i32
      %dma_wait3A_70 = tpu.memref_slice %arg4[%add3A_34, %dma_wait3A_69] : memref<32768x128xi32, #tpu.memory_space<hbm>> -> memref<128x128xi32, #tpu.memory_space<hbm>>
      %dma_wait3A_71 = arith.constant 0 : i32
      %dma_wait3A_72 = tpu.memref_slice %arg4[%add3A_34, %dma_wait3A_71] : memref<32768x128xi32, #tpu.memory_space<hbm>> -> memref<128x128xi32, #tpu.memory_space<hbm>>
      tpu.wait_dma2 semaphore(%run_scoped3A : memref<!tpu.dma_semaphore, #tpu.memory_space<semaphore_mem>>) src(%arg6 : memref<128x128xi32, #tpu.memory_space<vmem>>) dst(%dma_wait3A_72 : memref<128x128xi32, #tpu.memory_space<hbm>>)
      tpu.yield
    }) : () -> ()
    %add3A_41 = arith.constant 640 : i32
    %add3A_42 = arith.addi %mul3A_2, %add3A_41 : i32
    "tpu.region"() ({
      %run_scoped3A = tpu.sem_alloc : memref<!tpu.dma_semaphore, #tpu.memory_space<semaphore_mem>>
      %dma_start3A_65 = tpu.memref_slice %arg2[%add3A_42] : memref<32768xi32, #tpu.memory_space<hbm>> -> memref<128xi32, #tpu.memory_space<hbm>>
      %dma_start3A_66 = tpu.memref_slice %arg2[%add3A_42] : memref<32768xi32, #tpu.memory_space<hbm>> -> memref<128xi32, #tpu.memory_space<hbm>>
      tpu.enqueue_dma source(%dma_start3A_66 : memref<128xi32, #tpu.memory_space<hbm>>) target(%arg5 : memref<128xi32, #tpu.memory_space<vmem>>) target_semaphore(%run_scoped3A : memref<!tpu.dma_semaphore, #tpu.memory_space<semaphore_mem>>)
      %dma_wait3A_67 = tpu.memref_slice %arg2[%add3A_42] : memref<32768xi32, #tpu.memory_space<hbm>> -> memref<128xi32, #tpu.memory_space<hbm>>
      %dma_wait3A_68 = tpu.memref_slice %arg2[%add3A_42] : memref<32768xi32, #tpu.memory_space<hbm>> -> memref<128xi32, #tpu.memory_space<hbm>>
      tpu.wait_dma2 semaphore(%run_scoped3A : memref<!tpu.dma_semaphore, #tpu.memory_space<semaphore_mem>>) src(%dma_wait3A_68 : memref<128xi32, #tpu.memory_space<hbm>>) dst(%arg5 : memref<128xi32, #tpu.memory_space<vmem>>)
      tpu.yield
    }) : () -> ()
    %dma_start3A_43 = arith.constant 0 : i32
    %dma_start3A_44 = arith.constant 0 : i32
    %dma_start3A_45 = tpu.memref_slice %arg3[%dma_start3A_43, %dma_start3A_44] : memref<4096x128xi32, #tpu.memory_space<hbm>> -> memref<4096x128xi32, #tpu.memory_space<hbm>>
    tpu.enqueue_indirect_dma source(%dma_start3A_45 : memref<4096x128xi32, #tpu.memory_space<hbm>>) target(%arg6 : memref<128x128xi32, #tpu.memory_space<vmem>>) offsets(%arg5 : memref<128xi32, #tpu.memory_space<vmem>>) semaphore(%arg7 : memref<!tpu.dma_semaphore, #tpu.memory_space<semaphore_mem>>)
    %dma_wait3A_46 = arith.constant 0 : i32
    %dma_wait3A_47 = arith.constant 0 : i32
    %dma_wait3A_48 = tpu.memref_slice %arg3[%dma_wait3A_46, %dma_wait3A_47] : memref<4096x128xi32, #tpu.memory_space<hbm>> -> memref<4096x128xi32, #tpu.memory_space<hbm>>
    tpu.wait_indirect_dma semaphore(%arg7 : memref<!tpu.dma_semaphore, #tpu.memory_space<semaphore_mem>>) src(%dma_wait3A_48 : memref<4096x128xi32, #tpu.memory_space<hbm>>) dst(%arg6 : memref<128x128xi32, #tpu.memory_space<vmem>>)
    "tpu.region"() ({
      %run_scoped3A = tpu.sem_alloc : memref<!tpu.dma_semaphore, #tpu.memory_space<semaphore_mem>>
      %dma_start3A_65 = arith.constant 0 : i32
      %dma_start3A_66 = tpu.memref_slice %arg4[%add3A_42, %dma_start3A_65] : memref<32768x128xi32, #tpu.memory_space<hbm>> -> memref<128x128xi32, #tpu.memory_space<hbm>>
      %dma_start3A_67 = arith.constant 0 : i32
      %dma_start3A_68 = tpu.memref_slice %arg4[%add3A_42, %dma_start3A_67] : memref<32768x128xi32, #tpu.memory_space<hbm>> -> memref<128x128xi32, #tpu.memory_space<hbm>>
      tpu.enqueue_dma source(%arg6 : memref<128x128xi32, #tpu.memory_space<vmem>>) target(%dma_start3A_68 : memref<128x128xi32, #tpu.memory_space<hbm>>) target_semaphore(%run_scoped3A : memref<!tpu.dma_semaphore, #tpu.memory_space<semaphore_mem>>)
      %dma_wait3A_69 = arith.constant 0 : i32
      %dma_wait3A_70 = tpu.memref_slice %arg4[%add3A_42, %dma_wait3A_69] : memref<32768x128xi32, #tpu.memory_space<hbm>> -> memref<128x128xi32, #tpu.memory_space<hbm>>
      %dma_wait3A_71 = arith.constant 0 : i32
      %dma_wait3A_72 = tpu.memref_slice %arg4[%add3A_42, %dma_wait3A_71] : memref<32768x128xi32, #tpu.memory_space<hbm>> -> memref<128x128xi32, #tpu.memory_space<hbm>>
      tpu.wait_dma2 semaphore(%run_scoped3A : memref<!tpu.dma_semaphore, #tpu.memory_space<semaphore_mem>>) src(%arg6 : memref<128x128xi32, #tpu.memory_space<vmem>>) dst(%dma_wait3A_72 : memref<128x128xi32, #tpu.memory_space<hbm>>)
      tpu.yield
    }) : () -> ()
    %add3A_49 = arith.constant 768 : i32
    %add3A_50 = arith.addi %mul3A_2, %add3A_49 : i32
    "tpu.region"() ({
      %run_scoped3A = tpu.sem_alloc : memref<!tpu.dma_semaphore, #tpu.memory_space<semaphore_mem>>
      %dma_start3A_65 = tpu.memref_slice %arg2[%add3A_50] : memref<32768xi32, #tpu.memory_space<hbm>> -> memref<128xi32, #tpu.memory_space<hbm>>
      %dma_start3A_66 = tpu.memref_slice %arg2[%add3A_50] : memref<32768xi32, #tpu.memory_space<hbm>> -> memref<128xi32, #tpu.memory_space<hbm>>
      tpu.enqueue_dma source(%dma_start3A_66 : memref<128xi32, #tpu.memory_space<hbm>>) target(%arg5 : memref<128xi32, #tpu.memory_space<vmem>>) target_semaphore(%run_scoped3A : memref<!tpu.dma_semaphore, #tpu.memory_space<semaphore_mem>>)
      %dma_wait3A_67 = tpu.memref_slice %arg2[%add3A_50] : memref<32768xi32, #tpu.memory_space<hbm>> -> memref<128xi32, #tpu.memory_space<hbm>>
      %dma_wait3A_68 = tpu.memref_slice %arg2[%add3A_50] : memref<32768xi32, #tpu.memory_space<hbm>> -> memref<128xi32, #tpu.memory_space<hbm>>
      tpu.wait_dma2 semaphore(%run_scoped3A : memref<!tpu.dma_semaphore, #tpu.memory_space<semaphore_mem>>) src(%dma_wait3A_68 : memref<128xi32, #tpu.memory_space<hbm>>) dst(%arg5 : memref<128xi32, #tpu.memory_space<vmem>>)
      tpu.yield
    }) : () -> ()
    %dma_start3A_51 = arith.constant 0 : i32
    %dma_start3A_52 = arith.constant 0 : i32
    %dma_start3A_53 = tpu.memref_slice %arg3[%dma_start3A_51, %dma_start3A_52] : memref<4096x128xi32, #tpu.memory_space<hbm>> -> memref<4096x128xi32, #tpu.memory_space<hbm>>
    tpu.enqueue_indirect_dma source(%dma_start3A_53 : memref<4096x128xi32, #tpu.memory_space<hbm>>) target(%arg6 : memref<128x128xi32, #tpu.memory_space<vmem>>) offsets(%arg5 : memref<128xi32, #tpu.memory_space<vmem>>) semaphore(%arg7 : memref<!tpu.dma_semaphore, #tpu.memory_space<semaphore_mem>>)
    %dma_wait3A_54 = arith.constant 0 : i32
    %dma_wait3A_55 = arith.constant 0 : i32
    %dma_wait3A_56 = tpu.memref_slice %arg3[%dma_wait3A_54, %dma_wait3A_55] : memref<4096x128xi32, #tpu.memory_space<hbm>> -> memref<4096x128xi32, #tpu.memory_space<hbm>>
    tpu.wait_indirect_dma semaphore(%arg7 : memref<!tpu.dma_semaphore, #tpu.memory_space<semaphore_mem>>) src(%dma_wait3A_56 : memref<4096x128xi32, #tpu.memory_space<hbm>>) dst(%arg6 : memref<128x128xi32, #tpu.memory_space<vmem>>)
    "tpu.region"() ({
      %run_scoped3A = tpu.sem_alloc : memref<!tpu.dma_semaphore, #tpu.memory_space<semaphore_mem>>
      %dma_start3A_65 = arith.constant 0 : i32
      %dma_start3A_66 = tpu.memref_slice %arg4[%add3A_50, %dma_start3A_65] : memref<32768x128xi32, #tpu.memory_space<hbm>> -> memref<128x128xi32, #tpu.memory_space<hbm>>
      %dma_start3A_67 = arith.constant 0 : i32
      %dma_start3A_68 = tpu.memref_slice %arg4[%add3A_50, %dma_start3A_67] : memref<32768x128xi32, #tpu.memory_space<hbm>> -> memref<128x128xi32, #tpu.memory_space<hbm>>
      tpu.enqueue_dma source(%arg6 : memref<128x128xi32, #tpu.memory_space<vmem>>) target(%dma_start3A_68 : memref<128x128xi32, #tpu.memory_space<hbm>>) target_semaphore(%run_scoped3A : memref<!tpu.dma_semaphore, #tpu.memory_space<semaphore_mem>>)
      %dma_wait3A_69 = arith.constant 0 : i32
      %dma_wait3A_70 = tpu.memref_slice %arg4[%add3A_50, %dma_wait3A_69] : memref<32768x128xi32, #tpu.memory_space<hbm>> -> memref<128x128xi32, #tpu.memory_space<hbm>>
      %dma_wait3A_71 = arith.constant 0 : i32
      %dma_wait3A_72 = tpu.memref_slice %arg4[%add3A_50, %dma_wait3A_71] : memref<32768x128xi32, #tpu.memory_space<hbm>> -> memref<128x128xi32, #tpu.memory_space<hbm>>
      tpu.wait_dma2 semaphore(%run_scoped3A : memref<!tpu.dma_semaphore, #tpu.memory_space<semaphore_mem>>) src(%arg6 : memref<128x128xi32, #tpu.memory_space<vmem>>) dst(%dma_wait3A_72 : memref<128x128xi32, #tpu.memory_space<hbm>>)
      tpu.yield
    }) : () -> ()
    %add3A_57 = arith.constant 896 : i32
    %add3A_58 = arith.addi %mul3A_2, %add3A_57 : i32
    "tpu.region"() ({
      %run_scoped3A = tpu.sem_alloc : memref<!tpu.dma_semaphore, #tpu.memory_space<semaphore_mem>>
      %dma_start3A_65 = tpu.memref_slice %arg2[%add3A_58] : memref<32768xi32, #tpu.memory_space<hbm>> -> memref<128xi32, #tpu.memory_space<hbm>>
      %dma_start3A_66 = tpu.memref_slice %arg2[%add3A_58] : memref<32768xi32, #tpu.memory_space<hbm>> -> memref<128xi32, #tpu.memory_space<hbm>>
      tpu.enqueue_dma source(%dma_start3A_66 : memref<128xi32, #tpu.memory_space<hbm>>) target(%arg5 : memref<128xi32, #tpu.memory_space<vmem>>) target_semaphore(%run_scoped3A : memref<!tpu.dma_semaphore, #tpu.memory_space<semaphore_mem>>)
      %dma_wait3A_67 = tpu.memref_slice %arg2[%add3A_58] : memref<32768xi32, #tpu.memory_space<hbm>> -> memref<128xi32, #tpu.memory_space<hbm>>
      %dma_wait3A_68 = tpu.memref_slice %arg2[%add3A_58] : memref<32768xi32, #tpu.memory_space<hbm>> -> memref<128xi32, #tpu.memory_space<hbm>>
      tpu.wait_dma2 semaphore(%run_scoped3A : memref<!tpu.dma_semaphore, #tpu.memory_space<semaphore_mem>>) src(%dma_wait3A_68 : memref<128xi32, #tpu.memory_space<hbm>>) dst(%arg5 : memref<128xi32, #tpu.memory_space<vmem>>)
      tpu.yield
    }) : () -> ()
    %dma_start3A_59 = arith.constant 0 : i32
    %dma_start3A_60 = arith.constant 0 : i32
    %dma_start3A_61 = tpu.memref_slice %arg3[%dma_start3A_59, %dma_start3A_60] : memref<4096x128xi32, #tpu.memory_space<hbm>> -> memref<4096x128xi32, #tpu.memory_space<hbm>>
    tpu.enqueue_indirect_dma source(%dma_start3A_61 : memref<4096x128xi32, #tpu.memory_space<hbm>>) target(%arg6 : memref<128x128xi32, #tpu.memory_space<vmem>>) offsets(%arg5 : memref<128xi32, #tpu.memory_space<vmem>>) semaphore(%arg7 : memref<!tpu.dma_semaphore, #tpu.memory_space<semaphore_mem>>)
    %dma_wait3A_62 = arith.constant 0 : i32
    %dma_wait3A_63 = arith.constant 0 : i32
    %dma_wait3A_64 = tpu.memref_slice %arg3[%dma_wait3A_62, %dma_wait3A_63] : memref<4096x128xi32, #tpu.memory_space<hbm>> -> memref<4096x128xi32, #tpu.memory_space<hbm>>
    tpu.wait_indirect_dma semaphore(%arg7 : memref<!tpu.dma_semaphore, #tpu.memory_space<semaphore_mem>>) src(%dma_wait3A_64 : memref<4096x128xi32, #tpu.memory_space<hbm>>) dst(%arg6 : memref<128x128xi32, #tpu.memory_space<vmem>>)
    "tpu.region"() ({
      %run_scoped3A = tpu.sem_alloc : memref<!tpu.dma_semaphore, #tpu.memory_space<semaphore_mem>>
      %dma_start3A_65 = arith.constant 0 : i32
      %dma_start3A_66 = tpu.memref_slice %arg4[%add3A_58, %dma_start3A_65] : memref<32768x128xi32, #tpu.memory_space<hbm>> -> memref<128x128xi32, #tpu.memory_space<hbm>>
      %dma_start3A_67 = arith.constant 0 : i32
      %dma_start3A_68 = tpu.memref_slice %arg4[%add3A_58, %dma_start3A_67] : memref<32768x128xi32, #tpu.memory_space<hbm>> -> memref<128x128xi32, #tpu.memory_space<hbm>>
      tpu.enqueue_dma source(%arg6 : memref<128x128xi32, #tpu.memory_space<vmem>>) target(%dma_start3A_68 : memref<128x128xi32, #tpu.memory_space<hbm>>) target_semaphore(%run_scoped3A : memref<!tpu.dma_semaphore, #tpu.memory_space<semaphore_mem>>)
      %dma_wait3A_69 = arith.constant 0 : i32
      %dma_wait3A_70 = tpu.memref_slice %arg4[%add3A_58, %dma_wait3A_69] : memref<32768x128xi32, #tpu.memory_space<hbm>> -> memref<128x128xi32, #tpu.memory_space<hbm>>
      %dma_wait3A_71 = arith.constant 0 : i32
      %dma_wait3A_72 = tpu.memref_slice %arg4[%add3A_58, %dma_wait3A_71] : memref<32768x128xi32, #tpu.memory_space<hbm>> -> memref<128x128xi32, #tpu.memory_space<hbm>>
      tpu.wait_dma2 semaphore(%run_scoped3A : memref<!tpu.dma_semaphore, #tpu.memory_space<semaphore_mem>>) src(%arg6 : memref<128x128xi32, #tpu.memory_space<vmem>>) dst(%dma_wait3A_72 : memref<128x128xi32, #tpu.memory_space<hbm>>)
      tpu.yield
    }) : () -> ()
    return
  }
}

#map = affine_map<(d0, d1) -> (0)>
#map1 = affine_map<(d0, d1) -> (0, 0)>
module attributes {stable_mosaic.version = 14 : i64} {
  func.func @sc_gather(%arg0: i32, %arg1: i32, %arg2: memref<32768xi32, #tpu.memory_space<hbm>>, %arg3: memref<4096x128xi32, #tpu.memory_space<hbm>>, %arg4: memref<32768x128xi32, #tpu.memory_space<hbm>>, %arg5: memref<128xi32, #tpu.memory_space<vmem>>, %arg6: memref<128x128xi32, #tpu.memory_space<vmem>>, %arg7: memref<!tpu.dma_semaphore, #tpu.memory_space<semaphore_mem>>) attributes {dimension_semantics = [#tpu.dimension_semantics<core_parallel>, #tpu.dimension_semantics<subcore_parallel>], iteration_bounds = array<i64: 2, 16>, scalar_prefetch = 0 : i64, scratch_operands = 3 : i64, tpu.core_type = #tpu.core_type<sc_vector_subcore>, window_params = [{transform_indices = #map}, {transform_indices = #map1}, {transform_indices = #map1}]} {
    %mul3A = arith.constant 2 : i32
    %mul3A_0 = arith.muli %arg1, %mul3A : i32
    %add3A = arith.addi %mul3A_0, %arg0 : i32
    %mul3A_1 = arith.constant 1024 : i32
    %mul3A_2 = arith.muli %add3A, %mul3A_1 : i32
    %add3A_3 = arith.constant 0 : i32
    %add3A_4 = arith.addi %mul3A_2, %add3A_3 : i32
    "tpu.region"() ({
      %run_scoped3A = tpu.sem_alloc : memref<!tpu.dma_semaphore, #tpu.memory_space<semaphore_mem>>
      %dma_start3A_65 = tpu.memref_slice %arg2[%add3A_4] : memref<32768xi32, #tpu.memory_space<hbm>> -> memref<128xi32, #tpu.memory_space<hbm>>
      %dma_start3A_66 = tpu.memref_slice %arg2[%add3A_4] : memref<32768xi32, #tpu.memory_space<hbm>> -> memref<128xi32, #tpu.memory_space<hbm>>
      tpu.enqueue_dma source(%dma_start3A_66 : memref<128xi32, #tpu.memory_space<hbm>>) target(%arg5 : memref<128xi32, #tpu.memory_space<vmem>>) target_semaphore(%run_scoped3A : memref<!tpu.dma_semaphore, #tpu.memory_space<semaphore_mem>>)
      %dma_wait3A_67 = tpu.memref_slice %arg2[%add3A_4] : memref<32768xi32, #tpu.memory_space<hbm>> -> memref<128xi32, #tpu.memory_space<hbm>>
      %dma_wait3A_68 = tpu.memref_slice %arg2[%add3A_4] : memref<32768xi32, #tpu.memory_space<hbm>> -> memref<128xi32, #tpu.memory_space<hbm>>
      tpu.wait_dma2 semaphore(%run_scoped3A : memref<!tpu.dma_semaphore, #tpu.memory_space<semaphore_mem>>) src(%dma_wait3A_68 : memref<128xi32, #tpu.memory_space<hbm>>) dst(%arg5 : memref<128xi32, #tpu.memory_space<vmem>>)
      tpu.yield
    }) : () -> ()
    %dma_start3A = arith.constant 0 : i32
    %dma_start3A_5 = arith.constant 0 : i32
    %dma_start3A_6 = tpu.memref_slice %arg3[%dma_start3A, %dma_start3A_5] : memref<4096x128xi32, #tpu.memory_space<hbm>> -> memref<4096x128xi32, #tpu.memory_space<hbm>>
    tpu.enqueue_indirect_dma source(%dma_start3A_6 : memref<4096x128xi32, #tpu.memory_space<hbm>>) target(%arg6 : memref<128x128xi32, #tpu.memory_space<vmem>>) offsets(%arg5 : memref<128xi32, #tpu.memory_space<vmem>>) semaphore(%arg7 : memref<!tpu.dma_semaphore, #tpu.memory_space<semaphore_mem>>)
    %dma_wait3A = arith.constant 0 : i32
    %dma_wait3A_7 = arith.constant 0 : i32
    %dma_wait3A_8 = tpu.memref_slice %arg3[%dma_wait3A, %dma_wait3A_7] : memref<4096x128xi32, #tpu.memory_space<hbm>> -> memref<4096x128xi32, #tpu.memory_space<hbm>>
    tpu.wait_indirect_dma semaphore(%arg7 : memref<!tpu.dma_semaphore, #tpu.memory_space<semaphore_mem>>) src(%dma_wait3A_8 : memref<4096x128xi32, #tpu.memory_space<hbm>>) dst(%arg6 : memref<128x128xi32, #tpu.memory_space<vmem>>)
    "tpu.region"() ({
      %run_scoped3A = tpu.sem_alloc : memref<!tpu.dma_semaphore, #tpu.memory_space<semaphore_mem>>
      %dma_start3A_65 = arith.constant 0 : i32
      %dma_start3A_66 = tpu.memref_slice %arg4[%add3A_4, %dma_start3A_65] : memref<32768x128xi32, #tpu.memory_space<hbm>> -> memref<128x128xi32, #tpu.memory_space<hbm>>
      %dma_start3A_67 = arith.constant 0 : i32
      %dma_start3A_68 = tpu.memref_slice %arg4[%add3A_4, %dma_start3A_67] : memref<32768x128xi32, #tpu.memory_space<hbm>> -> memref<128x128xi32, #tpu.memory_space<hbm>>
      tpu.enqueue_dma source(%arg6 : memref<128x128xi32, #tpu.memory_space<vmem>>) target(%dma_start3A_68 : memref<128x128xi32, #tpu.memory_space<hbm>>) target_semaphore(%run_scoped3A : memref<!tpu.dma_semaphore, #tpu.memory_space<semaphore_mem>>)
      %dma_wait3A_69 = arith.constant 0 : i32
      %dma_wait3A_70 = tpu.memref_slice %arg4[%add3A_4, %dma_wait3A_69] : memref<32768x128xi32, #tpu.memory_space<hbm>> -> memref<128x128xi32, #tpu.memory_space<hbm>>
      %dma_wait3A_71 = arith.constant 0 : i32
      %dma_wait3A_72 = tpu.memref_slice %arg4[%add3A_4, %dma_wait3A_71] : memref<32768x128xi32, #tpu.memory_space<hbm>> -> memref<128x128xi32, #tpu.memory_space<hbm>>
      tpu.wait_dma2 semaphore(%run_scoped3A : memref<!tpu.dma_semaphore, #tpu.memory_space<semaphore_mem>>) src(%arg6 : memref<128x128xi32, #tpu.memory_space<vmem>>) dst(%dma_wait3A_72 : memref<128x128xi32, #tpu.memory_space<hbm>>)
      tpu.yield
    }) : () -> ()
    %add3A_9 = arith.constant 128 : i32
    %add3A_10 = arith.addi %mul3A_2, %add3A_9 : i32
    "tpu.region"() ({
      %run_scoped3A = tpu.sem_alloc : memref<!tpu.dma_semaphore, #tpu.memory_space<semaphore_mem>>
      %dma_start3A_65 = tpu.memref_slice %arg2[%add3A_10] : memref<32768xi32, #tpu.memory_space<hbm>> -> memref<128xi32, #tpu.memory_space<hbm>>
      %dma_start3A_66 = tpu.memref_slice %arg2[%add3A_10] : memref<32768xi32, #tpu.memory_space<hbm>> -> memref<128xi32, #tpu.memory_space<hbm>>
      tpu.enqueue_dma source(%dma_start3A_66 : memref<128xi32, #tpu.memory_space<hbm>>) target(%arg5 : memref<128xi32, #tpu.memory_space<vmem>>) target_semaphore(%run_scoped3A : memref<!tpu.dma_semaphore, #tpu.memory_space<semaphore_mem>>)
      %dma_wait3A_67 = tpu.memref_slice %arg2[%add3A_10] : memref<32768xi32, #tpu.memory_space<hbm>> -> memref<128xi32, #tpu.memory_space<hbm>>
      %dma_wait3A_68 = tpu.memref_slice %arg2[%add3A_10] : memref<32768xi32, #tpu.memory_space<hbm>> -> memref<128xi32, #tpu.memory_space<hbm>>
      tpu.wait_dma2 semaphore(%run_scoped3A : memref<!tpu.dma_semaphore, #tpu.memory_space<semaphore_mem>>) src(%dma_wait3A_68 : memref<128xi32, #tpu.memory_space<hbm>>) dst(%arg5 : memref<128xi32, #tpu.memory_space<vmem>>)
      tpu.yield
    }) : () -> ()
    %dma_start3A_11 = arith.constant 0 : i32
    %dma_start3A_12 = arith.constant 0 : i32
    %dma_start3A_13 = tpu.memref_slice %arg3[%dma_start3A_11, %dma_start3A_12] : memref<4096x128xi32, #tpu.memory_space<hbm>> -> memref<4096x128xi32, #tpu.memory_space<hbm>>
    tpu.enqueue_indirect_dma source(%dma_start3A_13 : memref<4096x128xi32, #tpu.memory_space<hbm>>) target(%arg6 : memref<128x128xi32, #tpu.memory_space<vmem>>) offsets(%arg5 : memref<128xi32, #tpu.memory_space<vmem>>) semaphore(%arg7 : memref<!tpu.dma_semaphore, #tpu.memory_space<semaphore_mem>>)
    %dma_wait3A_14 = arith.constant 0 : i32
    %dma_wait3A_15 = arith.constant 0 : i32
    %dma_wait3A_16 = tpu.memref_slice %arg3[%dma_wait3A_14, %dma_wait3A_15] : memref<4096x128xi32, #tpu.memory_space<hbm>> -> memref<4096x128xi32, #tpu.memory_space<hbm>>
    tpu.wait_indirect_dma semaphore(%arg7 : memref<!tpu.dma_semaphore, #tpu.memory_space<semaphore_mem>>) src(%dma_wait3A_16 : memref<4096x128xi32, #tpu.memory_space<hbm>>) dst(%arg6 : memref<128x128xi32, #tpu.memory_space<vmem>>)
    "tpu.region"() ({
      %run_scoped3A = tpu.sem_alloc : memref<!tpu.dma_semaphore, #tpu.memory_space<semaphore_mem>>
      %dma_start3A_65 = arith.constant 0 : i32
      %dma_start3A_66 = tpu.memref_slice %arg4[%add3A_10, %dma_start3A_65] : memref<32768x128xi32, #tpu.memory_space<hbm>> -> memref<128x128xi32, #tpu.memory_space<hbm>>
      %dma_start3A_67 = arith.constant 0 : i32
      %dma_start3A_68 = tpu.memref_slice %arg4[%add3A_10, %dma_start3A_67] : memref<32768x128xi32, #tpu.memory_space<hbm>> -> memref<128x128xi32, #tpu.memory_space<hbm>>
      tpu.enqueue_dma source(%arg6 : memref<128x128xi32, #tpu.memory_space<vmem>>) target(%dma_start3A_68 : memref<128x128xi32, #tpu.memory_space<hbm>>) target_semaphore(%run_scoped3A : memref<!tpu.dma_semaphore, #tpu.memory_space<semaphore_mem>>)
      %dma_wait3A_69 = arith.constant 0 : i32
      %dma_wait3A_70 = tpu.memref_slice %arg4[%add3A_10, %dma_wait3A_69] : memref<32768x128xi32, #tpu.memory_space<hbm>> -> memref<128x128xi32, #tpu.memory_space<hbm>>
      %dma_wait3A_71 = arith.constant 0 : i32
      %dma_wait3A_72 = tpu.memref_slice %arg4[%add3A_10, %dma_wait3A_71] : memref<32768x128xi32, #tpu.memory_space<hbm>> -> memref<128x128xi32, #tpu.memory_space<hbm>>
      tpu.wait_dma2 semaphore(%run_scoped3A : memref<!tpu.dma_semaphore, #tpu.memory_space<semaphore_mem>>) src(%arg6 : memref<128x128xi32, #tpu.memory_space<vmem>>) dst(%dma_wait3A_72 : memref<128x128xi32, #tpu.memory_space<hbm>>)
      tpu.yield
    }) : () -> ()
    %add3A_17 = arith.constant 256 : i32
    %add3A_18 = arith.addi %mul3A_2, %add3A_17 : i32
    "tpu.region"() ({
      %run_scoped3A = tpu.sem_alloc : memref<!tpu.dma_semaphore, #tpu.memory_space<semaphore_mem>>
      %dma_start3A_65 = tpu.memref_slice %arg2[%add3A_18] : memref<32768xi32, #tpu.memory_space<hbm>> -> memref<128xi32, #tpu.memory_space<hbm>>
      %dma_start3A_66 = tpu.memref_slice %arg2[%add3A_18] : memref<32768xi32, #tpu.memory_space<hbm>> -> memref<128xi32, #tpu.memory_space<hbm>>
      tpu.enqueue_dma source(%dma_start3A_66 : memref<128xi32, #tpu.memory_space<hbm>>) target(%arg5 : memref<128xi32, #tpu.memory_space<vmem>>) target_semaphore(%run_scoped3A : memref<!tpu.dma_semaphore, #tpu.memory_space<semaphore_mem>>)
      %dma_wait3A_67 = tpu.memref_slice %arg2[%add3A_18] : memref<32768xi32, #tpu.memory_space<hbm>> -> memref<128xi32, #tpu.memory_space<hbm>>
      %dma_wait3A_68 = tpu.memref_slice %arg2[%add3A_18] : memref<32768xi32, #tpu.memory_space<hbm>> -> memref<128xi32, #tpu.memory_space<hbm>>
      tpu.wait_dma2 semaphore(%run_scoped3A : memref<!tpu.dma_semaphore, #tpu.memory_space<semaphore_mem>>) src(%dma_wait3A_68 : memref<128xi32, #tpu.memory_space<hbm>>) dst(%arg5 : memref<128xi32, #tpu.memory_space<vmem>>)
      tpu.yield
    }) : () -> ()
    %dma_start3A_19 = arith.constant 0 : i32
    %dma_start3A_20 = arith.constant 0 : i32
    %dma_start3A_21 = tpu.memref_slice %arg3[%dma_start3A_19, %dma_start3A_20] : memref<4096x128xi32, #tpu.memory_space<hbm>> -> memref<4096x128xi32, #tpu.memory_space<hbm>>
    tpu.enqueue_indirect_dma source(%dma_start3A_21 : memref<4096x128xi32, #tpu.memory_space<hbm>>) target(%arg6 : memref<128x128xi32, #tpu.memory_space<vmem>>) offsets(%arg5 : memref<128xi32, #tpu.memory_space<vmem>>) semaphore(%arg7 : memref<!tpu.dma_semaphore, #tpu.memory_space<semaphore_mem>>)
    %dma_wait3A_22 = arith.constant 0 : i32
    %dma_wait3A_23 = arith.constant 0 : i32
    %dma_wait3A_24 = tpu.memref_slice %arg3[%dma_wait3A_22, %dma_wait3A_23] : memref<4096x128xi32, #tpu.memory_space<hbm>> -> memref<4096x128xi32, #tpu.memory_space<hbm>>
    tpu.wait_indirect_dma semaphore(%arg7 : memref<!tpu.dma_semaphore, #tpu.memory_space<semaphore_mem>>) src(%dma_wait3A_24 : memref<4096x128xi32, #tpu.memory_space<hbm>>) dst(%arg6 : memref<128x128xi32, #tpu.memory_space<vmem>>)
    "tpu.region"() ({
      %run_scoped3A = tpu.sem_alloc : memref<!tpu.dma_semaphore, #tpu.memory_space<semaphore_mem>>
      %dma_start3A_65 = arith.constant 0 : i32
      %dma_start3A_66 = tpu.memref_slice %arg4[%add3A_18, %dma_start3A_65] : memref<32768x128xi32, #tpu.memory_space<hbm>> -> memref<128x128xi32, #tpu.memory_space<hbm>>
      %dma_start3A_67 = arith.constant 0 : i32
      %dma_start3A_68 = tpu.memref_slice %arg4[%add3A_18, %dma_start3A_67] : memref<32768x128xi32, #tpu.memory_space<hbm>> -> memref<128x128xi32, #tpu.memory_space<hbm>>
      tpu.enqueue_dma source(%arg6 : memref<128x128xi32, #tpu.memory_space<vmem>>) target(%dma_start3A_68 : memref<128x128xi32, #tpu.memory_space<hbm>>) target_semaphore(%run_scoped3A : memref<!tpu.dma_semaphore, #tpu.memory_space<semaphore_mem>>)
      %dma_wait3A_69 = arith.constant 0 : i32
      %dma_wait3A_70 = tpu.memref_slice %arg4[%add3A_18, %dma_wait3A_69] : memref<32768x128xi32, #tpu.memory_space<hbm>> -> memref<128x128xi32, #tpu.memory_space<hbm>>
      %dma_wait3A_71 = arith.constant 0 : i32
      %dma_wait3A_72 = tpu.memref_slice %arg4[%add3A_18, %dma_wait3A_71] : memref<32768x128xi32, #tpu.memory_space<hbm>> -> memref<128x128xi32, #tpu.memory_space<hbm>>
      tpu.wait_dma2 semaphore(%run_scoped3A : memref<!tpu.dma_semaphore, #tpu.memory_space<semaphore_mem>>) src(%arg6 : memref<128x128xi32, #tpu.memory_space<vmem>>) dst(%dma_wait3A_72 : memref<128x128xi32, #tpu.memory_space<hbm>>)
      tpu.yield
    }) : () -> ()
    %add3A_25 = arith.constant 384 : i32
    %add3A_26 = arith.addi %mul3A_2, %add3A_25 : i32
    "tpu.region"() ({
      %run_scoped3A = tpu.sem_alloc : memref<!tpu.dma_semaphore, #tpu.memory_space<semaphore_mem>>
      %dma_start3A_65 = tpu.memref_slice %arg2[%add3A_26] : memref<32768xi32, #tpu.memory_space<hbm>> -> memref<128xi32, #tpu.memory_space<hbm>>
      %dma_start3A_66 = tpu.memref_slice %arg2[%add3A_26] : memref<32768xi32, #tpu.memory_space<hbm>> -> memref<128xi32, #tpu.memory_space<hbm>>
      tpu.enqueue_dma source(%dma_start3A_66 : memref<128xi32, #tpu.memory_space<hbm>>) target(%arg5 : memref<128xi32, #tpu.memory_space<vmem>>) target_semaphore(%run_scoped3A : memref<!tpu.dma_semaphore, #tpu.memory_space<semaphore_mem>>)
      %dma_wait3A_67 = tpu.memref_slice %arg2[%add3A_26] : memref<32768xi32, #tpu.memory_space<hbm>> -> memref<128xi32, #tpu.memory_space<hbm>>
      %dma_wait3A_68 = tpu.memref_slice %arg2[%add3A_26] : memref<32768xi32, #tpu.memory_space<hbm>> -> memref<128xi32, #tpu.memory_space<hbm>>
      tpu.wait_dma2 semaphore(%run_scoped3A : memref<!tpu.dma_semaphore, #tpu.memory_space<semaphore_mem>>) src(%dma_wait3A_68 : memref<128xi32, #tpu.memory_space<hbm>>) dst(%arg5 : memref<128xi32, #tpu.memory_space<vmem>>)
      tpu.yield
    }) : () -> ()
    %dma_start3A_27 = arith.constant 0 : i32
    %dma_start3A_28 = arith.constant 0 : i32
    %dma_start3A_29 = tpu.memref_slice %arg3[%dma_start3A_27, %dma_start3A_28] : memref<4096x128xi32, #tpu.memory_space<hbm>> -> memref<4096x128xi32, #tpu.memory_space<hbm>>
    tpu.enqueue_indirect_dma source(%dma_start3A_29 : memref<4096x128xi32, #tpu.memory_space<hbm>>) target(%arg6 : memref<128x128xi32, #tpu.memory_space<vmem>>) offsets(%arg5 : memref<128xi32, #tpu.memory_space<vmem>>) semaphore(%arg7 : memref<!tpu.dma_semaphore, #tpu.memory_space<semaphore_mem>>)
    %dma_wait3A_30 = arith.constant 0 : i32
    %dma_wait3A_31 = arith.constant 0 : i32
    %dma_wait3A_32 = tpu.memref_slice %arg3[%dma_wait3A_30, %dma_wait3A_31] : memref<4096x128xi32, #tpu.memory_space<hbm>> -> memref<4096x128xi32, #tpu.memory_space<hbm>>
    tpu.wait_indirect_dma semaphore(%arg7 : memref<!tpu.dma_semaphore, #tpu.memory_space<semaphore_mem>>) src(%dma_wait3A_32 : memref<4096x128xi32, #tpu.memory_space<hbm>>) dst(%arg6 : memref<128x128xi32, #tpu.memory_space<vmem>>)
    "tpu.region"() ({
      %run_scoped3A = tpu.sem_alloc : memref<!tpu.dma_semaphore, #tpu.memory_space<semaphore_mem>>
      %dma_start3A_65 = arith.constant 0 : i32
      %dma_start3A_66 = tpu.memref_slice %arg4[%add3A_26, %dma_start3A_65] : memref<32768x128xi32, #tpu.memory_space<hbm>> -> memref<128x128xi32, #tpu.memory_space<hbm>>
      %dma_start3A_67 = arith.constant 0 : i32
      %dma_start3A_68 = tpu.memref_slice %arg4[%add3A_26, %dma_start3A_67] : memref<32768x128xi32, #tpu.memory_space<hbm>> -> memref<128x128xi32, #tpu.memory_space<hbm>>
      tpu.enqueue_dma source(%arg6 : memref<128x128xi32, #tpu.memory_space<vmem>>) target(%dma_start3A_68 : memref<128x128xi32, #tpu.memory_space<hbm>>) target_semaphore(%run_scoped3A : memref<!tpu.dma_semaphore, #tpu.memory_space<semaphore_mem>>)
      %dma_wait3A_69 = arith.constant 0 : i32
      %dma_wait3A_70 = tpu.memref_slice %arg4[%add3A_26, %dma_wait3A_69] : memref<32768x128xi32, #tpu.memory_space<hbm>> -> memref<128x128xi32, #tpu.memory_space<hbm>>
      %dma_wait3A_71 = arith.constant 0 : i32
      %dma_wait3A_72 = tpu.memref_slice %arg4[%add3A_26, %dma_wait3A_71] : memref<32768x128xi32, #tpu.memory_space<hbm>> -> memref<128x128xi32, #tpu.memory_space<hbm>>
      tpu.wait_dma2 semaphore(%run_scoped3A : memref<!tpu.dma_semaphore, #tpu.memory_space<semaphore_mem>>) src(%arg6 : memref<128x128xi32, #tpu.memory_space<vmem>>) dst(%dma_wait3A_72 : memref<128x128xi32, #tpu.memory_space<hbm>>)
      tpu.yield
    }) : () -> ()
    %add3A_33 = arith.constant 512 : i32
    %add3A_34 = arith.addi %mul3A_2, %add3A_33 : i32
    "tpu.region"() ({
      %run_scoped3A = tpu.sem_alloc : memref<!tpu.dma_semaphore, #tpu.memory_space<semaphore_mem>>
      %dma_start3A_65 = tpu.memref_slice %arg2[%add3A_34] : memref<32768xi32, #tpu.memory_space<hbm>> -> memref<128xi32, #tpu.memory_space<hbm>>
      %dma_start3A_66 = tpu.memref_slice %arg2[%add3A_34] : memref<32768xi32, #tpu.memory_space<hbm>> -> memref<128xi32, #tpu.memory_space<hbm>>
      tpu.enqueue_dma source(%dma_start3A_66 : memref<128xi32, #tpu.memory_space<hbm>>) target(%arg5 : memref<128xi32, #tpu.memory_space<vmem>>) target_semaphore(%run_scoped3A : memref<!tpu.dma_semaphore, #tpu.memory_space<semaphore_mem>>)
      %dma_wait3A_67 = tpu.memref_slice %arg2[%add3A_34] : memref<32768xi32, #tpu.memory_space<hbm>> -> memref<128xi32, #tpu.memory_space<hbm>>
      %dma_wait3A_68 = tpu.memref_slice %arg2[%add3A_34] : memref<32768xi32, #tpu.memory_space<hbm>> -> memref<128xi32, #tpu.memory_space<hbm>>
      tpu.wait_dma2 semaphore(%run_scoped3A : memref<!tpu.dma_semaphore, #tpu.memory_space<semaphore_mem>>) src(%dma_wait3A_68 : memref<128xi32, #tpu.memory_space<hbm>>) dst(%arg5 : memref<128xi32, #tpu.memory_space<vmem>>)
      tpu.yield
    }) : () -> ()
    %dma_start3A_35 = arith.constant 0 : i32
    %dma_start3A_36 = arith.constant 0 : i32
    %dma_start3A_37 = tpu.memref_slice %arg3[%dma_start3A_35, %dma_start3A_36] : memref<4096x128xi32, #tpu.memory_space<hbm>> -> memref<4096x128xi32, #tpu.memory_space<hbm>>
    tpu.enqueue_indirect_dma source(%dma_start3A_37 : memref<4096x128xi32, #tpu.memory_space<hbm>>) target(%arg6 : memref<128x128xi32, #tpu.memory_space<vmem>>) offsets(%arg5 : memref<128xi32, #tpu.memory_space<vmem>>) semaphore(%arg7 : memref<!tpu.dma_semaphore, #tpu.memory_space<semaphore_mem>>)
    %dma_wait3A_38 = arith.constant 0 : i32
    %dma_wait3A_39 = arith.constant 0 : i32
    %dma_wait3A_40 = tpu.memref_slice %arg3[%dma_wait3A_38, %dma_wait3A_39] : memref<4096x128xi32, #tpu.memory_space<hbm>> -> memref<4096x128xi32, #tpu.memory_space<hbm>>
    tpu.wait_indirect_dma semaphore(%arg7 : memref<!tpu.dma_semaphore, #tpu.memory_space<semaphore_mem>>) src(%dma_wait3A_40 : memref<4096x128xi32, #tpu.memory_space<hbm>>) dst(%arg6 : memref<128x128xi32, #tpu.memory_space<vmem>>)
    "tpu.region"() ({
      %run_scoped3A = tpu.sem_alloc : memref<!tpu.dma_semaphore, #tpu.memory_space<semaphore_mem>>
      %dma_start3A_65 = arith.constant 0 : i32
      %dma_start3A_66 = tpu.memref_slice %arg4[%add3A_34, %dma_start3A_65] : memref<32768x128xi32, #tpu.memory_space<hbm>> -> memref<128x128xi32, #tpu.memory_space<hbm>>
      %dma_start3A_67 = arith.constant 0 : i32
      %dma_start3A_68 = tpu.memref_slice %arg4[%add3A_34, %dma_start3A_67] : memref<32768x128xi32, #tpu.memory_space<hbm>> -> memref<128x128xi32, #tpu.memory_space<hbm>>
      tpu.enqueue_dma source(%arg6 : memref<128x128xi32, #tpu.memory_space<vmem>>) target(%dma_start3A_68 : memref<128x128xi32, #tpu.memory_space<hbm>>) target_semaphore(%run_scoped3A : memref<!tpu.dma_semaphore, #tpu.memory_space<semaphore_mem>>)
      %dma_wait3A_69 = arith.constant 0 : i32
      %dma_wait3A_70 = tpu.memref_slice %arg4[%add3A_34, %dma_wait3A_69] : memref<32768x128xi32, #tpu.memory_space<hbm>> -> memref<128x128xi32, #tpu.memory_space<hbm>>
      %dma_wait3A_71 = arith.constant 0 : i32
      %dma_wait3A_72 = tpu.memref_slice %arg4[%add3A_34, %dma_wait3A_71] : memref<32768x128xi32, #tpu.memory_space<hbm>> -> memref<128x128xi32, #tpu.memory_space<hbm>>
      tpu.wait_dma2 semaphore(%run_scoped3A : memref<!tpu.dma_semaphore, #tpu.memory_space<semaphore_mem>>) src(%arg6 : memref<128x128xi32, #tpu.memory_space<vmem>>) dst(%dma_wait3A_72 : memref<128x128xi32, #tpu.memory_space<hbm>>)
      tpu.yield
    }) : () -> ()
    %add3A_41 = arith.constant 640 : i32
    %add3A_42 = arith.addi %mul3A_2, %add3A_41 : i32
    "tpu.region"() ({
      %run_scoped3A = tpu.sem_alloc : memref<!tpu.dma_semaphore, #tpu.memory_space<semaphore_mem>>
      %dma_start3A_65 = tpu.memref_slice %arg2[%add3A_42] : memref<32768xi32, #tpu.memory_space<hbm>> -> memref<128xi32, #tpu.memory_space<hbm>>
      %dma_start3A_66 = tpu.memref_slice %arg2[%add3A_42] : memref<32768xi32, #tpu.memory_space<hbm>> -> memref<128xi32, #tpu.memory_space<hbm>>
      tpu.enqueue_dma source(%dma_start3A_66 : memref<128xi32, #tpu.memory_space<hbm>>) target(%arg5 : memref<128xi32, #tpu.memory_space<vmem>>) target_semaphore(%run_scoped3A : memref<!tpu.dma_semaphore, #tpu.memory_space<semaphore_mem>>)
      %dma_wait3A_67 = tpu.memref_slice %arg2[%add3A_42] : memref<32768xi32, #tpu.memory_space<hbm>> -> memref<128xi32, #tpu.memory_space<hbm>>
      %dma_wait3A_68 = tpu.memref_slice %arg2[%add3A_42] : memref<32768xi32, #tpu.memory_space<hbm>> -> memref<128xi32, #tpu.memory_space<hbm>>
      tpu.wait_dma2 semaphore(%run_scoped3A : memref<!tpu.dma_semaphore, #tpu.memory_space<semaphore_mem>>) src(%dma_wait3A_68 : memref<128xi32, #tpu.memory_space<hbm>>) dst(%arg5 : memref<128xi32, #tpu.memory_space<vmem>>)
      tpu.yield
    }) : () -> ()
    %dma_start3A_43 = arith.constant 0 : i32
    %dma_start3A_44 = arith.constant 0 : i32
    %dma_start3A_45 = tpu.memref_slice %arg3[%dma_start3A_43, %dma_start3A_44] : memref<4096x128xi32, #tpu.memory_space<hbm>> -> memref<4096x128xi32, #tpu.memory_space<hbm>>
    tpu.enqueue_indirect_dma source(%dma_start3A_45 : memref<4096x128xi32, #tpu.memory_space<hbm>>) target(%arg6 : memref<128x128xi32, #tpu.memory_space<vmem>>) offsets(%arg5 : memref<128xi32, #tpu.memory_space<vmem>>) semaphore(%arg7 : memref<!tpu.dma_semaphore, #tpu.memory_space<semaphore_mem>>)
    %dma_wait3A_46 = arith.constant 0 : i32
    %dma_wait3A_47 = arith.constant 0 : i32
    %dma_wait3A_48 = tpu.memref_slice %arg3[%dma_wait3A_46, %dma_wait3A_47] : memref<4096x128xi32, #tpu.memory_space<hbm>> -> memref<4096x128xi32, #tpu.memory_space<hbm>>
    tpu.wait_indirect_dma semaphore(%arg7 : memref<!tpu.dma_semaphore, #tpu.memory_space<semaphore_mem>>) src(%dma_wait3A_48 : memref<4096x128xi32, #tpu.memory_space<hbm>>) dst(%arg6 : memref<128x128xi32, #tpu.memory_space<vmem>>)
    "tpu.region"() ({
      %run_scoped3A = tpu.sem_alloc : memref<!tpu.dma_semaphore, #tpu.memory_space<semaphore_mem>>
      %dma_start3A_65 = arith.constant 0 : i32
      %dma_start3A_66 = tpu.memref_slice %arg4[%add3A_42, %dma_start3A_65] : memref<32768x128xi32, #tpu.memory_space<hbm>> -> memref<128x128xi32, #tpu.memory_space<hbm>>
      %dma_start3A_67 = arith.constant 0 : i32
      %dma_start3A_68 = tpu.memref_slice %arg4[%add3A_42, %dma_start3A_67] : memref<32768x128xi32, #tpu.memory_space<hbm>> -> memref<128x128xi32, #tpu.memory_space<hbm>>
      tpu.enqueue_dma source(%arg6 : memref<128x128xi32, #tpu.memory_space<vmem>>) target(%dma_start3A_68 : memref<128x128xi32, #tpu.memory_space<hbm>>) target_semaphore(%run_scoped3A : memref<!tpu.dma_semaphore, #tpu.memory_space<semaphore_mem>>)
      %dma_wait3A_69 = arith.constant 0 : i32
      %dma_wait3A_70 = tpu.memref_slice %arg4[%add3A_42, %dma_wait3A_69] : memref<32768x128xi32, #tpu.memory_space<hbm>> -> memref<128x128xi32, #tpu.memory_space<hbm>>
      %dma_wait3A_71 = arith.constant 0 : i32
      %dma_wait3A_72 = tpu.memref_slice %arg4[%add3A_42, %dma_wait3A_71] : memref<32768x128xi32, #tpu.memory_space<hbm>> -> memref<128x128xi32, #tpu.memory_space<hbm>>
      tpu.wait_dma2 semaphore(%run_scoped3A : memref<!tpu.dma_semaphore, #tpu.memory_space<semaphore_mem>>) src(%arg6 : memref<128x128xi32, #tpu.memory_space<vmem>>) dst(%dma_wait3A_72 : memref<128x128xi32, #tpu.memory_space<hbm>>)
      tpu.yield
    }) : () -> ()
    %add3A_49 = arith.constant 768 : i32
    %add3A_50 = arith.addi %mul3A_2, %add3A_49 : i32
    "tpu.region"() ({
      %run_scoped3A = tpu.sem_alloc : memref<!tpu.dma_semaphore, #tpu.memory_space<semaphore_mem>>
      %dma_start3A_65 = tpu.memref_slice %arg2[%add3A_50] : memref<32768xi32, #tpu.memory_space<hbm>> -> memref<128xi32, #tpu.memory_space<hbm>>
      %dma_start3A_66 = tpu.memref_slice %arg2[%add3A_50] : memref<32768xi32, #tpu.memory_space<hbm>> -> memref<128xi32, #tpu.memory_space<hbm>>
      tpu.enqueue_dma source(%dma_start3A_66 : memref<128xi32, #tpu.memory_space<hbm>>) target(%arg5 : memref<128xi32, #tpu.memory_space<vmem>>) target_semaphore(%run_scoped3A : memref<!tpu.dma_semaphore, #tpu.memory_space<semaphore_mem>>)
      %dma_wait3A_67 = tpu.memref_slice %arg2[%add3A_50] : memref<32768xi32, #tpu.memory_space<hbm>> -> memref<128xi32, #tpu.memory_space<hbm>>
      %dma_wait3A_68 = tpu.memref_slice %arg2[%add3A_50] : memref<32768xi32, #tpu.memory_space<hbm>> -> memref<128xi32, #tpu.memory_space<hbm>>
      tpu.wait_dma2 semaphore(%run_scoped3A : memref<!tpu.dma_semaphore, #tpu.memory_space<semaphore_mem>>) src(%dma_wait3A_68 : memref<128xi32, #tpu.memory_space<hbm>>) dst(%arg5 : memref<128xi32, #tpu.memory_space<vmem>>)
      tpu.yield
    }) : () -> ()
    %dma_start3A_51 = arith.constant 0 : i32
    %dma_start3A_52 = arith.constant 0 : i32
    %dma_start3A_53 = tpu.memref_slice %arg3[%dma_start3A_51, %dma_start3A_52] : memref<4096x128xi32, #tpu.memory_space<hbm>> -> memref<4096x128xi32, #tpu.memory_space<hbm>>
    tpu.enqueue_indirect_dma source(%dma_start3A_53 : memref<4096x128xi32, #tpu.memory_space<hbm>>) target(%arg6 : memref<128x128xi32, #tpu.memory_space<vmem>>) offsets(%arg5 : memref<128xi32, #tpu.memory_space<vmem>>) semaphore(%arg7 : memref<!tpu.dma_semaphore, #tpu.memory_space<semaphore_mem>>)
    %dma_wait3A_54 = arith.constant 0 : i32
    %dma_wait3A_55 = arith.constant 0 : i32
    %dma_wait3A_56 = tpu.memref_slice %arg3[%dma_wait3A_54, %dma_wait3A_55] : memref<4096x128xi32, #tpu.memory_space<hbm>> -> memref<4096x128xi32, #tpu.memory_space<hbm>>
    tpu.wait_indirect_dma semaphore(%arg7 : memref<!tpu.dma_semaphore, #tpu.memory_space<semaphore_mem>>) src(%dma_wait3A_56 : memref<4096x128xi32, #tpu.memory_space<hbm>>) dst(%arg6 : memref<128x128xi32, #tpu.memory_space<vmem>>)
    "tpu.region"() ({
      %run_scoped3A = tpu.sem_alloc : memref<!tpu.dma_semaphore, #tpu.memory_space<semaphore_mem>>
      %dma_start3A_65 = arith.constant 0 : i32
      %dma_start3A_66 = tpu.memref_slice %arg4[%add3A_50, %dma_start3A_65] : memref<32768x128xi32, #tpu.memory_space<hbm>> -> memref<128x128xi32, #tpu.memory_space<hbm>>
      %dma_start3A_67 = arith.constant 0 : i32
      %dma_start3A_68 = tpu.memref_slice %arg4[%add3A_50, %dma_start3A_67] : memref<32768x128xi32, #tpu.memory_space<hbm>> -> memref<128x128xi32, #tpu.memory_space<hbm>>
      tpu.enqueue_dma source(%arg6 : memref<128x128xi32, #tpu.memory_space<vmem>>) target(%dma_start3A_68 : memref<128x128xi32, #tpu.memory_space<hbm>>) target_semaphore(%run_scoped3A : memref<!tpu.dma_semaphore, #tpu.memory_space<semaphore_mem>>)
      %dma_wait3A_69 = arith.constant 0 : i32
      %dma_wait3A_70 = tpu.memref_slice %arg4[%add3A_50, %dma_wait3A_69] : memref<32768x128xi32, #tpu.memory_space<hbm>> -> memref<128x128xi32, #tpu.memory_space<hbm>>
      %dma_wait3A_71 = arith.constant 0 : i32
      %dma_wait3A_72 = tpu.memref_slice %arg4[%add3A_50, %dma_wait3A_71] : memref<32768x128xi32, #tpu.memory_space<hbm>> -> memref<128x128xi32, #tpu.memory_space<hbm>>
      tpu.wait_dma2 semaphore(%run_scoped3A : memref<!tpu.dma_semaphore, #tpu.memory_space<semaphore_mem>>) src(%arg6 : memref<128x128xi32, #tpu.memory_space<vmem>>) dst(%dma_wait3A_72 : memref<128x128xi32, #tpu.memory_space<hbm>>)
      tpu.yield
    }) : () -> ()
    %add3A_57 = arith.constant 896 : i32
    %add3A_58 = arith.addi %mul3A_2, %add3A_57 : i32
    "tpu.region"() ({
      %run_scoped3A = tpu.sem_alloc : memref<!tpu.dma_semaphore, #tpu.memory_space<semaphore_mem>>
      %dma_start3A_65 = tpu.memref_slice %arg2[%add3A_58] : memref<32768xi32, #tpu.memory_space<hbm>> -> memref<128xi32, #tpu.memory_space<hbm>>
      %dma_start3A_66 = tpu.memref_slice %arg2[%add3A_58] : memref<32768xi32, #tpu.memory_space<hbm>> -> memref<128xi32, #tpu.memory_space<hbm>>
      tpu.enqueue_dma source(%dma_start3A_66 : memref<128xi32, #tpu.memory_space<hbm>>) target(%arg5 : memref<128xi32, #tpu.memory_space<vmem>>) target_semaphore(%run_scoped3A : memref<!tpu.dma_semaphore, #tpu.memory_space<semaphore_mem>>)
      %dma_wait3A_67 = tpu.memref_slice %arg2[%add3A_58] : memref<32768xi32, #tpu.memory_space<hbm>> -> memref<128xi32, #tpu.memory_space<hbm>>
      %dma_wait3A_68 = tpu.memref_slice %arg2[%add3A_58] : memref<32768xi32, #tpu.memory_space<hbm>> -> memref<128xi32, #tpu.memory_space<hbm>>
      tpu.wait_dma2 semaphore(%run_scoped3A : memref<!tpu.dma_semaphore, #tpu.memory_space<semaphore_mem>>) src(%dma_wait3A_68 : memref<128xi32, #tpu.memory_space<hbm>>) dst(%arg5 : memref<128xi32, #tpu.memory_space<vmem>>)
      tpu.yield
    }) : () -> ()
    %dma_start3A_59 = arith.constant 0 : i32
    %dma_start3A_60 = arith.constant 0 : i32
    %dma_start3A_61 = tpu.memref_slice %arg3[%dma_start3A_59, %dma_start3A_60] : memref<4096x128xi32, #tpu.memory_space<hbm>> -> memref<4096x128xi32, #tpu.memory_space<hbm>>
    tpu.enqueue_indirect_dma source(%dma_start3A_61 : memref<4096x128xi32, #tpu.memory_space<hbm>>) target(%arg6 : memref<128x128xi32, #tpu.memory_space<vmem>>) offsets(%arg5 : memref<128xi32, #tpu.memory_space<vmem>>) semaphore(%arg7 : memref<!tpu.dma_semaphore, #tpu.memory_space<semaphore_mem>>)
    %dma_wait3A_62 = arith.constant 0 : i32
    %dma_wait3A_63 = arith.constant 0 : i32
    %dma_wait3A_64 = tpu.memref_slice %arg3[%dma_wait3A_62, %dma_wait3A_63] : memref<4096x128xi32, #tpu.memory_space<hbm>> -> memref<4096x128xi32, #tpu.memory_space<hbm>>
    tpu.wait_indirect_dma semaphore(%arg7 : memref<!tpu.dma_semaphore, #tpu.memory_space<semaphore_mem>>) src(%dma_wait3A_64 : memref<4096x128xi32, #tpu.memory_space<hbm>>) dst(%arg6 : memref<128x128xi32, #tpu.memory_space<vmem>>)
    "tpu.region"() ({
      %run_scoped3A = tpu.sem_alloc : memref<!tpu.dma_semaphore, #tpu.memory_space<semaphore_mem>>
      %dma_start3A_65 = arith.constant 0 : i32
      %dma_start3A_66 = tpu.memref_slice %arg4[%add3A_58, %dma_start3A_65] : memref<32768x128xi32, #tpu.memory_space<hbm>> -> memref<128x128xi32, #tpu.memory_space<hbm>>
      %dma_start3A_67 = arith.constant 0 : i32
      %dma_start3A_68 = tpu.memref_slice %arg4[%add3A_58, %dma_start3A_67] : memref<32768x128xi32, #tpu.memory_space<hbm>> -> memref<128x128xi32, #tpu.memory_space<hbm>>
      tpu.enqueue_dma source(%arg6 : memref<128x128xi32, #tpu.memory_space<vmem>>) target(%dma_start3A_68 : memref<128x128xi32, #tpu.memory_space<hbm>>) target_semaphore(%run_scoped3A : memref<!tpu.dma_semaphore, #tpu.memory_space<semaphore_mem>>)
      %dma_wait3A_69 = arith.constant 0 : i32
      %dma_wait3A_70 = tpu.memref_slice %arg4[%add3A_58, %dma_wait3A_69] : memref<32768x128xi32, #tpu.memory_space<hbm>> -> memref<128x128xi32, #tpu.memory_space<hbm>>
      %dma_wait3A_71 = arith.constant 0 : i32
      %dma_wait3A_72 = tpu.memref_slice %arg4[%add3A_58, %dma_wait3A_71] : memref<32768x128xi32, #tpu.memory_space<hbm>> -> memref<128x128xi32, #tpu.memory_space<hbm>>
      tpu.wait_dma2 semaphore(%run_scoped3A : memref<!tpu.dma_semaphore, #tpu.memory_space<semaphore_mem>>) src(%arg6 : memref<128x128xi32, #tpu.memory_space<vmem>>) dst(%dma_wait3A_72 : memref<128x128xi32, #tpu.memory_space<hbm>>)
      tpu.yield
    }) : () -> ()
    return
  }
}

module attributes {stable_mosaic.version = 14 : i64} {
  func.func @_topk_body(%arg0: i32, %arg1: i32, %arg2: memref<1x512x3xf32, #tpu.memory_space<vmem>>, %arg3: memref<1x3x2048xf32, #tpu.memory_space<vmem>>, %arg4: memref<1x512x16xi32, #tpu.memory_space<vmem>>) attributes {dimension_semantics = [#tpu.dimension_semantics<arbitrary>, #tpu.dimension_semantics<arbitrary>], iteration_bounds = array<i64: 2, 2>, scalar_prefetch = 0 : i64, scratch_operands = 0 : i64, tpu.core_type = #tpu.core_type<tc>, window_params = [{transform_indices = @transform_0, window_bounds = array<i64: 1, 512, 3>}, {transform_indices = @transform_1, window_bounds = array<i64: 1, 3, 2048>}, {transform_indices = @transform_2, window_bounds = array<i64: 1, 512, 16>}]} {
    %get3A = arith.constant 0 : index
    %get3A_0 = arith.constant 0 : index
    %get3A_1 = arith.constant 0 : index
    %get3A_2 = vector.load %arg2[%get3A, %get3A_0, %get3A_1] : memref<1x512x3xf32, #tpu.memory_space<vmem>>, vector<1x512x3xf32>
    %get3A_3 = vector.shape_cast %get3A_2 : vector<1x512x3xf32> to vector<512x3xf32>
    %get3A_4 = arith.constant 0 : index
    %get3A_5 = arith.constant 0 : index
    %get3A_6 = arith.constant 0 : index
    %get3A_7 = vector.load %arg3[%get3A_4, %get3A_5, %get3A_6] : memref<1x3x2048xf32, #tpu.memory_space<vmem>>, vector<1x3x2048xf32>
    %get3A_8 = vector.shape_cast %get3A_7 : vector<1x3x2048xf32> to vector<3x2048xf32>
    %mul3A = arith.mulf %get3A_3, %get3A_3 : vector<512x3xf32>
    %reduce_sum3A = arith.constant dense<0.000000e+00> : vector<512xf32>
    %reduce_sum3A_9 = vector.multi_reduction <add>, %mul3A, %reduce_sum3A [1] : vector<512x3xf32> to vector<512xf32>
    %broadcast_in_dim3A = vector.shape_cast %reduce_sum3A_9 : vector<512xf32> to vector<512x1xf32>
    %mul3A_10 = arith.mulf %get3A_8, %get3A_8 : vector<3x2048xf32>
    %reduce_sum3A_11 = arith.constant dense<0.000000e+00> : vector<2048xf32>
    %reduce_sum3A_12 = vector.multi_reduction <add>, %mul3A_10, %reduce_sum3A_11 [0] : vector<3x2048xf32> to vector<2048xf32>
    %broadcast_in_dim3A_13 = vector.shape_cast %reduce_sum3A_12 : vector<2048xf32> to vector<1x2048xf32>
    %dot_general3A = arith.constant dense<0.000000e+00> : vector<512x2048xf32>
    %dot_general3A_14 = tpu.matmul %get3A_3, %get3A_8, %dot_general3A {dimension_numbers = #tpu.dot_dimension_numbers<[1], [0], [0], [1], [0, 0, 1, 1], [], []>, transpose_lhs_hint = false} : vector<512x3xf32>, vector<3x2048xf32>, vector<512x2048xf32> -> vector<512x2048xf32>
    %add3A = vector.broadcast %broadcast_in_dim3A : vector<512x1xf32> to vector<512x2048xf32>
    %add3A_15 = vector.broadcast %broadcast_in_dim3A_13 : vector<1x2048xf32> to vector<512x2048xf32>
    %add3A_16 = arith.addf %add3A, %add3A_15 : vector<512x2048xf32>
    %mul3A_17 = arith.constant 2.000000e+00 : f32
    %mul3A_18 = vector.broadcast %mul3A_17 : f32 to vector<512x2048xf32>
    %mul3A_19 = arith.mulf %mul3A_18, %dot_general3A_14 : vector<512x2048xf32>
    %sub3A = arith.subf %add3A_16, %mul3A_19 : vector<512x2048xf32>
    %iota3A = tpu.iota {dimensions = array<i32: 1>} : vector<512x2048xi32>
    %convert_element_type3A = arith.sitofp %iota3A : vector<512x2048xi32> to vector<512x2048xf32>
    %mul3A_20 = arith.constant 2048 : i32
    %mul3A_21 = arith.muli %arg0, %mul3A_20 : i32
    %reduce_min3A = arith.constant dense<0x7F800000> : vector<512xf32>
    %reduce_min3A_22 = vector.multi_reduction <minimumf>, %sub3A, %reduce_min3A [1] : vector<512x2048xf32> to vector<512xf32>
    %broadcast_in_dim3A_23 = vector.shape_cast %reduce_min3A_22 : vector<512xf32> to vector<512x1xf32>
    %eq3A = vector.broadcast %broadcast_in_dim3A_23 : vector<512x1xf32> to vector<512x2048xf32>
    %eq3A_24 = arith.cmpf oeq, %sub3A, %eq3A : vector<512x2048xf32>
    %jit3A = arith.constant 3.000000e+38 : f32
    %broadcast_in_dim3A_25 = vector.broadcast %jit3A : f32 to vector<512x2048xf32>
    %select_n3A = arith.select %eq3A_24, %convert_element_type3A, %broadcast_in_dim3A_25 : vector<512x2048xi1>, vector<512x2048xf32>
    %reduce_min3A_26 = arith.constant dense<0x7F800000> : vector<512xf32>
    %reduce_min3A_27 = vector.multi_reduction <minimumf>, %select_n3A, %reduce_min3A_26 [1] : vector<512x2048xf32> to vector<512xf32>
    %broadcast_in_dim3A_28 = vector.shape_cast %reduce_min3A_27 : vector<512xf32> to vector<512x1xf32>
    %convert_element_type3A_29 = arith.fptosi %broadcast_in_dim3A_28 : vector<512x1xf32> to vector<512x1xi32>
    %add3A_30 = vector.broadcast %mul3A_21 : i32 to vector<512x1xi32>
    %add3A_31 = arith.addi %convert_element_type3A_29, %add3A_30 : vector<512x1xi32>
    %swap3A = arith.constant 0 : index
    %swap3A_32 = arith.constant 0 : index
    %swap3A_33 = arith.constant 0 : index
    %swap3A_34 = vector.load %arg4[%swap3A, %swap3A_32, %swap3A_33] : memref<1x512x16xi32, #tpu.memory_space<vmem>>, vector<1x512x1xi32>
    %swap3A_35 = vector.shape_cast %swap3A_34 : vector<1x512x1xi32> to vector<512x1xi32>
    %swap3A_36 = vector.shape_cast %add3A_31 : vector<512x1xi32> to vector<1x512x1xi32>
    tpu.vector_store %arg4[%swap3A, %swap3A_32, %swap3A_33], %swap3A_36 {strides = array<i32>} : memref<1x512x16xi32, #tpu.memory_space<vmem>>, vector<1x512x1xi32>,
    %eq3A_37 = vector.broadcast %broadcast_in_dim3A_28 : vector<512x1xf32> to vector<512x2048xf32>
    %eq3A_38 = arith.cmpf oeq, %convert_element_type3A, %eq3A_37 : vector<512x2048xf32>
    %jit3A_39 = arith.constant 3.000000e+38 : f32
    %broadcast_in_dim3A_40 = vector.broadcast %jit3A_39 : f32 to vector<512x2048xf32>
    %select_n3A_41 = arith.select %eq3A_38, %broadcast_in_dim3A_40, %sub3A : vector<512x2048xi1>, vector<512x2048xf32>
    %reduce_min3A_42 = arith.constant dense<0x7F800000> : vector<512xf32>
    %reduce_min3A_43 = vector.multi_reduction <minimumf>, %select_n3A_41, %reduce_min3A_42 [1] : vector<512x2048xf32> to vector<512xf32>
    %broadcast_in_dim3A_44 = vector.shape_cast %reduce_min3A_43 : vector<512xf32> to vector<512x1xf32>
    %eq3A_45 = vector.broadcast %broadcast_in_dim3A_44 : vector<512x1xf32> to vector<512x2048xf32>
    %eq3A_46 = arith.cmpf oeq, %select_n3A_41, %eq3A_45 : vector<512x2048xf32>
    %jit3A_47 = arith.constant 3.000000e+38 : f32
    %broadcast_in_dim3A_48 = vector.broadcast %jit3A_47 : f32 to vector<512x2048xf32>
    %select_n3A_49 = arith.select %eq3A_46, %convert_element_type3A, %broadcast_in_dim3A_48 : vector<512x2048xi1>, vector<512x2048xf32>
    %reduce_min3A_50 = arith.constant dense<0x7F800000> : vector<512xf32>
    %reduce_min3A_51 = vector.multi_reduction <minimumf>, %select_n3A_49, %reduce_min3A_50 [1] : vector<512x2048xf32> to vector<512xf32>
    %broadcast_in_dim3A_52 = vector.shape_cast %reduce_min3A_51 : vector<512xf32> to vector<512x1xf32>
    %convert_element_type3A_53 = arith.fptosi %broadcast_in_dim3A_52 : vector<512x1xf32> to vector<512x1xi32>
    %add3A_54 = vector.broadcast %mul3A_21 : i32 to vector<512x1xi32>
    %add3A_55 = arith.addi %convert_element_type3A_53, %add3A_54 : vector<512x1xi32>
    %swap3A_56 = arith.constant 0 : index
    %swap3A_57 = arith.constant 0 : index
    %swap3A_58 = arith.constant 1 : index
    %swap3A_59 = vector.load %arg4[%swap3A_56, %swap3A_57, %swap3A_58] : memref<1x512x16xi32, #tpu.memory_space<vmem>>, vector<1x512x1xi32>
    %swap3A_60 = vector.shape_cast %swap3A_59 : vector<1x512x1xi32> to vector<512x1xi32>
    %swap3A_61 = vector.shape_cast %add3A_55 : vector<512x1xi32> to vector<1x512x1xi32>
    tpu.vector_store %arg4[%swap3A_56, %swap3A_57, %swap3A_58], %swap3A_61 {strides = array<i32>} : memref<1x512x16xi32, #tpu.memory_space<vmem>>, vector<1x512x1xi32>,
    %eq3A_62 = vector.broadcast %broadcast_in_dim3A_52 : vector<512x1xf32> to vector<512x2048xf32>
    %eq3A_63 = arith.cmpf oeq, %convert_element_type3A, %eq3A_62 : vector<512x2048xf32>
    %jit3A_64 = arith.constant 3.000000e+38 : f32
    %broadcast_in_dim3A_65 = vector.broadcast %jit3A_64 : f32 to vector<512x2048xf32>
    %select_n3A_66 = arith.select %eq3A_63, %broadcast_in_dim3A_65, %select_n3A_41 : vector<512x2048xi1>, vector<512x2048xf32>
    %reduce_min3A_67 = arith.constant dense<0x7F800000> : vector<512xf32>
    %reduce_min3A_68 = vector.multi_reduction <minimumf>, %select_n3A_66, %reduce_min3A_67 [1] : vector<512x2048xf32> to vector<512xf32>
    %broadcast_in_dim3A_69 = vector.shape_cast %reduce_min3A_68 : vector<512xf32> to vector<512x1xf32>
    %eq3A_70 = vector.broadcast %broadcast_in_dim3A_69 : vector<512x1xf32> to vector<512x2048xf32>
    %eq3A_71 = arith.cmpf oeq, %select_n3A_66, %eq3A_70 : vector<512x2048xf32>
    %jit3A_72 = arith.constant 3.000000e+38 : f32
    %broadcast_in_dim3A_73 = vector.broadcast %jit3A_72 : f32 to vector<512x2048xf32>
    %select_n3A_74 = arith.select %eq3A_71, %convert_element_type3A, %broadcast_in_dim3A_73 : vector<512x2048xi1>, vector<512x2048xf32>
    %reduce_min3A_75 = arith.constant dense<0x7F800000> : vector<512xf32>
    %reduce_min3A_76 = vector.multi_reduction <minimumf>, %select_n3A_74, %reduce_min3A_75 [1] : vector<512x2048xf32> to vector<512xf32>
    %broadcast_in_dim3A_77 = vector.shape_cast %reduce_min3A_76 : vector<512xf32> to vector<512x1xf32>
    %convert_element_type3A_78 = arith.fptosi %broadcast_in_dim3A_77 : vector<512x1xf32> to vector<512x1xi32>
    %add3A_79 = vector.broadcast %mul3A_21 : i32 to vector<512x1xi32>
    %add3A_80 = arith.addi %convert_element_type3A_78, %add3A_79 : vector<512x1xi32>
    %swap3A_81 = arith.constant 0 : index
    %swap3A_82 = arith.constant 0 : index
    %swap3A_83 = arith.constant 2 : index
    %swap3A_84 = vector.load %arg4[%swap3A_81, %swap3A_82, %swap3A_83] : memref<1x512x16xi32, #tpu.memory_space<vmem>>, vector<1x512x1xi32>
    %swap3A_85 = vector.shape_cast %swap3A_84 : vector<1x512x1xi32> to vector<512x1xi32>
    %swap3A_86 = vector.shape_cast %add3A_80 : vector<512x1xi32> to vector<1x512x1xi32>
    tpu.vector_store %arg4[%swap3A_81, %swap3A_82, %swap3A_83], %swap3A_86 {strides = array<i32>} : memref<1x512x16xi32, #tpu.memory_space<vmem>>, vector<1x512x1xi32>,
    %eq3A_87 = vector.broadcast %broadcast_in_dim3A_77 : vector<512x1xf32> to vector<512x2048xf32>
    %eq3A_88 = arith.cmpf oeq, %convert_element_type3A, %eq3A_87 : vector<512x2048xf32>
    %jit3A_89 = arith.constant 3.000000e+38 : f32
    %broadcast_in_dim3A_90 = vector.broadcast %jit3A_89 : f32 to vector<512x2048xf32>
    %select_n3A_91 = arith.select %eq3A_88, %broadcast_in_dim3A_90, %select_n3A_66 : vector<512x2048xi1>, vector<512x2048xf32>
    %reduce_min3A_92 = arith.constant dense<0x7F800000> : vector<512xf32>
    %reduce_min3A_93 = vector.multi_reduction <minimumf>, %select_n3A_91, %reduce_min3A_92 [1] : vector<512x2048xf32> to vector<512xf32>
    %broadcast_in_dim3A_94 = vector.shape_cast %reduce_min3A_93 : vector<512xf32> to vector<512x1xf32>
    %eq3A_95 = vector.broadcast %broadcast_in_dim3A_94 : vector<512x1xf32> to vector<512x2048xf32>
    %eq3A_96 = arith.cmpf oeq, %select_n3A_91, %eq3A_95 : vector<512x2048xf32>
    %jit3A_97 = arith.constant 3.000000e+38 : f32
    %broadcast_in_dim3A_98 = vector.broadcast %jit3A_97 : f32 to vector<512x2048xf32>
    %select_n3A_99 = arith.select %eq3A_96, %convert_element_type3A, %broadcast_in_dim3A_98 : vector<512x2048xi1>, vector<512x2048xf32>
    %reduce_min3A_100 = arith.constant dense<0x7F800000> : vector<512xf32>
    %reduce_min3A_101 = vector.multi_reduction <minimumf>, %select_n3A_99, %reduce_min3A_100 [1] : vector<512x2048xf32> to vector<512xf32>
    %broadcast_in_dim3A_102 = vector.shape_cast %reduce_min3A_101 : vector<512xf32> to vector<512x1xf32>
    %convert_element_type3A_103 = arith.fptosi %broadcast_in_dim3A_102 : vector<512x1xf32> to vector<512x1xi32>
    %add3A_104 = vector.broadcast %mul3A_21 : i32 to vector<512x1xi32>
    %add3A_105 = arith.addi %convert_element_type3A_103, %add3A_104 : vector<512x1xi32>
    %swap3A_106 = arith.constant 0 : index
    %swap3A_107 = arith.constant 0 : index
    %swap3A_108 = arith.constant 3 : index
    %swap3A_109 = vector.load %arg4[%swap3A_106, %swap3A_107, %swap3A_108] : memref<1x512x16xi32, #tpu.memory_space<vmem>>, vector<1x512x1xi32>
    %swap3A_110 = vector.shape_cast %swap3A_109 : vector<1x512x1xi32> to vector<512x1xi32>
    %swap3A_111 = vector.shape_cast %add3A_105 : vector<512x1xi32> to vector<1x512x1xi32>
    tpu.vector_store %arg4[%swap3A_106, %swap3A_107, %swap3A_108], %swap3A_111 {strides = array<i32>} : memref<1x512x16xi32, #tpu.memory_space<vmem>>, vector<1x512x1xi32>,
    %eq3A_112 = vector.broadcast %broadcast_in_dim3A_102 : vector<512x1xf32> to vector<512x2048xf32>
    %eq3A_113 = arith.cmpf oeq, %convert_element_type3A, %eq3A_112 : vector<512x2048xf32>
    %jit3A_114 = arith.constant 3.000000e+38 : f32
    %broadcast_in_dim3A_115 = vector.broadcast %jit3A_114 : f32 to vector<512x2048xf32>
    %select_n3A_116 = arith.select %eq3A_113, %broadcast_in_dim3A_115, %select_n3A_91 : vector<512x2048xi1>, vector<512x2048xf32>
    %reduce_min3A_117 = arith.constant dense<0x7F800000> : vector<512xf32>
    %reduce_min3A_118 = vector.multi_reduction <minimumf>, %select_n3A_116, %reduce_min3A_117 [1] : vector<512x2048xf32> to vector<512xf32>
    %broadcast_in_dim3A_119 = vector.shape_cast %reduce_min3A_118 : vector<512xf32> to vector<512x1xf32>
    %eq3A_120 = vector.broadcast %broadcast_in_dim3A_119 : vector<512x1xf32> to vector<512x2048xf32>
    %eq3A_121 = arith.cmpf oeq, %select_n3A_116, %eq3A_120 : vector<512x2048xf32>
    %jit3A_122 = arith.constant 3.000000e+38 : f32
    %broadcast_in_dim3A_123 = vector.broadcast %jit3A_122 : f32 to vector<512x2048xf32>
    %select_n3A_124 = arith.select %eq3A_121, %convert_element_type3A, %broadcast_in_dim3A_123 : vector<512x2048xi1>, vector<512x2048xf32>
    %reduce_min3A_125 = arith.constant dense<0x7F800000> : vector<512xf32>
    %reduce_min3A_126 = vector.multi_reduction <minimumf>, %select_n3A_124, %reduce_min3A_125 [1] : vector<512x2048xf32> to vector<512xf32>
    %broadcast_in_dim3A_127 = vector.shape_cast %reduce_min3A_126 : vector<512xf32> to vector<512x1xf32>
    %convert_element_type3A_128 = arith.fptosi %broadcast_in_dim3A_127 : vector<512x1xf32> to vector<512x1xi32>
    %add3A_129 = vector.broadcast %mul3A_21 : i32 to vector<512x1xi32>
    %add3A_130 = arith.addi %convert_element_type3A_128, %add3A_129 : vector<512x1xi32>
    %swap3A_131 = arith.constant 0 : index
    %swap3A_132 = arith.constant 0 : index
    %swap3A_133 = arith.constant 4 : index
    %swap3A_134 = vector.load %arg4[%swap3A_131, %swap3A_132, %swap3A_133] : memref<1x512x16xi32, #tpu.memory_space<vmem>>, vector<1x512x1xi32>
    %swap3A_135 = vector.shape_cast %swap3A_134 : vector<1x512x1xi32> to vector<512x1xi32>
    %swap3A_136 = vector.shape_cast %add3A_130 : vector<512x1xi32> to vector<1x512x1xi32>
    tpu.vector_store %arg4[%swap3A_131, %swap3A_132, %swap3A_133], %swap3A_136 {strides = array<i32>} : memref<1x512x16xi32, #tpu.memory_space<vmem>>, vector<1x512x1xi32>,
    %eq3A_137 = vector.broadcast %broadcast_in_dim3A_127 : vector<512x1xf32> to vector<512x2048xf32>
    %eq3A_138 = arith.cmpf oeq, %convert_element_type3A, %eq3A_137 : vector<512x2048xf32>
    %jit3A_139 = arith.constant 3.000000e+38 : f32
    %broadcast_in_dim3A_140 = vector.broadcast %jit3A_139 : f32 to vector<512x2048xf32>
    %select_n3A_141 = arith.select %eq3A_138, %broadcast_in_dim3A_140, %select_n3A_116 : vector<512x2048xi1>, vector<512x2048xf32>
    %reduce_min3A_142 = arith.constant dense<0x7F800000> : vector<512xf32>
    %reduce_min3A_143 = vector.multi_reduction <minimumf>, %select_n3A_141, %reduce_min3A_142 [1] : vector<512x2048xf32> to vector<512xf32>
    %broadcast_in_dim3A_144 = vector.shape_cast %reduce_min3A_143 : vector<512xf32> to vector<512x1xf32>
    %eq3A_145 = vector.broadcast %broadcast_in_dim3A_144 : vector<512x1xf32> to vector<512x2048xf32>
    %eq3A_146 = arith.cmpf oeq, %select_n3A_141, %eq3A_145 : vector<512x2048xf32>
    %jit3A_147 = arith.constant 3.000000e+38 : f32
    %broadcast_in_dim3A_148 = vector.broadcast %jit3A_147 : f32 to vector<512x2048xf32>
    %select_n3A_149 = arith.select %eq3A_146, %convert_element_type3A, %broadcast_in_dim3A_148 : vector<512x2048xi1>, vector<512x2048xf32>
    %reduce_min3A_150 = arith.constant dense<0x7F800000> : vector<512xf32>
    %reduce_min3A_151 = vector.multi_reduction <minimumf>, %select_n3A_149, %reduce_min3A_150 [1] : vector<512x2048xf32> to vector<512xf32>
    %broadcast_in_dim3A_152 = vector.shape_cast %reduce_min3A_151 : vector<512xf32> to vector<512x1xf32>
    %convert_element_type3A_153 = arith.fptosi %broadcast_in_dim3A_152 : vector<512x1xf32> to vector<512x1xi32>
    %add3A_154 = vector.broadcast %mul3A_21 : i32 to vector<512x1xi32>
    %add3A_155 = arith.addi %convert_element_type3A_153, %add3A_154 : vector<512x1xi32>
    %swap3A_156 = arith.constant 0 : index
    %swap3A_157 = arith.constant 0 : index
    %swap3A_158 = arith.constant 5 : index
    %swap3A_159 = vector.load %arg4[%swap3A_156, %swap3A_157, %swap3A_158] : memref<1x512x16xi32, #tpu.memory_space<vmem>>, vector<1x512x1xi32>
    %swap3A_160 = vector.shape_cast %swap3A_159 : vector<1x512x1xi32> to vector<512x1xi32>
    %swap3A_161 = vector.shape_cast %add3A_155 : vector<512x1xi32> to vector<1x512x1xi32>
    tpu.vector_store %arg4[%swap3A_156, %swap3A_157, %swap3A_158], %swap3A_161 {strides = array<i32>} : memref<1x512x16xi32, #tpu.memory_space<vmem>>, vector<1x512x1xi32>,
    %eq3A_162 = vector.broadcast %broadcast_in_dim3A_152 : vector<512x1xf32> to vector<512x2048xf32>
    %eq3A_163 = arith.cmpf oeq, %convert_element_type3A, %eq3A_162 : vector<512x2048xf32>
    %jit3A_164 = arith.constant 3.000000e+38 : f32
    %broadcast_in_dim3A_165 = vector.broadcast %jit3A_164 : f32 to vector<512x2048xf32>
    %select_n3A_166 = arith.select %eq3A_163, %broadcast_in_dim3A_165, %select_n3A_141 : vector<512x2048xi1>, vector<512x2048xf32>
    %reduce_min3A_167 = arith.constant dense<0x7F800000> : vector<512xf32>
    %reduce_min3A_168 = vector.multi_reduction <minimumf>, %select_n3A_166, %reduce_min3A_167 [1] : vector<512x2048xf32> to vector<512xf32>
    %broadcast_in_dim3A_169 = vector.shape_cast %reduce_min3A_168 : vector<512xf32> to vector<512x1xf32>
    %eq3A_170 = vector.broadcast %broadcast_in_dim3A_169 : vector<512x1xf32> to vector<512x2048xf32>
    %eq3A_171 = arith.cmpf oeq, %select_n3A_166, %eq3A_170 : vector<512x2048xf32>
    %jit3A_172 = arith.constant 3.000000e+38 : f32
    %broadcast_in_dim3A_173 = vector.broadcast %jit3A_172 : f32 to vector<512x2048xf32>
    %select_n3A_174 = arith.select %eq3A_171, %convert_element_type3A, %broadcast_in_dim3A_173 : vector<512x2048xi1>, vector<512x2048xf32>
    %reduce_min3A_175 = arith.constant dense<0x7F800000> : vector<512xf32>
    %reduce_min3A_176 = vector.multi_reduction <minimumf>, %select_n3A_174, %reduce_min3A_175 [1] : vector<512x2048xf32> to vector<512xf32>
    %broadcast_in_dim3A_177 = vector.shape_cast %reduce_min3A_176 : vector<512xf32> to vector<512x1xf32>
    %convert_element_type3A_178 = arith.fptosi %broadcast_in_dim3A_177 : vector<512x1xf32> to vector<512x1xi32>
    %add3A_179 = vector.broadcast %mul3A_21 : i32 to vector<512x1xi32>
    %add3A_180 = arith.addi %convert_element_type3A_178, %add3A_179 : vector<512x1xi32>
    %swap3A_181 = arith.constant 0 : index
    %swap3A_182 = arith.constant 0 : index
    %swap3A_183 = arith.constant 6 : index
    %swap3A_184 = vector.load %arg4[%swap3A_181, %swap3A_182, %swap3A_183] : memref<1x512x16xi32, #tpu.memory_space<vmem>>, vector<1x512x1xi32>
    %swap3A_185 = vector.shape_cast %swap3A_184 : vector<1x512x1xi32> to vector<512x1xi32>
    %swap3A_186 = vector.shape_cast %add3A_180 : vector<512x1xi32> to vector<1x512x1xi32>
    tpu.vector_store %arg4[%swap3A_181, %swap3A_182, %swap3A_183], %swap3A_186 {strides = array<i32>} : memref<1x512x16xi32, #tpu.memory_space<vmem>>, vector<1x512x1xi32>,
    %eq3A_187 = vector.broadcast %broadcast_in_dim3A_177 : vector<512x1xf32> to vector<512x2048xf32>
    %eq3A_188 = arith.cmpf oeq, %convert_element_type3A, %eq3A_187 : vector<512x2048xf32>
    %jit3A_189 = arith.constant 3.000000e+38 : f32
    %broadcast_in_dim3A_190 = vector.broadcast %jit3A_189 : f32 to vector<512x2048xf32>
    %select_n3A_191 = arith.select %eq3A_188, %broadcast_in_dim3A_190, %select_n3A_166 : vector<512x2048xi1>, vector<512x2048xf32>
    %reduce_min3A_192 = arith.constant dense<0x7F800000> : vector<512xf32>
    %reduce_min3A_193 = vector.multi_reduction <minimumf>, %select_n3A_191, %reduce_min3A_192 [1] : vector<512x2048xf32> to vector<512xf32>
    %broadcast_in_dim3A_194 = vector.shape_cast %reduce_min3A_193 : vector<512xf32> to vector<512x1xf32>
    %eq3A_195 = vector.broadcast %broadcast_in_dim3A_194 : vector<512x1xf32> to vector<512x2048xf32>
    %eq3A_196 = arith.cmpf oeq, %select_n3A_191, %eq3A_195 : vector<512x2048xf32>
    %jit3A_197 = arith.constant 3.000000e+38 : f32
    %broadcast_in_dim3A_198 = vector.broadcast %jit3A_197 : f32 to vector<512x2048xf32>
    %select_n3A_199 = arith.select %eq3A_196, %convert_element_type3A, %broadcast_in_dim3A_198 : vector<512x2048xi1>, vector<512x2048xf32>
    %reduce_min3A_200 = arith.constant dense<0x7F800000> : vector<512xf32>
    %reduce_min3A_201 = vector.multi_reduction <minimumf>, %select_n3A_199, %reduce_min3A_200 [1] : vector<512x2048xf32> to vector<512xf32>
    %broadcast_in_dim3A_202 = vector.shape_cast %reduce_min3A_201 : vector<512xf32> to vector<512x1xf32>
    %convert_element_type3A_203 = arith.fptosi %broadcast_in_dim3A_202 : vector<512x1xf32> to vector<512x1xi32>
    %add3A_204 = vector.broadcast %mul3A_21 : i32 to vector<512x1xi32>
    %add3A_205 = arith.addi %convert_element_type3A_203, %add3A_204 : vector<512x1xi32>
    %swap3A_206 = arith.constant 0 : index
    %swap3A_207 = arith.constant 0 : index
    %swap3A_208 = arith.constant 7 : index
    %swap3A_209 = vector.load %arg4[%swap3A_206, %swap3A_207, %swap3A_208] : memref<1x512x16xi32, #tpu.memory_space<vmem>>, vector<1x512x1xi32>
    %swap3A_210 = vector.shape_cast %swap3A_209 : vector<1x512x1xi32> to vector<512x1xi32>
    %swap3A_211 = vector.shape_cast %add3A_205 : vector<512x1xi32> to vector<1x512x1xi32>
    tpu.vector_store %arg4[%swap3A_206, %swap3A_207, %swap3A_208], %swap3A_211 {strides = array<i32>} : memref<1x512x16xi32, #tpu.memory_space<vmem>>, vector<1x512x1xi32>,
    %eq3A_212 = vector.broadcast %broadcast_in_dim3A_202 : vector<512x1xf32> to vector<512x2048xf32>
    %eq3A_213 = arith.cmpf oeq, %convert_element_type3A, %eq3A_212 : vector<512x2048xf32>
    %jit3A_214 = arith.constant 3.000000e+38 : f32
    %broadcast_in_dim3A_215 = vector.broadcast %jit3A_214 : f32 to vector<512x2048xf32>
    %select_n3A_216 = arith.select %eq3A_213, %broadcast_in_dim3A_215, %select_n3A_191 : vector<512x2048xi1>, vector<512x2048xf32>
    %reduce_min3A_217 = arith.constant dense<0x7F800000> : vector<512xf32>
    %reduce_min3A_218 = vector.multi_reduction <minimumf>, %select_n3A_216, %reduce_min3A_217 [1] : vector<512x2048xf32> to vector<512xf32>
    %broadcast_in_dim3A_219 = vector.shape_cast %reduce_min3A_218 : vector<512xf32> to vector<512x1xf32>
    %eq3A_220 = vector.broadcast %broadcast_in_dim3A_219 : vector<512x1xf32> to vector<512x2048xf32>
    %eq3A_221 = arith.cmpf oeq, %select_n3A_216, %eq3A_220 : vector<512x2048xf32>
    %jit3A_222 = arith.constant 3.000000e+38 : f32
    %broadcast_in_dim3A_223 = vector.broadcast %jit3A_222 : f32 to vector<512x2048xf32>
    %select_n3A_224 = arith.select %eq3A_221, %convert_element_type3A, %broadcast_in_dim3A_223 : vector<512x2048xi1>, vector<512x2048xf32>
    %reduce_min3A_225 = arith.constant dense<0x7F800000> : vector<512xf32>
    %reduce_min3A_226 = vector.multi_reduction <minimumf>, %select_n3A_224, %reduce_min3A_225 [1] : vector<512x2048xf32> to vector<512xf32>
    %broadcast_in_dim3A_227 = vector.shape_cast %reduce_min3A_226 : vector<512xf32> to vector<512x1xf32>
    %convert_element_type3A_228 = arith.fptosi %broadcast_in_dim3A_227 : vector<512x1xf32> to vector<512x1xi32>
    %add3A_229 = vector.broadcast %mul3A_21 : i32 to vector<512x1xi32>
    %add3A_230 = arith.addi %convert_element_type3A_228, %add3A_229 : vector<512x1xi32>
    %swap3A_231 = arith.constant 0 : index
    %swap3A_232 = arith.constant 0 : index
    %swap3A_233 = arith.constant 8 : index
    %swap3A_234 = vector.load %arg4[%swap3A_231, %swap3A_232, %swap3A_233] : memref<1x512x16xi32, #tpu.memory_space<vmem>>, vector<1x512x1xi32>
    %swap3A_235 = vector.shape_cast %swap3A_234 : vector<1x512x1xi32> to vector<512x1xi32>
    %swap3A_236 = vector.shape_cast %add3A_230 : vector<512x1xi32> to vector<1x512x1xi32>
    tpu.vector_store %arg4[%swap3A_231, %swap3A_232, %swap3A_233], %swap3A_236 {strides = array<i32>} : memref<1x512x16xi32, #tpu.memory_space<vmem>>, vector<1x512x1xi32>,
    %eq3A_237 = vector.broadcast %broadcast_in_dim3A_227 : vector<512x1xf32> to vector<512x2048xf32>
    %eq3A_238 = arith.cmpf oeq, %convert_element_type3A, %eq3A_237 : vector<512x2048xf32>
    %jit3A_239 = arith.constant 3.000000e+38 : f32
    %broadcast_in_dim3A_240 = vector.broadcast %jit3A_239 : f32 to vector<512x2048xf32>
    %select_n3A_241 = arith.select %eq3A_238, %broadcast_in_dim3A_240, %select_n3A_216 : vector<512x2048xi1>, vector<512x2048xf32>
    %reduce_min3A_242 = arith.constant dense<0x7F800000> : vector<512xf32>
    %reduce_min3A_243 = vector.multi_reduction <minimumf>, %select_n3A_241, %reduce_min3A_242 [1] : vector<512x2048xf32> to vector<512xf32>
    %broadcast_in_dim3A_244 = vector.shape_cast %reduce_min3A_243 : vector<512xf32> to vector<512x1xf32>
    %eq3A_245 = vector.broadcast %broadcast_in_dim3A_244 : vector<512x1xf32> to vector<512x2048xf32>
    %eq3A_246 = arith.cmpf oeq, %select_n3A_241, %eq3A_245 : vector<512x2048xf32>
    %jit3A_247 = arith.constant 3.000000e+38 : f32
    %broadcast_in_dim3A_248 = vector.broadcast %jit3A_247 : f32 to vector<512x2048xf32>
    %select_n3A_249 = arith.select %eq3A_246, %convert_element_type3A, %broadcast_in_dim3A_248 : vector<512x2048xi1>, vector<512x2048xf32>
    %reduce_min3A_250 = arith.constant dense<0x7F800000> : vector<512xf32>
    %reduce_min3A_251 = vector.multi_reduction <minimumf>, %select_n3A_249, %reduce_min3A_250 [1] : vector<512x2048xf32> to vector<512xf32>
    %broadcast_in_dim3A_252 = vector.shape_cast %reduce_min3A_251 : vector<512xf32> to vector<512x1xf32>
    %convert_element_type3A_253 = arith.fptosi %broadcast_in_dim3A_252 : vector<512x1xf32> to vector<512x1xi32>
    %add3A_254 = vector.broadcast %mul3A_21 : i32 to vector<512x1xi32>
    %add3A_255 = arith.addi %convert_element_type3A_253, %add3A_254 : vector<512x1xi32>
    %swap3A_256 = arith.constant 0 : index
    %swap3A_257 = arith.constant 0 : index
    %swap3A_258 = arith.constant 9 : index
    %swap3A_259 = vector.load %arg4[%swap3A_256, %swap3A_257, %swap3A_258] : memref<1x512x16xi32, #tpu.memory_space<vmem>>, vector<1x512x1xi32>
    %swap3A_260 = vector.shape_cast %swap3A_259 : vector<1x512x1xi32> to vector<512x1xi32>
    %swap3A_261 = vector.shape_cast %add3A_255 : vector<512x1xi32> to vector<1x512x1xi32>
    tpu.vector_store %arg4[%swap3A_256, %swap3A_257, %swap3A_258], %swap3A_261 {strides = array<i32>} : memref<1x512x16xi32, #tpu.memory_space<vmem>>, vector<1x512x1xi32>,
    %eq3A_262 = vector.broadcast %broadcast_in_dim3A_252 : vector<512x1xf32> to vector<512x2048xf32>
    %eq3A_263 = arith.cmpf oeq, %convert_element_type3A, %eq3A_262 : vector<512x2048xf32>
    %jit3A_264 = arith.constant 3.000000e+38 : f32
    %broadcast_in_dim3A_265 = vector.broadcast %jit3A_264 : f32 to vector<512x2048xf32>
    %select_n3A_266 = arith.select %eq3A_263, %broadcast_in_dim3A_265, %select_n3A_241 : vector<512x2048xi1>, vector<512x2048xf32>
    %reduce_min3A_267 = arith.constant dense<0x7F800000> : vector<512xf32>
    %reduce_min3A_268 = vector.multi_reduction <minimumf>, %select_n3A_266, %reduce_min3A_267 [1] : vector<512x2048xf32> to vector<512xf32>
    %broadcast_in_dim3A_269 = vector.shape_cast %reduce_min3A_268 : vector<512xf32> to vector<512x1xf32>
    %eq3A_270 = vector.broadcast %broadcast_in_dim3A_269 : vector<512x1xf32> to vector<512x2048xf32>
    %eq3A_271 = arith.cmpf oeq, %select_n3A_266, %eq3A_270 : vector<512x2048xf32>
    %jit3A_272 = arith.constant 3.000000e+38 : f32
    %broadcast_in_dim3A_273 = vector.broadcast %jit3A_272 : f32 to vector<512x2048xf32>
    %select_n3A_274 = arith.select %eq3A_271, %convert_element_type3A, %broadcast_in_dim3A_273 : vector<512x2048xi1>, vector<512x2048xf32>
    %reduce_min3A_275 = arith.constant dense<0x7F800000> : vector<512xf32>
    %reduce_min3A_276 = vector.multi_reduction <minimumf>, %select_n3A_274, %reduce_min3A_275 [1] : vector<512x2048xf32> to vector<512xf32>
    %broadcast_in_dim3A_277 = vector.shape_cast %reduce_min3A_276 : vector<512xf32> to vector<512x1xf32>
    %convert_element_type3A_278 = arith.fptosi %broadcast_in_dim3A_277 : vector<512x1xf32> to vector<512x1xi32>
    %add3A_279 = vector.broadcast %mul3A_21 : i32 to vector<512x1xi32>
    %add3A_280 = arith.addi %convert_element_type3A_278, %add3A_279 : vector<512x1xi32>
    %swap3A_281 = arith.constant 0 : index
    %swap3A_282 = arith.constant 0 : index
    %swap3A_283 = arith.constant 10 : index
    %swap3A_284 = vector.load %arg4[%swap3A_281, %swap3A_282, %swap3A_283] : memref<1x512x16xi32, #tpu.memory_space<vmem>>, vector<1x512x1xi32>
    %swap3A_285 = vector.shape_cast %swap3A_284 : vector<1x512x1xi32> to vector<512x1xi32>
    %swap3A_286 = vector.shape_cast %add3A_280 : vector<512x1xi32> to vector<1x512x1xi32>
    tpu.vector_store %arg4[%swap3A_281, %swap3A_282, %swap3A_283], %swap3A_286 {strides = array<i32>} : memref<1x512x16xi32, #tpu.memory_space<vmem>>, vector<1x512x1xi32>,
    %eq3A_287 = vector.broadcast %broadcast_in_dim3A_277 : vector<512x1xf32> to vector<512x2048xf32>
    %eq3A_288 = arith.cmpf oeq, %convert_element_type3A, %eq3A_287 : vector<512x2048xf32>
    %jit3A_289 = arith.constant 3.000000e+38 : f32
    %broadcast_in_dim3A_290 = vector.broadcast %jit3A_289 : f32 to vector<512x2048xf32>
    %select_n3A_291 = arith.select %eq3A_288, %broadcast_in_dim3A_290, %select_n3A_266 : vector<512x2048xi1>, vector<512x2048xf32>
    %reduce_min3A_292 = arith.constant dense<0x7F800000> : vector<512xf32>
    %reduce_min3A_293 = vector.multi_reduction <minimumf>, %select_n3A_291, %reduce_min3A_292 [1] : vector<512x2048xf32> to vector<512xf32>
    %broadcast_in_dim3A_294 = vector.shape_cast %reduce_min3A_293 : vector<512xf32> to vector<512x1xf32>
    %eq3A_295 = vector.broadcast %broadcast_in_dim3A_294 : vector<512x1xf32> to vector<512x2048xf32>
    %eq3A_296 = arith.cmpf oeq, %select_n3A_291, %eq3A_295 : vector<512x2048xf32>
    %jit3A_297 = arith.constant 3.000000e+38 : f32
    %broadcast_in_dim3A_298 = vector.broadcast %jit3A_297 : f32 to vector<512x2048xf32>
    %select_n3A_299 = arith.select %eq3A_296, %convert_element_type3A, %broadcast_in_dim3A_298 : vector<512x2048xi1>, vector<512x2048xf32>
    %reduce_min3A_300 = arith.constant dense<0x7F800000> : vector<512xf32>
    %reduce_min3A_301 = vector.multi_reduction <minimumf>, %select_n3A_299, %reduce_min3A_300 [1] : vector<512x2048xf32> to vector<512xf32>
    %broadcast_in_dim3A_302 = vector.shape_cast %reduce_min3A_301 : vector<512xf32> to vector<512x1xf32>
    %convert_element_type3A_303 = arith.fptosi %broadcast_in_dim3A_302 : vector<512x1xf32> to vector<512x1xi32>
    %add3A_304 = vector.broadcast %mul3A_21 : i32 to vector<512x1xi32>
    %add3A_305 = arith.addi %convert_element_type3A_303, %add3A_304 : vector<512x1xi32>
    %swap3A_306 = arith.constant 0 : index
    %swap3A_307 = arith.constant 0 : index
    %swap3A_308 = arith.constant 11 : index
    %swap3A_309 = vector.load %arg4[%swap3A_306, %swap3A_307, %swap3A_308] : memref<1x512x16xi32, #tpu.memory_space<vmem>>, vector<1x512x1xi32>
    %swap3A_310 = vector.shape_cast %swap3A_309 : vector<1x512x1xi32> to vector<512x1xi32>
    %swap3A_311 = vector.shape_cast %add3A_305 : vector<512x1xi32> to vector<1x512x1xi32>
    tpu.vector_store %arg4[%swap3A_306, %swap3A_307, %swap3A_308], %swap3A_311 {strides = array<i32>} : memref<1x512x16xi32, #tpu.memory_space<vmem>>, vector<1x512x1xi32>,
    %eq3A_312 = vector.broadcast %broadcast_in_dim3A_302 : vector<512x1xf32> to vector<512x2048xf32>
    %eq3A_313 = arith.cmpf oeq, %convert_element_type3A, %eq3A_312 : vector<512x2048xf32>
    %jit3A_314 = arith.constant 3.000000e+38 : f32
    %broadcast_in_dim3A_315 = vector.broadcast %jit3A_314 : f32 to vector<512x2048xf32>
    %select_n3A_316 = arith.select %eq3A_313, %broadcast_in_dim3A_315, %select_n3A_291 : vector<512x2048xi1>, vector<512x2048xf32>
    %reduce_min3A_317 = arith.constant dense<0x7F800000> : vector<512xf32>
    %reduce_min3A_318 = vector.multi_reduction <minimumf>, %select_n3A_316, %reduce_min3A_317 [1] : vector<512x2048xf32> to vector<512xf32>
    %broadcast_in_dim3A_319 = vector.shape_cast %reduce_min3A_318 : vector<512xf32> to vector<512x1xf32>
    %eq3A_320 = vector.broadcast %broadcast_in_dim3A_319 : vector<512x1xf32> to vector<512x2048xf32>
    %eq3A_321 = arith.cmpf oeq, %select_n3A_316, %eq3A_320 : vector<512x2048xf32>
    %jit3A_322 = arith.constant 3.000000e+38 : f32
    %broadcast_in_dim3A_323 = vector.broadcast %jit3A_322 : f32 to vector<512x2048xf32>
    %select_n3A_324 = arith.select %eq3A_321, %convert_element_type3A, %broadcast_in_dim3A_323 : vector<512x2048xi1>, vector<512x2048xf32>
    %reduce_min3A_325 = arith.constant dense<0x7F800000> : vector<512xf32>
    %reduce_min3A_326 = vector.multi_reduction <minimumf>, %select_n3A_324, %reduce_min3A_325 [1] : vector<512x2048xf32> to vector<512xf32>
    %broadcast_in_dim3A_327 = vector.shape_cast %reduce_min3A_326 : vector<512xf32> to vector<512x1xf32>
    %convert_element_type3A_328 = arith.fptosi %broadcast_in_dim3A_327 : vector<512x1xf32> to vector<512x1xi32>
    %add3A_329 = vector.broadcast %mul3A_21 : i32 to vector<512x1xi32>
    %add3A_330 = arith.addi %convert_element_type3A_328, %add3A_329 : vector<512x1xi32>
    %swap3A_331 = arith.constant 0 : index
    %swap3A_332 = arith.constant 0 : index
    %swap3A_333 = arith.constant 12 : index
    %swap3A_334 = vector.load %arg4[%swap3A_331, %swap3A_332, %swap3A_333] : memref<1x512x16xi32, #tpu.memory_space<vmem>>, vector<1x512x1xi32>
    %swap3A_335 = vector.shape_cast %swap3A_334 : vector<1x512x1xi32> to vector<512x1xi32>
    %swap3A_336 = vector.shape_cast %add3A_330 : vector<512x1xi32> to vector<1x512x1xi32>
    tpu.vector_store %arg4[%swap3A_331, %swap3A_332, %swap3A_333], %swap3A_336 {strides = array<i32>} : memref<1x512x16xi32, #tpu.memory_space<vmem>>, vector<1x512x1xi32>,
    %eq3A_337 = vector.broadcast %broadcast_in_dim3A_327 : vector<512x1xf32> to vector<512x2048xf32>
    %eq3A_338 = arith.cmpf oeq, %convert_element_type3A, %eq3A_337 : vector<512x2048xf32>
    %jit3A_339 = arith.constant 3.000000e+38 : f32
    %broadcast_in_dim3A_340 = vector.broadcast %jit3A_339 : f32 to vector<512x2048xf32>
    %select_n3A_341 = arith.select %eq3A_338, %broadcast_in_dim3A_340, %select_n3A_316 : vector<512x2048xi1>, vector<512x2048xf32>
    %reduce_min3A_342 = arith.constant dense<0x7F800000> : vector<512xf32>
    %reduce_min3A_343 = vector.multi_reduction <minimumf>, %select_n3A_341, %reduce_min3A_342 [1] : vector<512x2048xf32> to vector<512xf32>
    %broadcast_in_dim3A_344 = vector.shape_cast %reduce_min3A_343 : vector<512xf32> to vector<512x1xf32>
    %eq3A_345 = vector.broadcast %broadcast_in_dim3A_344 : vector<512x1xf32> to vector<512x2048xf32>
    %eq3A_346 = arith.cmpf oeq, %select_n3A_341, %eq3A_345 : vector<512x2048xf32>
    %jit3A_347 = arith.constant 3.000000e+38 : f32
    %broadcast_in_dim3A_348 = vector.broadcast %jit3A_347 : f32 to vector<512x2048xf32>
    %select_n3A_349 = arith.select %eq3A_346, %convert_element_type3A, %broadcast_in_dim3A_348 : vector<512x2048xi1>, vector<512x2048xf32>
    %reduce_min3A_350 = arith.constant dense<0x7F800000> : vector<512xf32>
    %reduce_min3A_351 = vector.multi_reduction <minimumf>, %select_n3A_349, %reduce_min3A_350 [1] : vector<512x2048xf32> to vector<512xf32>
    %broadcast_in_dim3A_352 = vector.shape_cast %reduce_min3A_351 : vector<512xf32> to vector<512x1xf32>
    %convert_element_type3A_353 = arith.fptosi %broadcast_in_dim3A_352 : vector<512x1xf32> to vector<512x1xi32>
    %add3A_354 = vector.broadcast %mul3A_21 : i32 to vector<512x1xi32>
    %add3A_355 = arith.addi %convert_element_type3A_353, %add3A_354 : vector<512x1xi32>
    %swap3A_356 = arith.constant 0 : index
    %swap3A_357 = arith.constant 0 : index
    %swap3A_358 = arith.constant 13 : index
    %swap3A_359 = vector.load %arg4[%swap3A_356, %swap3A_357, %swap3A_358] : memref<1x512x16xi32, #tpu.memory_space<vmem>>, vector<1x512x1xi32>
    %swap3A_360 = vector.shape_cast %swap3A_359 : vector<1x512x1xi32> to vector<512x1xi32>
    %swap3A_361 = vector.shape_cast %add3A_355 : vector<512x1xi32> to vector<1x512x1xi32>
    tpu.vector_store %arg4[%swap3A_356, %swap3A_357, %swap3A_358], %swap3A_361 {strides = array<i32>} : memref<1x512x16xi32, #tpu.memory_space<vmem>>, vector<1x512x1xi32>,
    %eq3A_362 = vector.broadcast %broadcast_in_dim3A_352 : vector<512x1xf32> to vector<512x2048xf32>
    %eq3A_363 = arith.cmpf oeq, %convert_element_type3A, %eq3A_362 : vector<512x2048xf32>
    %jit3A_364 = arith.constant 3.000000e+38 : f32
    %broadcast_in_dim3A_365 = vector.broadcast %jit3A_364 : f32 to vector<512x2048xf32>
    %select_n3A_366 = arith.select %eq3A_363, %broadcast_in_dim3A_365, %select_n3A_341 : vector<512x2048xi1>, vector<512x2048xf32>
    %reduce_min3A_367 = arith.constant dense<0x7F800000> : vector<512xf32>
    %reduce_min3A_368 = vector.multi_reduction <minimumf>, %select_n3A_366, %reduce_min3A_367 [1] : vector<512x2048xf32> to vector<512xf32>
    %broadcast_in_dim3A_369 = vector.shape_cast %reduce_min3A_368 : vector<512xf32> to vector<512x1xf32>
    %eq3A_370 = vector.broadcast %broadcast_in_dim3A_369 : vector<512x1xf32> to vector<512x2048xf32>
    %eq3A_371 = arith.cmpf oeq, %select_n3A_366, %eq3A_370 : vector<512x2048xf32>
    %jit3A_372 = arith.constant 3.000000e+38 : f32
    %broadcast_in_dim3A_373 = vector.broadcast %jit3A_372 : f32 to vector<512x2048xf32>
    %select_n3A_374 = arith.select %eq3A_371, %convert_element_type3A, %broadcast_in_dim3A_373 : vector<512x2048xi1>, vector<512x2048xf32>
    %reduce_min3A_375 = arith.constant dense<0x7F800000> : vector<512xf32>
    %reduce_min3A_376 = vector.multi_reduction <minimumf>, %select_n3A_374, %reduce_min3A_375 [1] : vector<512x2048xf32> to vector<512xf32>
    %broadcast_in_dim3A_377 = vector.shape_cast %reduce_min3A_376 : vector<512xf32> to vector<512x1xf32>
    %convert_element_type3A_378 = arith.fptosi %broadcast_in_dim3A_377 : vector<512x1xf32> to vector<512x1xi32>
    %add3A_379 = vector.broadcast %mul3A_21 : i32 to vector<512x1xi32>
    %add3A_380 = arith.addi %convert_element_type3A_378, %add3A_379 : vector<512x1xi32>
    %swap3A_381 = arith.constant 0 : index
    %swap3A_382 = arith.constant 0 : index
    %swap3A_383 = arith.constant 14 : index
    %swap3A_384 = vector.load %arg4[%swap3A_381, %swap3A_382, %swap3A_383] : memref<1x512x16xi32, #tpu.memory_space<vmem>>, vector<1x512x1xi32>
    %swap3A_385 = vector.shape_cast %swap3A_384 : vector<1x512x1xi32> to vector<512x1xi32>
    %swap3A_386 = vector.shape_cast %add3A_380 : vector<512x1xi32> to vector<1x512x1xi32>
    tpu.vector_store %arg4[%swap3A_381, %swap3A_382, %swap3A_383], %swap3A_386 {strides = array<i32>} : memref<1x512x16xi32, #tpu.memory_space<vmem>>, vector<1x512x1xi32>,
    %eq3A_387 = vector.broadcast %broadcast_in_dim3A_377 : vector<512x1xf32> to vector<512x2048xf32>
    %eq3A_388 = arith.cmpf oeq, %convert_element_type3A, %eq3A_387 : vector<512x2048xf32>
    %jit3A_389 = arith.constant 3.000000e+38 : f32
    %broadcast_in_dim3A_390 = vector.broadcast %jit3A_389 : f32 to vector<512x2048xf32>
    %select_n3A_391 = arith.select %eq3A_388, %broadcast_in_dim3A_390, %select_n3A_366 : vector<512x2048xi1>, vector<512x2048xf32>
    %reduce_min3A_392 = arith.constant dense<0x7F800000> : vector<512xf32>
    %reduce_min3A_393 = vector.multi_reduction <minimumf>, %select_n3A_391, %reduce_min3A_392 [1] : vector<512x2048xf32> to vector<512xf32>
    %broadcast_in_dim3A_394 = vector.shape_cast %reduce_min3A_393 : vector<512xf32> to vector<512x1xf32>
    %eq3A_395 = vector.broadcast %broadcast_in_dim3A_394 : vector<512x1xf32> to vector<512x2048xf32>
    %eq3A_396 = arith.cmpf oeq, %select_n3A_391, %eq3A_395 : vector<512x2048xf32>
    %jit3A_397 = arith.constant 3.000000e+38 : f32
    %broadcast_in_dim3A_398 = vector.broadcast %jit3A_397 : f32 to vector<512x2048xf32>
    %select_n3A_399 = arith.select %eq3A_396, %convert_element_type3A, %broadcast_in_dim3A_398 : vector<512x2048xi1>, vector<512x2048xf32>
    %reduce_min3A_400 = arith.constant dense<0x7F800000> : vector<512xf32>
    %reduce_min3A_401 = vector.multi_reduction <minimumf>, %select_n3A_399, %reduce_min3A_400 [1] : vector<512x2048xf32> to vector<512xf32>
    %broadcast_in_dim3A_402 = vector.shape_cast %reduce_min3A_401 : vector<512xf32> to vector<512x1xf32>
    %convert_element_type3A_403 = arith.fptosi %broadcast_in_dim3A_402 : vector<512x1xf32> to vector<512x1xi32>
    %add3A_404 = vector.broadcast %mul3A_21 : i32 to vector<512x1xi32>
    %add3A_405 = arith.addi %convert_element_type3A_403, %add3A_404 : vector<512x1xi32>
    %swap3A_406 = arith.constant 0 : index
    %swap3A_407 = arith.constant 0 : index
    %swap3A_408 = arith.constant 15 : index
    %swap3A_409 = vector.load %arg4[%swap3A_406, %swap3A_407, %swap3A_408] : memref<1x512x16xi32, #tpu.memory_space<vmem>>, vector<1x512x1xi32>
    %swap3A_410 = vector.shape_cast %swap3A_409 : vector<1x512x1xi32> to vector<512x1xi32>
    %swap3A_411 = vector.shape_cast %add3A_405 : vector<512x1xi32> to vector<1x512x1xi32>
    tpu.vector_store %arg4[%swap3A_406, %swap3A_407, %swap3A_408], %swap3A_411 {strides = array<i32>} : memref<1x512x16xi32, #tpu.memory_space<vmem>>, vector<1x512x1xi32>,
    return
  }
  func.func @transform_0(%arg0: i32, %arg1: i32) -> (i32, i32, i32) {
    %add3A = arith.constant 2 : i32
    %add3A_0 = arith.addi %arg1, %add3A : i32
    %c0_i32 = arith.constant 0 : i32
    %c0_i32_1 = arith.constant 0 : i32
    return %arg0, %add3A_0, %c0_i32 : i32, i32, i32
  }
  func.func @transform_1(%arg0: i32, %arg1: i32) -> (i32, i32, i32) {
    %c0_i32 = arith.constant 0 : i32
    %c0_i32_0 = arith.constant 0 : i32
    %c0_i32_1 = arith.constant 0 : i32
    return %arg0, %c0_i32, %c0_i32_0 : i32, i32, i32
  }
  func.func @transform_2(%arg0: i32, %arg1: i32) -> (i32, i32, i32) {
    %c0_i32 = arith.constant 0 : i32
    %c0_i32_0 = arith.constant 0 : i32
    return %arg0, %arg1, %c0_i32 : i32, i32, i32
  }
}

module attributes {stable_mosaic.version = 14 : i64} {
  func.func @_proj_body(%arg0: i32, %arg1: memref<1x2048x3xf32, #tpu.memory_space<vmem>>, %arg2: memref<1x2048x64xf32, #tpu.memory_space<vmem>>, %arg3: memref<64x64xf32, #tpu.memory_space<vmem>>, %arg4: memref<1x64xf32, #tpu.memory_space<vmem>>, %arg5: memref<64x64xf32, #tpu.memory_space<vmem>>, %arg6: memref<64x64xf32, #tpu.memory_space<vmem>>, %arg7: memref<64x64xf32, #tpu.memory_space<vmem>>, %arg8: memref<64x3xf32, #tpu.memory_space<vmem>>, %arg9: memref<1x2048x64xf32, #tpu.memory_space<vmem>>, %arg10: memref<1x2048x64xf32, #tpu.memory_space<vmem>>, %arg11: memref<1x2048x128xi32, #tpu.memory_space<vmem>>) attributes {dimension_semantics = [#tpu.dimension_semantics<arbitrary>], iteration_bounds = array<i64: 2>, scalar_prefetch = 0 : i64, scratch_operands = 0 : i64, tpu.core_type = #tpu.core_type<tc>, window_params = [{transform_indices = @transform_0, window_bounds = array<i64: 1, 2048, 3>}, {transform_indices = @transform_1, window_bounds = array<i64: 1, 2048, 64>}, {pipeline_mode = #tpu.pipeline_mode<synchronous>, transform_indices = @transform_2, window_bounds = array<i64: 64, 64>}, {pipeline_mode = #tpu.pipeline_mode<synchronous>, transform_indices = @transform_3, window_bounds = array<i64: 1, 64>}, {pipeline_mode = #tpu.pipeline_mode<synchronous>, transform_indices = @transform_4, window_bounds = array<i64: 64, 64>}, {pipeline_mode = #tpu.pipeline_mode<synchronous>, transform_indices = @transform_5, window_bounds = array<i64: 64, 64>}, {pipeline_mode = #tpu.pipeline_mode<synchronous>, transform_indices = @transform_6, window_bounds = array<i64: 64, 64>}, {pipeline_mode = #tpu.pipeline_mode<synchronous>, transform_indices = @transform_7, window_bounds = array<i64: 64, 3>}, {transform_indices = @transform_8, window_bounds = array<i64: 1, 2048, 64>}, {transform_indices = @transform_9, window_bounds = array<i64: 1, 2048, 64>}, {transform_indices = @transform_10, window_bounds = array<i64: 1, 2048, 128>}]} {
    %get3A = arith.constant 0 : index
    %get3A_0 = arith.constant 0 : index
    %get3A_1 = arith.constant 0 : index
    %get3A_2 = vector.load %arg2[%get3A, %get3A_0, %get3A_1] : memref<1x2048x64xf32, #tpu.memory_space<vmem>>, vector<1x2048x64xf32>
    %get3A_3 = vector.shape_cast %get3A_2 : vector<1x2048x64xf32> to vector<2048x64xf32>
    %get3A_4 = arith.constant 0 : index
    %get3A_5 = arith.constant 0 : index
    %get3A_6 = vector.load %arg3[%get3A_4, %get3A_5] : memref<64x64xf32, #tpu.memory_space<vmem>>, vector<64x64xf32>
    %dot_general3A = arith.constant dense<0.000000e+00> : vector<2048x64xf32>
    %dot_general3A_7 = tpu.matmul %get3A_3, %get3A_6, %dot_general3A {dimension_numbers = #tpu.dot_dimension_numbers<[1], [1], [0], [0], [0, 0, 1, 0], [], []>, transpose_lhs_hint = false} : vector<2048x64xf32>, vector<64x64xf32>, vector<2048x64xf32> -> vector<2048x64xf32>
    %get3A_8 = arith.constant 0 : index
    %get3A_9 = arith.constant 0 : index
    %get3A_10 = vector.load %arg4[%get3A_8, %get3A_9] : memref<1x64xf32, #tpu.memory_space<vmem>>, vector<1x64xf32>
    %add3A = vector.broadcast %get3A_10 : vector<1x64xf32> to vector<2048x64xf32>
    %add3A_11 = arith.addf %dot_general3A_7, %add3A : vector<2048x64xf32>
    %get3A_12 = arith.constant 0 : index
    %get3A_13 = arith.constant 0 : index
    %get3A_14 = vector.load %arg5[%get3A_12, %get3A_13] : memref<64x64xf32, #tpu.memory_space<vmem>>, vector<64x64xf32>
    %dot_general3A_15 = arith.constant dense<0.000000e+00> : vector<2048x64xf32>
    %dot_general3A_16 = tpu.matmul %add3A_11, %get3A_14, %dot_general3A_15 {dimension_numbers = #tpu.dot_dimension_numbers<[1], [1], [0], [0], [0, 0, 1, 0], [], []>, transpose_lhs_hint = false} : vector<2048x64xf32>, vector<64x64xf32>, vector<2048x64xf32> -> vector<2048x64xf32>
    %swap3A = arith.constant 0 : index
    %swap3A_17 = arith.constant 0 : index
    %swap3A_18 = arith.constant 0 : index
    %swap3A_19 = vector.load %arg9[%swap3A, %swap3A_17, %swap3A_18] : memref<1x2048x64xf32, #tpu.memory_space<vmem>>, vector<1x2048x64xf32>
    %swap3A_20 = vector.shape_cast %swap3A_19 : vector<1x2048x64xf32> to vector<2048x64xf32>
    %swap3A_21 = vector.shape_cast %dot_general3A_16 : vector<2048x64xf32> to vector<1x2048x64xf32>
    tpu.vector_store %arg9[%swap3A, %swap3A_17, %swap3A_18], %swap3A_21 {strides = array<i32>} : memref<1x2048x64xf32, #tpu.memory_space<vmem>>, vector<1x2048x64xf32>,
    %get3A_22 = arith.constant 0 : index
    %get3A_23 = arith.constant 0 : index
    %get3A_24 = arith.constant 0 : index
    %get3A_25 = vector.load %arg1[%get3A_22, %get3A_23, %get3A_24] : memref<1x2048x3xf32, #tpu.memory_space<vmem>>, vector<1x2048x3xf32>
    %get3A_26 = vector.shape_cast %get3A_25 : vector<1x2048x3xf32> to vector<2048x3xf32>
    %get3A_27 = arith.constant 0 : index
    %get3A_28 = arith.constant 0 : index
    %get3A_29 = vector.load %arg8[%get3A_27, %get3A_28] : memref<64x3xf32, #tpu.memory_space<vmem>>, vector<64x3xf32>
    %dot_general3A_30 = arith.constant dense<0.000000e+00> : vector<2048x64xf32>
    %dot_general3A_31 = tpu.matmul %get3A_26, %get3A_29, %dot_general3A_30 {dimension_numbers = #tpu.dot_dimension_numbers<[1], [1], [0], [0], [0, 0, 1, 0], [], []>, transpose_lhs_hint = false} : vector<2048x3xf32>, vector<64x3xf32>, vector<2048x64xf32> -> vector<2048x64xf32>
    %swap3A_32 = arith.constant 0 : index
    %swap3A_33 = arith.constant 0 : index
    %swap3A_34 = arith.constant 0 : index
    %swap3A_35 = vector.load %arg10[%swap3A_32, %swap3A_33, %swap3A_34] : memref<1x2048x64xf32, #tpu.memory_space<vmem>>, vector<1x2048x64xf32>
    %swap3A_36 = vector.shape_cast %swap3A_35 : vector<1x2048x64xf32> to vector<2048x64xf32>
    %swap3A_37 = vector.shape_cast %dot_general3A_31 : vector<2048x64xf32> to vector<1x2048x64xf32>
    tpu.vector_store %arg10[%swap3A_32, %swap3A_33, %swap3A_34], %swap3A_37 {strides = array<i32>} : memref<1x2048x64xf32, #tpu.memory_space<vmem>>, vector<1x2048x64xf32>,
    %get3A_38 = arith.constant 0 : index
    %get3A_39 = arith.constant 0 : index
    %get3A_40 = vector.load %arg6[%get3A_38, %get3A_39] : memref<64x64xf32, #tpu.memory_space<vmem>>, vector<64x64xf32>
    %dot_general3A_41 = arith.constant dense<0.000000e+00> : vector<2048x64xf32>
    %dot_general3A_42 = tpu.matmul %add3A_11, %get3A_40, %dot_general3A_41 {dimension_numbers = #tpu.dot_dimension_numbers<[1], [1], [0], [0], [0, 0, 1, 0], [], []>, transpose_lhs_hint = false} : vector<2048x64xf32>, vector<64x64xf32>, vector<2048x64xf32> -> vector<2048x64xf32>
    %convert_element_type3A = arith.truncf %dot_general3A_42 : vector<2048x64xf32> to vector<2048x64xbf16>
    %bitcast_convert_type3A = tpu.bitcast %convert_element_type3A : vector<2048x64xbf16> -> vector<2048x64xi16>
    %convert_element_type3A_43 = arith.extui %bitcast_convert_type3A : vector<2048x64xi16> to vector<2048x64xi32>
    %get3A_44 = arith.constant 0 : index
    %get3A_45 = arith.constant 0 : index
    %get3A_46 = vector.load %arg7[%get3A_44, %get3A_45] : memref<64x64xf32, #tpu.memory_space<vmem>>, vector<64x64xf32>
    %dot_general3A_47 = arith.constant dense<0.000000e+00> : vector<2048x64xf32>
    %dot_general3A_48 = tpu.matmul %add3A_11, %get3A_46, %dot_general3A_47 {dimension_numbers = #tpu.dot_dimension_numbers<[1], [1], [0], [0], [0, 0, 1, 0], [], []>, transpose_lhs_hint = false} : vector<2048x64xf32>, vector<64x64xf32>, vector<2048x64xf32> -> vector<2048x64xf32>
    %convert_element_type3A_49 = arith.truncf %dot_general3A_48 : vector<2048x64xf32> to vector<2048x64xbf16>
    %bitcast_convert_type3A_50 = tpu.bitcast %convert_element_type3A_49 : vector<2048x64xbf16> -> vector<2048x64xi16>
    %convert_element_type3A_51 = arith.extui %bitcast_convert_type3A_50 : vector<2048x64xi16> to vector<2048x64xi32>
    %shift_left3A = arith.constant 16 : i32
    %shift_left3A_52 = vector.broadcast %shift_left3A : i32 to vector<2048x64xi32>
    %shift_left3A_53 = arith.shli %convert_element_type3A_51, %shift_left3A_52 : vector<2048x64xi32>
    %or3A = arith.ori %convert_element_type3A_43, %shift_left3A_53 : vector<2048x64xi32>
    %convert_element_type3A_54 = arith.truncf %dot_general3A_31 : vector<2048x64xf32> to vector<2048x64xbf16>
    %bitcast_convert_type3A_55 = tpu.bitcast %convert_element_type3A_54 : vector<2048x64xbf16> -> vector<2048x64xi16>
    %convert_element_type3A_56 = arith.extui %bitcast_convert_type3A_55 : vector<2048x64xi16> to vector<2048x64xi32>
    %concatenate3A = tpu.concatenate %or3A, %convert_element_type3A_56 in 1 : vector<2048x64xi32>, vector<2048x64xi32> -> vector<2048x128xi32>
    %bitcast_convert_type3A_57 = tpu.bitcast %concatenate3A : vector<2048x128xi32> -> vector<2048x128xi32>
    %swap3A_58 = arith.constant 0 : index
    %swap3A_59 = arith.constant 0 : index
    %swap3A_60 = arith.constant 0 : index
    %swap3A_61 = vector.load %arg11[%swap3A_58, %swap3A_59, %swap3A_60] : memref<1x2048x128xi32, #tpu.memory_space<vmem>>, vector<1x2048x128xi32>
    %swap3A_62 = vector.shape_cast %swap3A_61 : vector<1x2048x128xi32> to vector<2048x128xi32>
    %swap3A_63 = vector.shape_cast %bitcast_convert_type3A_57 : vector<2048x128xi32> to vector<1x2048x128xi32>
    tpu.vector_store %arg11[%swap3A_58, %swap3A_59, %swap3A_60], %swap3A_63 {strides = array<i32>} : memref<1x2048x128xi32, #tpu.memory_space<vmem>>, vector<1x2048x128xi32>,
    return
  }
  func.func @transform_0(%arg0: i32) -> (i32, i32, i32) {
    %c0_i32 = arith.constant 0 : i32
    %c0_i32_0 = arith.constant 0 : i32
    %c0_i32_1 = arith.constant 0 : i32
    return %arg0, %c0_i32, %c0_i32_0 : i32, i32, i32
  }
  func.func @transform_1(%arg0: i32) -> (i32, i32, i32) {
    %c0_i32 = arith.constant 0 : i32
    %c0_i32_0 = arith.constant 0 : i32
    %c0_i32_1 = arith.constant 0 : i32
    return %arg0, %c0_i32, %c0_i32_0 : i32, i32, i32
  }
  func.func @transform_2(%arg0: i32) -> (i32, i32) {
    %c0_i32 = arith.constant 0 : i32
    %c0_i32_0 = arith.constant 0 : i32
    %c0_i32_1 = arith.constant 0 : i32
    return %c0_i32, %c0_i32_0 : i32, i32
  }
  func.func @transform_3(%arg0: i32) -> (i32, i32) {
    %c0_i32 = arith.constant 0 : i32
    %c0_i32_0 = arith.constant 0 : i32
    %c0_i32_1 = arith.constant 0 : i32
    return %c0_i32, %c0_i32_0 : i32, i32
  }
  func.func @transform_4(%arg0: i32) -> (i32, i32) {
    %c0_i32 = arith.constant 0 : i32
    %c0_i32_0 = arith.constant 0 : i32
    %c0_i32_1 = arith.constant 0 : i32
    return %c0_i32, %c0_i32_0 : i32, i32
  }
  func.func @transform_5(%arg0: i32) -> (i32, i32) {
    %c0_i32 = arith.constant 0 : i32
    %c0_i32_0 = arith.constant 0 : i32
    %c0_i32_1 = arith.constant 0 : i32
    return %c0_i32, %c0_i32_0 : i32, i32
  }
  func.func @transform_6(%arg0: i32) -> (i32, i32) {
    %c0_i32 = arith.constant 0 : i32
    %c0_i32_0 = arith.constant 0 : i32
    %c0_i32_1 = arith.constant 0 : i32
    return %c0_i32, %c0_i32_0 : i32, i32
  }
  func.func @transform_7(%arg0: i32) -> (i32, i32) {
    %c0_i32 = arith.constant 0 : i32
    %c0_i32_0 = arith.constant 0 : i32
    %c0_i32_1 = arith.constant 0 : i32
    return %c0_i32, %c0_i32_0 : i32, i32
  }
  func.func @transform_8(%arg0: i32) -> (i32, i32, i32) {
    %c0_i32 = arith.constant 0 : i32
    %c0_i32_0 = arith.constant 0 : i32
    %c0_i32_1 = arith.constant 0 : i32
    return %arg0, %c0_i32, %c0_i32_0 : i32, i32, i32
  }
  func.func @transform_9(%arg0: i32) -> (i32, i32, i32) {
    %c0_i32 = arith.constant 0 : i32
    %c0_i32_0 = arith.constant 0 : i32
    %c0_i32_1 = arith.constant 0 : i32
    return %arg0, %c0_i32, %c0_i32_0 : i32, i32, i32
  }
  func.func @transform_10(%arg0: i32) -> (i32, i32, i32) {
    %c0_i32 = arith.constant 0 : i32
    %c0_i32_0 = arith.constant 0 : i32
    %c0_i32_1 = arith.constant 0 : i32
    return %arg0, %c0_i32, %c0_i32_0 : i32, i32, i32
  }
}

module attributes {stable_mosaic.version = 14 : i64} {
  func.func @_attn_body(%arg0: i32, %arg1: i32, %arg2: memref<1x256x64xf32, #tpu.memory_space<vmem>>, %arg3: memref<1x256x64xf32, #tpu.memory_space<vmem>>, %arg4: memref<1x256x64xf32, #tpu.memory_space<vmem>>, %arg5: memref<4096x128xi32, #tpu.memory_space<vmem>>, %arg6: memref<64x64xf32, #tpu.memory_space<vmem>>, %arg7: memref<1x64xf32, #tpu.memory_space<vmem>>, %arg8: memref<64x64xf32, #tpu.memory_space<vmem>>, %arg9: memref<1x64xf32, #tpu.memory_space<vmem>>, %arg10: memref<64x64xf32, #tpu.memory_space<vmem>>, %arg11: memref<1x64xf32, #tpu.memory_space<vmem>>, %arg12: memref<64x64xf32, #tpu.memory_space<vmem>>, %arg13: memref<1x64xf32, #tpu.memory_space<vmem>>, %arg14: memref<1x64xf32, #tpu.memory_space<vmem>>, %arg15: memref<1x256x64xf32, #tpu.memory_space<vmem>>) attributes {dimension_semantics = [#tpu.dimension_semantics<arbitrary>, #tpu.dimension_semantics<arbitrary>], iteration_bounds = array<i64: 2, 4>, scalar_prefetch = 0 : i64, scratch_operands = 0 : i64, tpu.core_type = #tpu.core_type<tc>, window_params = [{transform_indices = @transform_0, window_bounds = array<i64: 1, 256, 64>}, {transform_indices = @transform_1, window_bounds = array<i64: 1, 256, 64>}, {transform_indices = @transform_2, window_bounds = array<i64: 1, 256, 64>}, {transform_indices = @transform_3, window_bounds = array<i64: 4096, 128>}, {pipeline_mode = #tpu.pipeline_mode<synchronous>, transform_indices = @transform_4, window_bounds = array<i64: 64, 64>}, {pipeline_mode = #tpu.pipeline_mode<synchronous>, transform_indices = @transform_5, window_bounds = array<i64: 1, 64>}, {pipeline_mode = #tpu.pipeline_mode<synchronous>, transform_indices = @transform_6, window_bounds = array<i64: 64, 64>}, {pipeline_mode = #tpu.pipeline_mode<synchronous>, transform_indices = @transform_7, window_bounds = array<i64: 1, 64>}, {pipeline_mode = #tpu.pipeline_mode<synchronous>, transform_indices = @transform_8, window_bounds = array<i64: 64, 64>}, {pipeline_mode = #tpu.pipeline_mode<synchronous>, transform_indices = @transform_9, window_bounds = array<i64: 1, 64>}, {pipeline_mode = #tpu.pipeline_mode<synchronous>, transform_indices = @transform_10, window_bounds = array<i64: 64, 64>}, {pipeline_mode = #tpu.pipeline_mode<synchronous>, transform_indices = @transform_11, window_bounds = array<i64: 1, 64>}, {pipeline_mode = #tpu.pipeline_mode<synchronous>, transform_indices = @transform_12, window_bounds = array<i64: 1, 64>}, {transform_indices = @transform_13, window_bounds = array<i64: 1, 256, 64>}]} {
    %get3A = arith.constant 0 : index
    %get3A_0 = arith.constant 0 : index
    %get3A_1 = arith.constant 0 : index
    %get3A_2 = vector.load %arg2[%get3A, %get3A_0, %get3A_1] : memref<1x256x64xf32, #tpu.memory_space<vmem>>, vector<1x256x64xf32>
    %get3A_3 = vector.shape_cast %get3A_2 : vector<1x256x64xf32> to vector<256x64xf32>
    %get3A_4 = arith.constant 0 : index
    %get3A_5 = arith.constant 0 : index
    %get3A_6 = arith.constant 0 : index
    %get3A_7 = vector.load %arg3[%get3A_4, %get3A_5, %get3A_6] : memref<1x256x64xf32, #tpu.memory_space<vmem>>, vector<1x256x64xf32>
    %get3A_8 = vector.shape_cast %get3A_7 : vector<1x256x64xf32> to vector<256x64xf32>
    %get3A_9 = arith.constant 0 : index
    %get3A_10 = arith.constant 0 : index
    %get3A_11 = vector.load %arg5[%get3A_9, %get3A_10] : memref<4096x128xi32, #tpu.memory_space<vmem>>, vector<4096x128xi32>
    %bitcast_convert_type3A = tpu.bitcast %get3A_11 : vector<4096x128xi32> -> vector<4096x128xi32>
    %slice3A = vector.extract_strided_slice %bitcast_convert_type3A {offsets = [0, 0], sizes = [4096, 64], strides = [1, 1]} : vector<4096x128xi32> to vector<4096x64xi32>
    %and3A = arith.constant 65535 : i32
    %and3A_12 = vector.broadcast %and3A : i32 to vector<4096x64xi32>
    %and3A_13 = arith.andi %slice3A, %and3A_12 : vector<4096x64xi32>
    %convert_element_type3A = arith.trunci %and3A_13 : vector<4096x64xi32> to vector<4096x64xi16>
    %bitcast_convert_type3A_14 = tpu.bitcast %convert_element_type3A : vector<4096x64xi16> -> vector<4096x64xbf16>
    %convert_element_type3A_15 = arith.extf %bitcast_convert_type3A_14 : vector<4096x64xbf16> to vector<4096x64xf32>
    %shift_right_logical3A = arith.constant 16 : i32
    %shift_right_logical3A_16 = vector.broadcast %shift_right_logical3A : i32 to vector<4096x64xi32>
    %shift_right_logical3A_17 = arith.shrui %slice3A, %shift_right_logical3A_16 : vector<4096x64xi32>
    %convert_element_type3A_18 = arith.trunci %shift_right_logical3A_17 : vector<4096x64xi32> to vector<4096x64xi16>
    %bitcast_convert_type3A_19 = tpu.bitcast %convert_element_type3A_18 : vector<4096x64xi16> -> vector<4096x64xbf16>
    %convert_element_type3A_20 = arith.extf %bitcast_convert_type3A_19 : vector<4096x64xbf16> to vector<4096x64xf32>
    %slice3A_21 = vector.extract_strided_slice %bitcast_convert_type3A {offsets = [0, 64], sizes = [4096, 64], strides = [1, 1]} : vector<4096x128xi32> to vector<4096x64xi32>
    %and3A_22 = arith.constant 65535 : i32
    %and3A_23 = vector.broadcast %and3A_22 : i32 to vector<4096x64xi32>
    %and3A_24 = arith.andi %slice3A_21, %and3A_23 : vector<4096x64xi32>
    %convert_element_type3A_25 = arith.trunci %and3A_24 : vector<4096x64xi32> to vector<4096x64xi16>
    %bitcast_convert_type3A_26 = tpu.bitcast %convert_element_type3A_25 : vector<4096x64xi16> -> vector<4096x64xbf16>
    %convert_element_type3A_27 = arith.extf %bitcast_convert_type3A_26 : vector<4096x64xbf16> to vector<4096x64xf32>
    %broadcast_in_dim3A = vector.shape_cast %get3A_8 : vector<256x64xf32> to vector<256x1x64xf32>
    %reshape3A = vector.shape_cast %convert_element_type3A_27 : vector<4096x64xf32> to vector<256x16x64xf32>
    %sub3A = vector.broadcast %broadcast_in_dim3A : vector<256x1x64xf32> to vector<256x16x64xf32>
    %sub3A_28 = arith.subf %sub3A, %reshape3A : vector<256x16x64xf32>
    %get3A_29 = arith.constant 0 : index
    %get3A_30 = arith.constant 0 : index
    %get3A_31 = vector.load %arg14[%get3A_29, %get3A_30] : memref<1x64xf32, #tpu.memory_space<vmem>>, vector<1x64xf32>
    %broadcast_in_dim3A_32 = vector.shape_cast %get3A_31 : vector<1x64xf32> to vector<1x1x64xf32>
    %add3A = vector.broadcast %broadcast_in_dim3A_32 : vector<1x1x64xf32> to vector<256x16x64xf32>
    %add3A_33 = arith.addf %sub3A_28, %add3A : vector<256x16x64xf32>
    %max3A = arith.constant 0.000000e+00 : f32
    %max3A_34 = vector.broadcast %max3A : f32 to vector<256x16x64xf32>
    %max3A_35 = arith.maximumf %add3A_33, %max3A_34 : vector<256x16x64xf32>
    %reshape3A_36 = vector.shape_cast %max3A_35 : vector<256x16x64xf32> to vector<4096x64xf32>
    %get3A_37 = arith.constant 0 : index
    %get3A_38 = arith.constant 0 : index
    %get3A_39 = vector.load %arg6[%get3A_37, %get3A_38] : memref<64x64xf32, #tpu.memory_space<vmem>>, vector<64x64xf32>
    %dot_general3A = arith.constant dense<0.000000e+00> : vector<4096x64xf32>
    %dot_general3A_40 = tpu.matmul %reshape3A_36, %get3A_39, %dot_general3A {dimension_numbers = #tpu.dot_dimension_numbers<[1], [1], [0], [0], [0, 0, 1, 0], [], []>, transpose_lhs_hint = false} : vector<4096x64xf32>, vector<64x64xf32>, vector<4096x64xf32> -> vector<4096x64xf32>
    %get3A_41 = arith.constant 0 : index
    %get3A_42 = arith.constant 0 : index
    %get3A_43 = vector.load %arg7[%get3A_41, %get3A_42] : memref<1x64xf32, #tpu.memory_space<vmem>>, vector<1x64xf32>
    %add3A_44 = vector.broadcast %get3A_43 : vector<1x64xf32> to vector<4096x64xf32>
    %add3A_45 = arith.addf %dot_general3A_40, %add3A_44 : vector<4096x64xf32>
    %broadcast_in_dim3A_46 = vector.shape_cast %get3A_3 : vector<256x64xf32> to vector<256x1x64xf32>
    %reshape3A_47 = vector.shape_cast %convert_element_type3A_15 : vector<4096x64xf32> to vector<256x16x64xf32>
    %sub3A_48 = vector.broadcast %broadcast_in_dim3A_46 : vector<256x1x64xf32> to vector<256x16x64xf32>
    %sub3A_49 = arith.subf %sub3A_48, %reshape3A_47 : vector<256x16x64xf32>
    %reshape3A_50 = vector.shape_cast %sub3A_49 : vector<256x16x64xf32> to vector<4096x64xf32>
    %add3A_51 = arith.addf %reshape3A_50, %add3A_45 : vector<4096x64xf32>
    %get3A_52 = arith.constant 0 : index
    %get3A_53 = arith.constant 0 : index
    %get3A_54 = vector.load %arg8[%get3A_52, %get3A_53] : memref<64x64xf32, #tpu.memory_space<vmem>>, vector<64x64xf32>
    %dot_general3A_55 = arith.constant dense<0.000000e+00> : vector<4096x64xf32>
    %dot_general3A_56 = tpu.matmul %add3A_51, %get3A_54, %dot_general3A_55 {dimension_numbers = #tpu.dot_dimension_numbers<[1], [1], [0], [0], [0, 0, 1, 0], [], []>, transpose_lhs_hint = false} : vector<4096x64xf32>, vector<64x64xf32>, vector<4096x64xf32> -> vector<4096x64xf32>
    %get3A_57 = arith.constant 0 : index
    %get3A_58 = arith.constant 0 : index
    %get3A_59 = vector.load %arg9[%get3A_57, %get3A_58] : memref<1x64xf32, #tpu.memory_space<vmem>>, vector<1x64xf32>
    %add3A_60 = vector.broadcast %get3A_59 : vector<1x64xf32> to vector<4096x64xf32>
    %add3A_61 = arith.addf %dot_general3A_56, %add3A_60 : vector<4096x64xf32>
    %max3A_62 = arith.constant 0.000000e+00 : f32
    %max3A_63 = vector.broadcast %max3A_62 : f32 to vector<4096x64xf32>
    %max3A_64 = arith.maximumf %add3A_61, %max3A_63 : vector<4096x64xf32>
    %get3A_65 = arith.constant 0 : index
    %get3A_66 = arith.constant 0 : index
    %get3A_67 = vector.load %arg10[%get3A_65, %get3A_66] : memref<64x64xf32, #tpu.memory_space<vmem>>, vector<64x64xf32>
    %dot_general3A_68 = arith.constant dense<0.000000e+00> : vector<4096x64xf32>
    %dot_general3A_69 = tpu.matmul %max3A_64, %get3A_67, %dot_general3A_68 {dimension_numbers = #tpu.dot_dimension_numbers<[1], [1], [0], [0], [0, 0, 1, 0], [], []>, transpose_lhs_hint = false} : vector<4096x64xf32>, vector<64x64xf32>, vector<4096x64xf32> -> vector<4096x64xf32>
    %get3A_70 = arith.constant 0 : index
    %get3A_71 = arith.constant 0 : index
    %get3A_72 = vector.load %arg11[%get3A_70, %get3A_71] : memref<1x64xf32, #tpu.memory_space<vmem>>, vector<1x64xf32>
    %add3A_73 = vector.broadcast %get3A_72 : vector<1x64xf32> to vector<4096x64xf32>
    %add3A_74 = arith.addf %dot_general3A_69, %add3A_73 : vector<4096x64xf32>
    %reshape3A_75 = vector.shape_cast %add3A_74 : vector<4096x64xf32> to vector<256x16x64xf32>
    %mul3A = arith.constant 1.250000e-01 : f32
    %mul3A_76 = vector.broadcast %mul3A : f32 to vector<256x16x64xf32>
    %mul3A_77 = arith.mulf %reshape3A_75, %mul3A_76 : vector<256x16x64xf32>
    %reduce_max3A = arith.constant dense<0xFF800000> : vector<256x64xf32>
    %reduce_max3A_78 = vector.multi_reduction <maximumf>, %mul3A_77, %reduce_max3A [1] : vector<256x16x64xf32> to vector<256x64xf32>
    %broadcast_in_dim3A_79 = vector.shape_cast %reduce_max3A_78 : vector<256x64xf32> to vector<256x1x64xf32>
    %sub3A_80 = vector.broadcast %broadcast_in_dim3A_79 : vector<256x1x64xf32> to vector<256x16x64xf32>
    %sub3A_81 = arith.subf %mul3A_77, %sub3A_80 : vector<256x16x64xf32>
    %exp3A = math.exp %sub3A_81 : vector<256x16x64xf32>
    %reduce_sum3A = arith.constant dense<0.000000e+00> : vector<256x64xf32>
    %reduce_sum3A_82 = vector.multi_reduction <add>, %exp3A, %reduce_sum3A [1] : vector<256x16x64xf32> to vector<256x64xf32>
    %broadcast_in_dim3A_83 = vector.shape_cast %reduce_sum3A_82 : vector<256x64xf32> to vector<256x1x64xf32>
    %div3A = vector.broadcast %broadcast_in_dim3A_83 : vector<256x1x64xf32> to vector<256x16x64xf32>
    %div3A_84 = arith.divf %exp3A, %div3A : vector<256x16x64xf32>
    %reshape3A_85 = vector.shape_cast %convert_element_type3A_20 : vector<4096x64xf32> to vector<256x16x64xf32>
    %reshape3A_86 = vector.shape_cast %add3A_45 : vector<4096x64xf32> to vector<256x16x64xf32>
    %add3A_87 = arith.addf %reshape3A_85, %reshape3A_86 : vector<256x16x64xf32>
    %mul3A_88 = arith.mulf %div3A_84, %add3A_87 : vector<256x16x64xf32>
    %reduce_sum3A_89 = arith.constant dense<0.000000e+00> : vector<256x64xf32>
    %reduce_sum3A_90 = vector.multi_reduction <add>, %mul3A_88, %reduce_sum3A_89 [1] : vector<256x16x64xf32> to vector<256x64xf32>
    %get3A_91 = arith.constant 0 : index
    %get3A_92 = arith.constant 0 : index
    %get3A_93 = vector.load %arg12[%get3A_91, %get3A_92] : memref<64x64xf32, #tpu.memory_space<vmem>>, vector<64x64xf32>
    %dot_general3A_94 = arith.constant dense<0.000000e+00> : vector<256x64xf32>
    %dot_general3A_95 = tpu.matmul %reduce_sum3A_90, %get3A_93, %dot_general3A_94 {dimension_numbers = #tpu.dot_dimension_numbers<[1], [1], [0], [0], [0, 0, 1, 0], [], []>, transpose_lhs_hint = false} : vector<256x64xf32>, vector<64x64xf32>, vector<256x64xf32> -> vector<256x64xf32>
    %get3A_96 = arith.constant 0 : index
    %get3A_97 = arith.constant 0 : index
    %get3A_98 = vector.load %arg13[%get3A_96, %get3A_97] : memref<1x64xf32, #tpu.memory_space<vmem>>, vector<1x64xf32>
    %add3A_99 = vector.broadcast %get3A_98 : vector<1x64xf32> to vector<256x64xf32>
    %add3A_100 = arith.addf %dot_general3A_95, %add3A_99 : vector<256x64xf32>
    %get3A_101 = arith.constant 0 : index
    %get3A_102 = arith.constant 0 : index
    %get3A_103 = arith.constant 0 : index
    %get3A_104 = vector.load %arg4[%get3A_101, %get3A_102, %get3A_103] : memref<1x256x64xf32, #tpu.memory_space<vmem>>, vector<1x256x64xf32>
    %get3A_105 = vector.shape_cast %get3A_104 : vector<1x256x64xf32> to vector<256x64xf32>
    %add3A_106 = arith.addf %add3A_100, %get3A_105 : vector<256x64xf32>
    %swap3A = arith.constant 0 : index
    %swap3A_107 = arith.constant 0 : index
    %swap3A_108 = arith.constant 0 : index
    %swap3A_109 = vector.load %arg15[%swap3A, %swap3A_107, %swap3A_108] : memref<1x256x64xf32, #tpu.memory_space<vmem>>, vector<1x256x64xf32>
    %swap3A_110 = vector.shape_cast %swap3A_109 : vector<1x256x64xf32> to vector<256x64xf32>
    %swap3A_111 = vector.shape_cast %add3A_106 : vector<256x64xf32> to vector<1x256x64xf32>
    tpu.vector_store %arg15[%swap3A, %swap3A_107, %swap3A_108], %swap3A_111 {strides = array<i32>} : memref<1x256x64xf32, #tpu.memory_space<vmem>>, vector<1x256x64xf32>,
    return
  }
  func.func @transform_0(%arg0: i32, %arg1: i32) -> (i32, i32, i32) {
    %add3A = arith.constant 4 : i32
    %add3A_0 = arith.addi %arg1, %add3A : i32
    %c0_i32 = arith.constant 0 : i32
    %c0_i32_1 = arith.constant 0 : i32
    return %arg0, %add3A_0, %c0_i32 : i32, i32, i32
  }
  func.func @transform_1(%arg0: i32, %arg1: i32) -> (i32, i32, i32) {
    %add3A = arith.constant 4 : i32
    %add3A_0 = arith.addi %arg1, %add3A : i32
    %c0_i32 = arith.constant 0 : i32
    %c0_i32_1 = arith.constant 0 : i32
    return %arg0, %add3A_0, %c0_i32 : i32, i32, i32
  }
  func.func @transform_2(%arg0: i32, %arg1: i32) -> (i32, i32, i32) {
    %add3A = arith.constant 4 : i32
    %add3A_0 = arith.addi %arg1, %add3A : i32
    %c0_i32 = arith.constant 0 : i32
    %c0_i32_1 = arith.constant 0 : i32
    return %arg0, %add3A_0, %c0_i32 : i32, i32, i32
  }
  func.func @transform_3(%arg0: i32, %arg1: i32) -> (i32, i32) {
    %mul3A = arith.constant 4 : i32
    %mul3A_0 = arith.muli %arg0, %mul3A : i32
    %add3A = arith.addi %mul3A_0, %arg1 : i32
    %c0_i32 = arith.constant 0 : i32
    %c0_i32_1 = arith.constant 0 : i32
    return %add3A, %c0_i32 : i32, i32
  }
  func.func @transform_4(%arg0: i32, %arg1: i32) -> (i32, i32) {
    %c0_i32 = arith.constant 0 : i32
    %c0_i32_0 = arith.constant 0 : i32
    %c0_i32_1 = arith.constant 0 : i32
    return %c0_i32, %c0_i32_0 : i32, i32
  }
  func.func @transform_5(%arg0: i32, %arg1: i32) -> (i32, i32) {
    %c0_i32 = arith.constant 0 : i32
    %c0_i32_0 = arith.constant 0 : i32
    %c0_i32_1 = arith.constant 0 : i32
    return %c0_i32, %c0_i32_0 : i32, i32
  }
  func.func @transform_6(%arg0: i32, %arg1: i32) -> (i32, i32) {
    %c0_i32 = arith.constant 0 : i32
    %c0_i32_0 = arith.constant 0 : i32
    %c0_i32_1 = arith.constant 0 : i32
    return %c0_i32, %c0_i32_0 : i32, i32
  }
  func.func @transform_7(%arg0: i32, %arg1: i32) -> (i32, i32) {
    %c0_i32 = arith.constant 0 : i32
    %c0_i32_0 = arith.constant 0 : i32
    %c0_i32_1 = arith.constant 0 : i32
    return %c0_i32, %c0_i32_0 : i32, i32
  }
  func.func @transform_8(%arg0: i32, %arg1: i32) -> (i32, i32) {
    %c0_i32 = arith.constant 0 : i32
    %c0_i32_0 = arith.constant 0 : i32
    %c0_i32_1 = arith.constant 0 : i32
    return %c0_i32, %c0_i32_0 : i32, i32
  }
  func.func @transform_9(%arg0: i32, %arg1: i32) -> (i32, i32) {
    %c0_i32 = arith.constant 0 : i32
    %c0_i32_0 = arith.constant 0 : i32
    %c0_i32_1 = arith.constant 0 : i32
    return %c0_i32, %c0_i32_0 : i32, i32
  }
  func.func @transform_10(%arg0: i32, %arg1: i32) -> (i32, i32) {
    %c0_i32 = arith.constant 0 : i32
    %c0_i32_0 = arith.constant 0 : i32
    %c0_i32_1 = arith.constant 0 : i32
    return %c0_i32, %c0_i32_0 : i32, i32
  }
  func.func @transform_11(%arg0: i32, %arg1: i32) -> (i32, i32) {
    %c0_i32 = arith.constant 0 : i32
    %c0_i32_0 = arith.constant 0 : i32
    %c0_i32_1 = arith.constant 0 : i32
    return %c0_i32, %c0_i32_0 : i32, i32
  }
  func.func @transform_12(%arg0: i32, %arg1: i32) -> (i32, i32) {
    %c0_i32 = arith.constant 0 : i32
    %c0_i32_0 = arith.constant 0 : i32
    %c0_i32_1 = arith.constant 0 : i32
    return %c0_i32, %c0_i32_0 : i32, i32
  }
  func.func @transform_13(%arg0: i32, %arg1: i32) -> (i32, i32, i32) {
    %c0_i32 = arith.constant 0 : i32
    %c0_i32_0 = arith.constant 0 : i32
    return %arg0, %arg1, %c0_i32 : i32, i32, i32
  }
}

module attributes {stable_mosaic.version = 14 : i64} {
  func.func @_topk_body(%arg0: i32, %arg1: i32, %arg2: memref<1x512x3xf32, #tpu.memory_space<vmem>>, %arg3: memref<1x3x2048xf32, #tpu.memory_space<vmem>>, %arg4: memref<1x512x16xi32, #tpu.memory_space<vmem>>) attributes {dimension_semantics = [#tpu.dimension_semantics<arbitrary>, #tpu.dimension_semantics<arbitrary>], iteration_bounds = array<i64: 2, 2>, scalar_prefetch = 0 : i64, scratch_operands = 0 : i64, tpu.core_type = #tpu.core_type<tc>, window_params = [{transform_indices = @transform_0, window_bounds = array<i64: 1, 512, 3>}, {transform_indices = @transform_1, window_bounds = array<i64: 1, 3, 2048>}, {transform_indices = @transform_2, window_bounds = array<i64: 1, 512, 16>}]} {
    %get3A = arith.constant 0 : index
    %get3A_0 = arith.constant 0 : index
    %get3A_1 = arith.constant 0 : index
    %get3A_2 = vector.load %arg2[%get3A, %get3A_0, %get3A_1] : memref<1x512x3xf32, #tpu.memory_space<vmem>>, vector<1x512x3xf32>
    %get3A_3 = vector.shape_cast %get3A_2 : vector<1x512x3xf32> to vector<512x3xf32>
    %get3A_4 = arith.constant 0 : index
    %get3A_5 = arith.constant 0 : index
    %get3A_6 = arith.constant 0 : index
    %get3A_7 = vector.load %arg3[%get3A_4, %get3A_5, %get3A_6] : memref<1x3x2048xf32, #tpu.memory_space<vmem>>, vector<1x3x2048xf32>
    %get3A_8 = vector.shape_cast %get3A_7 : vector<1x3x2048xf32> to vector<3x2048xf32>
    %mul3A = arith.mulf %get3A_3, %get3A_3 : vector<512x3xf32>
    %reduce_sum3A = arith.constant dense<0.000000e+00> : vector<512xf32>
    %reduce_sum3A_9 = vector.multi_reduction <add>, %mul3A, %reduce_sum3A [1] : vector<512x3xf32> to vector<512xf32>
    %broadcast_in_dim3A = vector.shape_cast %reduce_sum3A_9 : vector<512xf32> to vector<512x1xf32>
    %mul3A_10 = arith.mulf %get3A_8, %get3A_8 : vector<3x2048xf32>
    %reduce_sum3A_11 = arith.constant dense<0.000000e+00> : vector<2048xf32>
    %reduce_sum3A_12 = vector.multi_reduction <add>, %mul3A_10, %reduce_sum3A_11 [0] : vector<3x2048xf32> to vector<2048xf32>
    %broadcast_in_dim3A_13 = vector.shape_cast %reduce_sum3A_12 : vector<2048xf32> to vector<1x2048xf32>
    %dot_general3A = arith.constant dense<0.000000e+00> : vector<512x2048xf32>
    %dot_general3A_14 = tpu.matmul %get3A_3, %get3A_8, %dot_general3A {dimension_numbers = #tpu.dot_dimension_numbers<[1], [0], [0], [1], [0, 0, 1, 1], [], []>, transpose_lhs_hint = false} : vector<512x3xf32>, vector<3x2048xf32>, vector<512x2048xf32> -> vector<512x2048xf32>
    %add3A = vector.broadcast %broadcast_in_dim3A : vector<512x1xf32> to vector<512x2048xf32>
    %add3A_15 = vector.broadcast %broadcast_in_dim3A_13 : vector<1x2048xf32> to vector<512x2048xf32>
    %add3A_16 = arith.addf %add3A, %add3A_15 : vector<512x2048xf32>
    %mul3A_17 = arith.constant 2.000000e+00 : f32
    %mul3A_18 = vector.broadcast %mul3A_17 : f32 to vector<512x2048xf32>
    %mul3A_19 = arith.mulf %mul3A_18, %dot_general3A_14 : vector<512x2048xf32>
    %sub3A = arith.subf %add3A_16, %mul3A_19 : vector<512x2048xf32>
    %iota3A = tpu.iota {dimensions = array<i32: 1>} : vector<512x2048xi32>
    %convert_element_type3A = arith.sitofp %iota3A : vector<512x2048xi32> to vector<512x2048xf32>
    %mul3A_20 = arith.constant 2048 : i32
    %mul3A_21 = arith.muli %arg0, %mul3A_20 : i32
    %reduce_min3A = arith.constant dense<0x7F800000> : vector<512xf32>
    %reduce_min3A_22 = vector.multi_reduction <minimumf>, %sub3A, %reduce_min3A [1] : vector<512x2048xf32> to vector<512xf32>
    %broadcast_in_dim3A_23 = vector.shape_cast %reduce_min3A_22 : vector<512xf32> to vector<512x1xf32>
    %eq3A = vector.broadcast %broadcast_in_dim3A_23 : vector<512x1xf32> to vector<512x2048xf32>
    %eq3A_24 = arith.cmpf oeq, %sub3A, %eq3A : vector<512x2048xf32>
    %jit3A = arith.constant 3.000000e+38 : f32
    %broadcast_in_dim3A_25 = vector.broadcast %jit3A : f32 to vector<512x2048xf32>
    %select_n3A = arith.select %eq3A_24, %convert_element_type3A, %broadcast_in_dim3A_25 : vector<512x2048xi1>, vector<512x2048xf32>
    %reduce_min3A_26 = arith.constant dense<0x7F800000> : vector<512xf32>
    %reduce_min3A_27 = vector.multi_reduction <minimumf>, %select_n3A, %reduce_min3A_26 [1] : vector<512x2048xf32> to vector<512xf32>
    %broadcast_in_dim3A_28 = vector.shape_cast %reduce_min3A_27 : vector<512xf32> to vector<512x1xf32>
    %convert_element_type3A_29 = arith.fptosi %broadcast_in_dim3A_28 : vector<512x1xf32> to vector<512x1xi32>
    %add3A_30 = vector.broadcast %mul3A_21 : i32 to vector<512x1xi32>
    %add3A_31 = arith.addi %convert_element_type3A_29, %add3A_30 : vector<512x1xi32>
    %swap3A = arith.constant 0 : index
    %swap3A_32 = arith.constant 0 : index
    %swap3A_33 = arith.constant 0 : index
    %swap3A_34 = vector.load %arg4[%swap3A, %swap3A_32, %swap3A_33] : memref<1x512x16xi32, #tpu.memory_space<vmem>>, vector<1x512x1xi32>
    %swap3A_35 = vector.shape_cast %swap3A_34 : vector<1x512x1xi32> to vector<512x1xi32>
    %swap3A_36 = vector.shape_cast %add3A_31 : vector<512x1xi32> to vector<1x512x1xi32>
    tpu.vector_store %arg4[%swap3A, %swap3A_32, %swap3A_33], %swap3A_36 {strides = array<i32>} : memref<1x512x16xi32, #tpu.memory_space<vmem>>, vector<1x512x1xi32>,
    %eq3A_37 = vector.broadcast %broadcast_in_dim3A_28 : vector<512x1xf32> to vector<512x2048xf32>
    %eq3A_38 = arith.cmpf oeq, %convert_element_type3A, %eq3A_37 : vector<512x2048xf32>
    %jit3A_39 = arith.constant 3.000000e+38 : f32
    %broadcast_in_dim3A_40 = vector.broadcast %jit3A_39 : f32 to vector<512x2048xf32>
    %select_n3A_41 = arith.select %eq3A_38, %broadcast_in_dim3A_40, %sub3A : vector<512x2048xi1>, vector<512x2048xf32>
    %reduce_min3A_42 = arith.constant dense<0x7F800000> : vector<512xf32>
    %reduce_min3A_43 = vector.multi_reduction <minimumf>, %select_n3A_41, %reduce_min3A_42 [1] : vector<512x2048xf32> to vector<512xf32>
    %broadcast_in_dim3A_44 = vector.shape_cast %reduce_min3A_43 : vector<512xf32> to vector<512x1xf32>
    %eq3A_45 = vector.broadcast %broadcast_in_dim3A_44 : vector<512x1xf32> to vector<512x2048xf32>
    %eq3A_46 = arith.cmpf oeq, %select_n3A_41, %eq3A_45 : vector<512x2048xf32>
    %jit3A_47 = arith.constant 3.000000e+38 : f32
    %broadcast_in_dim3A_48 = vector.broadcast %jit3A_47 : f32 to vector<512x2048xf32>
    %select_n3A_49 = arith.select %eq3A_46, %convert_element_type3A, %broadcast_in_dim3A_48 : vector<512x2048xi1>, vector<512x2048xf32>
    %reduce_min3A_50 = arith.constant dense<0x7F800000> : vector<512xf32>
    %reduce_min3A_51 = vector.multi_reduction <minimumf>, %select_n3A_49, %reduce_min3A_50 [1] : vector<512x2048xf32> to vector<512xf32>
    %broadcast_in_dim3A_52 = vector.shape_cast %reduce_min3A_51 : vector<512xf32> to vector<512x1xf32>
    %convert_element_type3A_53 = arith.fptosi %broadcast_in_dim3A_52 : vector<512x1xf32> to vector<512x1xi32>
    %add3A_54 = vector.broadcast %mul3A_21 : i32 to vector<512x1xi32>
    %add3A_55 = arith.addi %convert_element_type3A_53, %add3A_54 : vector<512x1xi32>
    %swap3A_56 = arith.constant 0 : index
    %swap3A_57 = arith.constant 0 : index
    %swap3A_58 = arith.constant 1 : index
    %swap3A_59 = vector.load %arg4[%swap3A_56, %swap3A_57, %swap3A_58] : memref<1x512x16xi32, #tpu.memory_space<vmem>>, vector<1x512x1xi32>
    %swap3A_60 = vector.shape_cast %swap3A_59 : vector<1x512x1xi32> to vector<512x1xi32>
    %swap3A_61 = vector.shape_cast %add3A_55 : vector<512x1xi32> to vector<1x512x1xi32>
    tpu.vector_store %arg4[%swap3A_56, %swap3A_57, %swap3A_58], %swap3A_61 {strides = array<i32>} : memref<1x512x16xi32, #tpu.memory_space<vmem>>, vector<1x512x1xi32>,
    %eq3A_62 = vector.broadcast %broadcast_in_dim3A_52 : vector<512x1xf32> to vector<512x2048xf32>
    %eq3A_63 = arith.cmpf oeq, %convert_element_type3A, %eq3A_62 : vector<512x2048xf32>
    %jit3A_64 = arith.constant 3.000000e+38 : f32
    %broadcast_in_dim3A_65 = vector.broadcast %jit3A_64 : f32 to vector<512x2048xf32>
    %select_n3A_66 = arith.select %eq3A_63, %broadcast_in_dim3A_65, %select_n3A_41 : vector<512x2048xi1>, vector<512x2048xf32>
    %reduce_min3A_67 = arith.constant dense<0x7F800000> : vector<512xf32>
    %reduce_min3A_68 = vector.multi_reduction <minimumf>, %select_n3A_66, %reduce_min3A_67 [1] : vector<512x2048xf32> to vector<512xf32>
    %broadcast_in_dim3A_69 = vector.shape_cast %reduce_min3A_68 : vector<512xf32> to vector<512x1xf32>
    %eq3A_70 = vector.broadcast %broadcast_in_dim3A_69 : vector<512x1xf32> to vector<512x2048xf32>
    %eq3A_71 = arith.cmpf oeq, %select_n3A_66, %eq3A_70 : vector<512x2048xf32>
    %jit3A_72 = arith.constant 3.000000e+38 : f32
    %broadcast_in_dim3A_73 = vector.broadcast %jit3A_72 : f32 to vector<512x2048xf32>
    %select_n3A_74 = arith.select %eq3A_71, %convert_element_type3A, %broadcast_in_dim3A_73 : vector<512x2048xi1>, vector<512x2048xf32>
    %reduce_min3A_75 = arith.constant dense<0x7F800000> : vector<512xf32>
    %reduce_min3A_76 = vector.multi_reduction <minimumf>, %select_n3A_74, %reduce_min3A_75 [1] : vector<512x2048xf32> to vector<512xf32>
    %broadcast_in_dim3A_77 = vector.shape_cast %reduce_min3A_76 : vector<512xf32> to vector<512x1xf32>
    %convert_element_type3A_78 = arith.fptosi %broadcast_in_dim3A_77 : vector<512x1xf32> to vector<512x1xi32>
    %add3A_79 = vector.broadcast %mul3A_21 : i32 to vector<512x1xi32>
    %add3A_80 = arith.addi %convert_element_type3A_78, %add3A_79 : vector<512x1xi32>
    %swap3A_81 = arith.constant 0 : index
    %swap3A_82 = arith.constant 0 : index
    %swap3A_83 = arith.constant 2 : index
    %swap3A_84 = vector.load %arg4[%swap3A_81, %swap3A_82, %swap3A_83] : memref<1x512x16xi32, #tpu.memory_space<vmem>>, vector<1x512x1xi32>
    %swap3A_85 = vector.shape_cast %swap3A_84 : vector<1x512x1xi32> to vector<512x1xi32>
    %swap3A_86 = vector.shape_cast %add3A_80 : vector<512x1xi32> to vector<1x512x1xi32>
    tpu.vector_store %arg4[%swap3A_81, %swap3A_82, %swap3A_83], %swap3A_86 {strides = array<i32>} : memref<1x512x16xi32, #tpu.memory_space<vmem>>, vector<1x512x1xi32>,
    %eq3A_87 = vector.broadcast %broadcast_in_dim3A_77 : vector<512x1xf32> to vector<512x2048xf32>
    %eq3A_88 = arith.cmpf oeq, %convert_element_type3A, %eq3A_87 : vector<512x2048xf32>
    %jit3A_89 = arith.constant 3.000000e+38 : f32
    %broadcast_in_dim3A_90 = vector.broadcast %jit3A_89 : f32 to vector<512x2048xf32>
    %select_n3A_91 = arith.select %eq3A_88, %broadcast_in_dim3A_90, %select_n3A_66 : vector<512x2048xi1>, vector<512x2048xf32>
    %reduce_min3A_92 = arith.constant dense<0x7F800000> : vector<512xf32>
    %reduce_min3A_93 = vector.multi_reduction <minimumf>, %select_n3A_91, %reduce_min3A_92 [1] : vector<512x2048xf32> to vector<512xf32>
    %broadcast_in_dim3A_94 = vector.shape_cast %reduce_min3A_93 : vector<512xf32> to vector<512x1xf32>
    %eq3A_95 = vector.broadcast %broadcast_in_dim3A_94 : vector<512x1xf32> to vector<512x2048xf32>
    %eq3A_96 = arith.cmpf oeq, %select_n3A_91, %eq3A_95 : vector<512x2048xf32>
    %jit3A_97 = arith.constant 3.000000e+38 : f32
    %broadcast_in_dim3A_98 = vector.broadcast %jit3A_97 : f32 to vector<512x2048xf32>
    %select_n3A_99 = arith.select %eq3A_96, %convert_element_type3A, %broadcast_in_dim3A_98 : vector<512x2048xi1>, vector<512x2048xf32>
    %reduce_min3A_100 = arith.constant dense<0x7F800000> : vector<512xf32>
    %reduce_min3A_101 = vector.multi_reduction <minimumf>, %select_n3A_99, %reduce_min3A_100 [1] : vector<512x2048xf32> to vector<512xf32>
    %broadcast_in_dim3A_102 = vector.shape_cast %reduce_min3A_101 : vector<512xf32> to vector<512x1xf32>
    %convert_element_type3A_103 = arith.fptosi %broadcast_in_dim3A_102 : vector<512x1xf32> to vector<512x1xi32>
    %add3A_104 = vector.broadcast %mul3A_21 : i32 to vector<512x1xi32>
    %add3A_105 = arith.addi %convert_element_type3A_103, %add3A_104 : vector<512x1xi32>
    %swap3A_106 = arith.constant 0 : index
    %swap3A_107 = arith.constant 0 : index
    %swap3A_108 = arith.constant 3 : index
    %swap3A_109 = vector.load %arg4[%swap3A_106, %swap3A_107, %swap3A_108] : memref<1x512x16xi32, #tpu.memory_space<vmem>>, vector<1x512x1xi32>
    %swap3A_110 = vector.shape_cast %swap3A_109 : vector<1x512x1xi32> to vector<512x1xi32>
    %swap3A_111 = vector.shape_cast %add3A_105 : vector<512x1xi32> to vector<1x512x1xi32>
    tpu.vector_store %arg4[%swap3A_106, %swap3A_107, %swap3A_108], %swap3A_111 {strides = array<i32>} : memref<1x512x16xi32, #tpu.memory_space<vmem>>, vector<1x512x1xi32>,
    %eq3A_112 = vector.broadcast %broadcast_in_dim3A_102 : vector<512x1xf32> to vector<512x2048xf32>
    %eq3A_113 = arith.cmpf oeq, %convert_element_type3A, %eq3A_112 : vector<512x2048xf32>
    %jit3A_114 = arith.constant 3.000000e+38 : f32
    %broadcast_in_dim3A_115 = vector.broadcast %jit3A_114 : f32 to vector<512x2048xf32>
    %select_n3A_116 = arith.select %eq3A_113, %broadcast_in_dim3A_115, %select_n3A_91 : vector<512x2048xi1>, vector<512x2048xf32>
    %reduce_min3A_117 = arith.constant dense<0x7F800000> : vector<512xf32>
    %reduce_min3A_118 = vector.multi_reduction <minimumf>, %select_n3A_116, %reduce_min3A_117 [1] : vector<512x2048xf32> to vector<512xf32>
    %broadcast_in_dim3A_119 = vector.shape_cast %reduce_min3A_118 : vector<512xf32> to vector<512x1xf32>
    %eq3A_120 = vector.broadcast %broadcast_in_dim3A_119 : vector<512x1xf32> to vector<512x2048xf32>
    %eq3A_121 = arith.cmpf oeq, %select_n3A_116, %eq3A_120 : vector<512x2048xf32>
    %jit3A_122 = arith.constant 3.000000e+38 : f32
    %broadcast_in_dim3A_123 = vector.broadcast %jit3A_122 : f32 to vector<512x2048xf32>
    %select_n3A_124 = arith.select %eq3A_121, %convert_element_type3A, %broadcast_in_dim3A_123 : vector<512x2048xi1>, vector<512x2048xf32>
    %reduce_min3A_125 = arith.constant dense<0x7F800000> : vector<512xf32>
    %reduce_min3A_126 = vector.multi_reduction <minimumf>, %select_n3A_124, %reduce_min3A_125 [1] : vector<512x2048xf32> to vector<512xf32>
    %broadcast_in_dim3A_127 = vector.shape_cast %reduce_min3A_126 : vector<512xf32> to vector<512x1xf32>
    %convert_element_type3A_128 = arith.fptosi %broadcast_in_dim3A_127 : vector<512x1xf32> to vector<512x1xi32>
    %add3A_129 = vector.broadcast %mul3A_21 : i32 to vector<512x1xi32>
    %add3A_130 = arith.addi %convert_element_type3A_128, %add3A_129 : vector<512x1xi32>
    %swap3A_131 = arith.constant 0 : index
    %swap3A_132 = arith.constant 0 : index
    %swap3A_133 = arith.constant 4 : index
    %swap3A_134 = vector.load %arg4[%swap3A_131, %swap3A_132, %swap3A_133] : memref<1x512x16xi32, #tpu.memory_space<vmem>>, vector<1x512x1xi32>
    %swap3A_135 = vector.shape_cast %swap3A_134 : vector<1x512x1xi32> to vector<512x1xi32>
    %swap3A_136 = vector.shape_cast %add3A_130 : vector<512x1xi32> to vector<1x512x1xi32>
    tpu.vector_store %arg4[%swap3A_131, %swap3A_132, %swap3A_133], %swap3A_136 {strides = array<i32>} : memref<1x512x16xi32, #tpu.memory_space<vmem>>, vector<1x512x1xi32>,
    %eq3A_137 = vector.broadcast %broadcast_in_dim3A_127 : vector<512x1xf32> to vector<512x2048xf32>
    %eq3A_138 = arith.cmpf oeq, %convert_element_type3A, %eq3A_137 : vector<512x2048xf32>
    %jit3A_139 = arith.constant 3.000000e+38 : f32
    %broadcast_in_dim3A_140 = vector.broadcast %jit3A_139 : f32 to vector<512x2048xf32>
    %select_n3A_141 = arith.select %eq3A_138, %broadcast_in_dim3A_140, %select_n3A_116 : vector<512x2048xi1>, vector<512x2048xf32>
    %reduce_min3A_142 = arith.constant dense<0x7F800000> : vector<512xf32>
    %reduce_min3A_143 = vector.multi_reduction <minimumf>, %select_n3A_141, %reduce_min3A_142 [1] : vector<512x2048xf32> to vector<512xf32>
    %broadcast_in_dim3A_144 = vector.shape_cast %reduce_min3A_143 : vector<512xf32> to vector<512x1xf32>
    %eq3A_145 = vector.broadcast %broadcast_in_dim3A_144 : vector<512x1xf32> to vector<512x2048xf32>
    %eq3A_146 = arith.cmpf oeq, %select_n3A_141, %eq3A_145 : vector<512x2048xf32>
    %jit3A_147 = arith.constant 3.000000e+38 : f32
    %broadcast_in_dim3A_148 = vector.broadcast %jit3A_147 : f32 to vector<512x2048xf32>
    %select_n3A_149 = arith.select %eq3A_146, %convert_element_type3A, %broadcast_in_dim3A_148 : vector<512x2048xi1>, vector<512x2048xf32>
    %reduce_min3A_150 = arith.constant dense<0x7F800000> : vector<512xf32>
    %reduce_min3A_151 = vector.multi_reduction <minimumf>, %select_n3A_149, %reduce_min3A_150 [1] : vector<512x2048xf32> to vector<512xf32>
    %broadcast_in_dim3A_152 = vector.shape_cast %reduce_min3A_151 : vector<512xf32> to vector<512x1xf32>
    %convert_element_type3A_153 = arith.fptosi %broadcast_in_dim3A_152 : vector<512x1xf32> to vector<512x1xi32>
    %add3A_154 = vector.broadcast %mul3A_21 : i32 to vector<512x1xi32>
    %add3A_155 = arith.addi %convert_element_type3A_153, %add3A_154 : vector<512x1xi32>
    %swap3A_156 = arith.constant 0 : index
    %swap3A_157 = arith.constant 0 : index
    %swap3A_158 = arith.constant 5 : index
    %swap3A_159 = vector.load %arg4[%swap3A_156, %swap3A_157, %swap3A_158] : memref<1x512x16xi32, #tpu.memory_space<vmem>>, vector<1x512x1xi32>
    %swap3A_160 = vector.shape_cast %swap3A_159 : vector<1x512x1xi32> to vector<512x1xi32>
    %swap3A_161 = vector.shape_cast %add3A_155 : vector<512x1xi32> to vector<1x512x1xi32>
    tpu.vector_store %arg4[%swap3A_156, %swap3A_157, %swap3A_158], %swap3A_161 {strides = array<i32>} : memref<1x512x16xi32, #tpu.memory_space<vmem>>, vector<1x512x1xi32>,
    %eq3A_162 = vector.broadcast %broadcast_in_dim3A_152 : vector<512x1xf32> to vector<512x2048xf32>
    %eq3A_163 = arith.cmpf oeq, %convert_element_type3A, %eq3A_162 : vector<512x2048xf32>
    %jit3A_164 = arith.constant 3.000000e+38 : f32
    %broadcast_in_dim3A_165 = vector.broadcast %jit3A_164 : f32 to vector<512x2048xf32>
    %select_n3A_166 = arith.select %eq3A_163, %broadcast_in_dim3A_165, %select_n3A_141 : vector<512x2048xi1>, vector<512x2048xf32>
    %reduce_min3A_167 = arith.constant dense<0x7F800000> : vector<512xf32>
    %reduce_min3A_168 = vector.multi_reduction <minimumf>, %select_n3A_166, %reduce_min3A_167 [1] : vector<512x2048xf32> to vector<512xf32>
    %broadcast_in_dim3A_169 = vector.shape_cast %reduce_min3A_168 : vector<512xf32> to vector<512x1xf32>
    %eq3A_170 = vector.broadcast %broadcast_in_dim3A_169 : vector<512x1xf32> to vector<512x2048xf32>
    %eq3A_171 = arith.cmpf oeq, %select_n3A_166, %eq3A_170 : vector<512x2048xf32>
    %jit3A_172 = arith.constant 3.000000e+38 : f32
    %broadcast_in_dim3A_173 = vector.broadcast %jit3A_172 : f32 to vector<512x2048xf32>
    %select_n3A_174 = arith.select %eq3A_171, %convert_element_type3A, %broadcast_in_dim3A_173 : vector<512x2048xi1>, vector<512x2048xf32>
    %reduce_min3A_175 = arith.constant dense<0x7F800000> : vector<512xf32>
    %reduce_min3A_176 = vector.multi_reduction <minimumf>, %select_n3A_174, %reduce_min3A_175 [1] : vector<512x2048xf32> to vector<512xf32>
    %broadcast_in_dim3A_177 = vector.shape_cast %reduce_min3A_176 : vector<512xf32> to vector<512x1xf32>
    %convert_element_type3A_178 = arith.fptosi %broadcast_in_dim3A_177 : vector<512x1xf32> to vector<512x1xi32>
    %add3A_179 = vector.broadcast %mul3A_21 : i32 to vector<512x1xi32>
    %add3A_180 = arith.addi %convert_element_type3A_178, %add3A_179 : vector<512x1xi32>
    %swap3A_181 = arith.constant 0 : index
    %swap3A_182 = arith.constant 0 : index
    %swap3A_183 = arith.constant 6 : index
    %swap3A_184 = vector.load %arg4[%swap3A_181, %swap3A_182, %swap3A_183] : memref<1x512x16xi32, #tpu.memory_space<vmem>>, vector<1x512x1xi32>
    %swap3A_185 = vector.shape_cast %swap3A_184 : vector<1x512x1xi32> to vector<512x1xi32>
    %swap3A_186 = vector.shape_cast %add3A_180 : vector<512x1xi32> to vector<1x512x1xi32>
    tpu.vector_store %arg4[%swap3A_181, %swap3A_182, %swap3A_183], %swap3A_186 {strides = array<i32>} : memref<1x512x16xi32, #tpu.memory_space<vmem>>, vector<1x512x1xi32>,
    %eq3A_187 = vector.broadcast %broadcast_in_dim3A_177 : vector<512x1xf32> to vector<512x2048xf32>
    %eq3A_188 = arith.cmpf oeq, %convert_element_type3A, %eq3A_187 : vector<512x2048xf32>
    %jit3A_189 = arith.constant 3.000000e+38 : f32
    %broadcast_in_dim3A_190 = vector.broadcast %jit3A_189 : f32 to vector<512x2048xf32>
    %select_n3A_191 = arith.select %eq3A_188, %broadcast_in_dim3A_190, %select_n3A_166 : vector<512x2048xi1>, vector<512x2048xf32>
    %reduce_min3A_192 = arith.constant dense<0x7F800000> : vector<512xf32>
    %reduce_min3A_193 = vector.multi_reduction <minimumf>, %select_n3A_191, %reduce_min3A_192 [1] : vector<512x2048xf32> to vector<512xf32>
    %broadcast_in_dim3A_194 = vector.shape_cast %reduce_min3A_193 : vector<512xf32> to vector<512x1xf32>
    %eq3A_195 = vector.broadcast %broadcast_in_dim3A_194 : vector<512x1xf32> to vector<512x2048xf32>
    %eq3A_196 = arith.cmpf oeq, %select_n3A_191, %eq3A_195 : vector<512x2048xf32>
    %jit3A_197 = arith.constant 3.000000e+38 : f32
    %broadcast_in_dim3A_198 = vector.broadcast %jit3A_197 : f32 to vector<512x2048xf32>
    %select_n3A_199 = arith.select %eq3A_196, %convert_element_type3A, %broadcast_in_dim3A_198 : vector<512x2048xi1>, vector<512x2048xf32>
    %reduce_min3A_200 = arith.constant dense<0x7F800000> : vector<512xf32>
    %reduce_min3A_201 = vector.multi_reduction <minimumf>, %select_n3A_199, %reduce_min3A_200 [1] : vector<512x2048xf32> to vector<512xf32>
    %broadcast_in_dim3A_202 = vector.shape_cast %reduce_min3A_201 : vector<512xf32> to vector<512x1xf32>
    %convert_element_type3A_203 = arith.fptosi %broadcast_in_dim3A_202 : vector<512x1xf32> to vector<512x1xi32>
    %add3A_204 = vector.broadcast %mul3A_21 : i32 to vector<512x1xi32>
    %add3A_205 = arith.addi %convert_element_type3A_203, %add3A_204 : vector<512x1xi32>
    %swap3A_206 = arith.constant 0 : index
    %swap3A_207 = arith.constant 0 : index
    %swap3A_208 = arith.constant 7 : index
    %swap3A_209 = vector.load %arg4[%swap3A_206, %swap3A_207, %swap3A_208] : memref<1x512x16xi32, #tpu.memory_space<vmem>>, vector<1x512x1xi32>
    %swap3A_210 = vector.shape_cast %swap3A_209 : vector<1x512x1xi32> to vector<512x1xi32>
    %swap3A_211 = vector.shape_cast %add3A_205 : vector<512x1xi32> to vector<1x512x1xi32>
    tpu.vector_store %arg4[%swap3A_206, %swap3A_207, %swap3A_208], %swap3A_211 {strides = array<i32>} : memref<1x512x16xi32, #tpu.memory_space<vmem>>, vector<1x512x1xi32>,
    %eq3A_212 = vector.broadcast %broadcast_in_dim3A_202 : vector<512x1xf32> to vector<512x2048xf32>
    %eq3A_213 = arith.cmpf oeq, %convert_element_type3A, %eq3A_212 : vector<512x2048xf32>
    %jit3A_214 = arith.constant 3.000000e+38 : f32
    %broadcast_in_dim3A_215 = vector.broadcast %jit3A_214 : f32 to vector<512x2048xf32>
    %select_n3A_216 = arith.select %eq3A_213, %broadcast_in_dim3A_215, %select_n3A_191 : vector<512x2048xi1>, vector<512x2048xf32>
    %reduce_min3A_217 = arith.constant dense<0x7F800000> : vector<512xf32>
    %reduce_min3A_218 = vector.multi_reduction <minimumf>, %select_n3A_216, %reduce_min3A_217 [1] : vector<512x2048xf32> to vector<512xf32>
    %broadcast_in_dim3A_219 = vector.shape_cast %reduce_min3A_218 : vector<512xf32> to vector<512x1xf32>
    %eq3A_220 = vector.broadcast %broadcast_in_dim3A_219 : vector<512x1xf32> to vector<512x2048xf32>
    %eq3A_221 = arith.cmpf oeq, %select_n3A_216, %eq3A_220 : vector<512x2048xf32>
    %jit3A_222 = arith.constant 3.000000e+38 : f32
    %broadcast_in_dim3A_223 = vector.broadcast %jit3A_222 : f32 to vector<512x2048xf32>
    %select_n3A_224 = arith.select %eq3A_221, %convert_element_type3A, %broadcast_in_dim3A_223 : vector<512x2048xi1>, vector<512x2048xf32>
    %reduce_min3A_225 = arith.constant dense<0x7F800000> : vector<512xf32>
    %reduce_min3A_226 = vector.multi_reduction <minimumf>, %select_n3A_224, %reduce_min3A_225 [1] : vector<512x2048xf32> to vector<512xf32>
    %broadcast_in_dim3A_227 = vector.shape_cast %reduce_min3A_226 : vector<512xf32> to vector<512x1xf32>
    %convert_element_type3A_228 = arith.fptosi %broadcast_in_dim3A_227 : vector<512x1xf32> to vector<512x1xi32>
    %add3A_229 = vector.broadcast %mul3A_21 : i32 to vector<512x1xi32>
    %add3A_230 = arith.addi %convert_element_type3A_228, %add3A_229 : vector<512x1xi32>
    %swap3A_231 = arith.constant 0 : index
    %swap3A_232 = arith.constant 0 : index
    %swap3A_233 = arith.constant 8 : index
    %swap3A_234 = vector.load %arg4[%swap3A_231, %swap3A_232, %swap3A_233] : memref<1x512x16xi32, #tpu.memory_space<vmem>>, vector<1x512x1xi32>
    %swap3A_235 = vector.shape_cast %swap3A_234 : vector<1x512x1xi32> to vector<512x1xi32>
    %swap3A_236 = vector.shape_cast %add3A_230 : vector<512x1xi32> to vector<1x512x1xi32>
    tpu.vector_store %arg4[%swap3A_231, %swap3A_232, %swap3A_233], %swap3A_236 {strides = array<i32>} : memref<1x512x16xi32, #tpu.memory_space<vmem>>, vector<1x512x1xi32>,
    %eq3A_237 = vector.broadcast %broadcast_in_dim3A_227 : vector<512x1xf32> to vector<512x2048xf32>
    %eq3A_238 = arith.cmpf oeq, %convert_element_type3A, %eq3A_237 : vector<512x2048xf32>
    %jit3A_239 = arith.constant 3.000000e+38 : f32
    %broadcast_in_dim3A_240 = vector.broadcast %jit3A_239 : f32 to vector<512x2048xf32>
    %select_n3A_241 = arith.select %eq3A_238, %broadcast_in_dim3A_240, %select_n3A_216 : vector<512x2048xi1>, vector<512x2048xf32>
    %reduce_min3A_242 = arith.constant dense<0x7F800000> : vector<512xf32>
    %reduce_min3A_243 = vector.multi_reduction <minimumf>, %select_n3A_241, %reduce_min3A_242 [1] : vector<512x2048xf32> to vector<512xf32>
    %broadcast_in_dim3A_244 = vector.shape_cast %reduce_min3A_243 : vector<512xf32> to vector<512x1xf32>
    %eq3A_245 = vector.broadcast %broadcast_in_dim3A_244 : vector<512x1xf32> to vector<512x2048xf32>
    %eq3A_246 = arith.cmpf oeq, %select_n3A_241, %eq3A_245 : vector<512x2048xf32>
    %jit3A_247 = arith.constant 3.000000e+38 : f32
    %broadcast_in_dim3A_248 = vector.broadcast %jit3A_247 : f32 to vector<512x2048xf32>
    %select_n3A_249 = arith.select %eq3A_246, %convert_element_type3A, %broadcast_in_dim3A_248 : vector<512x2048xi1>, vector<512x2048xf32>
    %reduce_min3A_250 = arith.constant dense<0x7F800000> : vector<512xf32>
    %reduce_min3A_251 = vector.multi_reduction <minimumf>, %select_n3A_249, %reduce_min3A_250 [1] : vector<512x2048xf32> to vector<512xf32>
    %broadcast_in_dim3A_252 = vector.shape_cast %reduce_min3A_251 : vector<512xf32> to vector<512x1xf32>
    %convert_element_type3A_253 = arith.fptosi %broadcast_in_dim3A_252 : vector<512x1xf32> to vector<512x1xi32>
    %add3A_254 = vector.broadcast %mul3A_21 : i32 to vector<512x1xi32>
    %add3A_255 = arith.addi %convert_element_type3A_253, %add3A_254 : vector<512x1xi32>
    %swap3A_256 = arith.constant 0 : index
    %swap3A_257 = arith.constant 0 : index
    %swap3A_258 = arith.constant 9 : index
    %swap3A_259 = vector.load %arg4[%swap3A_256, %swap3A_257, %swap3A_258] : memref<1x512x16xi32, #tpu.memory_space<vmem>>, vector<1x512x1xi32>
    %swap3A_260 = vector.shape_cast %swap3A_259 : vector<1x512x1xi32> to vector<512x1xi32>
    %swap3A_261 = vector.shape_cast %add3A_255 : vector<512x1xi32> to vector<1x512x1xi32>
    tpu.vector_store %arg4[%swap3A_256, %swap3A_257, %swap3A_258], %swap3A_261 {strides = array<i32>} : memref<1x512x16xi32, #tpu.memory_space<vmem>>, vector<1x512x1xi32>,
    %eq3A_262 = vector.broadcast %broadcast_in_dim3A_252 : vector<512x1xf32> to vector<512x2048xf32>
    %eq3A_263 = arith.cmpf oeq, %convert_element_type3A, %eq3A_262 : vector<512x2048xf32>
    %jit3A_264 = arith.constant 3.000000e+38 : f32
    %broadcast_in_dim3A_265 = vector.broadcast %jit3A_264 : f32 to vector<512x2048xf32>
    %select_n3A_266 = arith.select %eq3A_263, %broadcast_in_dim3A_265, %select_n3A_241 : vector<512x2048xi1>, vector<512x2048xf32>
    %reduce_min3A_267 = arith.constant dense<0x7F800000> : vector<512xf32>
    %reduce_min3A_268 = vector.multi_reduction <minimumf>, %select_n3A_266, %reduce_min3A_267 [1] : vector<512x2048xf32> to vector<512xf32>
    %broadcast_in_dim3A_269 = vector.shape_cast %reduce_min3A_268 : vector<512xf32> to vector<512x1xf32>
    %eq3A_270 = vector.broadcast %broadcast_in_dim3A_269 : vector<512x1xf32> to vector<512x2048xf32>
    %eq3A_271 = arith.cmpf oeq, %select_n3A_266, %eq3A_270 : vector<512x2048xf32>
    %jit3A_272 = arith.constant 3.000000e+38 : f32
    %broadcast_in_dim3A_273 = vector.broadcast %jit3A_272 : f32 to vector<512x2048xf32>
    %select_n3A_274 = arith.select %eq3A_271, %convert_element_type3A, %broadcast_in_dim3A_273 : vector<512x2048xi1>, vector<512x2048xf32>
    %reduce_min3A_275 = arith.constant dense<0x7F800000> : vector<512xf32>
    %reduce_min3A_276 = vector.multi_reduction <minimumf>, %select_n3A_274, %reduce_min3A_275 [1] : vector<512x2048xf32> to vector<512xf32>
    %broadcast_in_dim3A_277 = vector.shape_cast %reduce_min3A_276 : vector<512xf32> to vector<512x1xf32>
    %convert_element_type3A_278 = arith.fptosi %broadcast_in_dim3A_277 : vector<512x1xf32> to vector<512x1xi32>
    %add3A_279 = vector.broadcast %mul3A_21 : i32 to vector<512x1xi32>
    %add3A_280 = arith.addi %convert_element_type3A_278, %add3A_279 : vector<512x1xi32>
    %swap3A_281 = arith.constant 0 : index
    %swap3A_282 = arith.constant 0 : index
    %swap3A_283 = arith.constant 10 : index
    %swap3A_284 = vector.load %arg4[%swap3A_281, %swap3A_282, %swap3A_283] : memref<1x512x16xi32, #tpu.memory_space<vmem>>, vector<1x512x1xi32>
    %swap3A_285 = vector.shape_cast %swap3A_284 : vector<1x512x1xi32> to vector<512x1xi32>
    %swap3A_286 = vector.shape_cast %add3A_280 : vector<512x1xi32> to vector<1x512x1xi32>
    tpu.vector_store %arg4[%swap3A_281, %swap3A_282, %swap3A_283], %swap3A_286 {strides = array<i32>} : memref<1x512x16xi32, #tpu.memory_space<vmem>>, vector<1x512x1xi32>,
    %eq3A_287 = vector.broadcast %broadcast_in_dim3A_277 : vector<512x1xf32> to vector<512x2048xf32>
    %eq3A_288 = arith.cmpf oeq, %convert_element_type3A, %eq3A_287 : vector<512x2048xf32>
    %jit3A_289 = arith.constant 3.000000e+38 : f32
    %broadcast_in_dim3A_290 = vector.broadcast %jit3A_289 : f32 to vector<512x2048xf32>
    %select_n3A_291 = arith.select %eq3A_288, %broadcast_in_dim3A_290, %select_n3A_266 : vector<512x2048xi1>, vector<512x2048xf32>
    %reduce_min3A_292 = arith.constant dense<0x7F800000> : vector<512xf32>
    %reduce_min3A_293 = vector.multi_reduction <minimumf>, %select_n3A_291, %reduce_min3A_292 [1] : vector<512x2048xf32> to vector<512xf32>
    %broadcast_in_dim3A_294 = vector.shape_cast %reduce_min3A_293 : vector<512xf32> to vector<512x1xf32>
    %eq3A_295 = vector.broadcast %broadcast_in_dim3A_294 : vector<512x1xf32> to vector<512x2048xf32>
    %eq3A_296 = arith.cmpf oeq, %select_n3A_291, %eq3A_295 : vector<512x2048xf32>
    %jit3A_297 = arith.constant 3.000000e+38 : f32
    %broadcast_in_dim3A_298 = vector.broadcast %jit3A_297 : f32 to vector<512x2048xf32>
    %select_n3A_299 = arith.select %eq3A_296, %convert_element_type3A, %broadcast_in_dim3A_298 : vector<512x2048xi1>, vector<512x2048xf32>
    %reduce_min3A_300 = arith.constant dense<0x7F800000> : vector<512xf32>
    %reduce_min3A_301 = vector.multi_reduction <minimumf>, %select_n3A_299, %reduce_min3A_300 [1] : vector<512x2048xf32> to vector<512xf32>
    %broadcast_in_dim3A_302 = vector.shape_cast %reduce_min3A_301 : vector<512xf32> to vector<512x1xf32>
    %convert_element_type3A_303 = arith.fptosi %broadcast_in_dim3A_302 : vector<512x1xf32> to vector<512x1xi32>
    %add3A_304 = vector.broadcast %mul3A_21 : i32 to vector<512x1xi32>
    %add3A_305 = arith.addi %convert_element_type3A_303, %add3A_304 : vector<512x1xi32>
    %swap3A_306 = arith.constant 0 : index
    %swap3A_307 = arith.constant 0 : index
    %swap3A_308 = arith.constant 11 : index
    %swap3A_309 = vector.load %arg4[%swap3A_306, %swap3A_307, %swap3A_308] : memref<1x512x16xi32, #tpu.memory_space<vmem>>, vector<1x512x1xi32>
    %swap3A_310 = vector.shape_cast %swap3A_309 : vector<1x512x1xi32> to vector<512x1xi32>
    %swap3A_311 = vector.shape_cast %add3A_305 : vector<512x1xi32> to vector<1x512x1xi32>
    tpu.vector_store %arg4[%swap3A_306, %swap3A_307, %swap3A_308], %swap3A_311 {strides = array<i32>} : memref<1x512x16xi32, #tpu.memory_space<vmem>>, vector<1x512x1xi32>,
    %eq3A_312 = vector.broadcast %broadcast_in_dim3A_302 : vector<512x1xf32> to vector<512x2048xf32>
    %eq3A_313 = arith.cmpf oeq, %convert_element_type3A, %eq3A_312 : vector<512x2048xf32>
    %jit3A_314 = arith.constant 3.000000e+38 : f32
    %broadcast_in_dim3A_315 = vector.broadcast %jit3A_314 : f32 to vector<512x2048xf32>
    %select_n3A_316 = arith.select %eq3A_313, %broadcast_in_dim3A_315, %select_n3A_291 : vector<512x2048xi1>, vector<512x2048xf32>
    %reduce_min3A_317 = arith.constant dense<0x7F800000> : vector<512xf32>
    %reduce_min3A_318 = vector.multi_reduction <minimumf>, %select_n3A_316, %reduce_min3A_317 [1] : vector<512x2048xf32> to vector<512xf32>
    %broadcast_in_dim3A_319 = vector.shape_cast %reduce_min3A_318 : vector<512xf32> to vector<512x1xf32>
    %eq3A_320 = vector.broadcast %broadcast_in_dim3A_319 : vector<512x1xf32> to vector<512x2048xf32>
    %eq3A_321 = arith.cmpf oeq, %select_n3A_316, %eq3A_320 : vector<512x2048xf32>
    %jit3A_322 = arith.constant 3.000000e+38 : f32
    %broadcast_in_dim3A_323 = vector.broadcast %jit3A_322 : f32 to vector<512x2048xf32>
    %select_n3A_324 = arith.select %eq3A_321, %convert_element_type3A, %broadcast_in_dim3A_323 : vector<512x2048xi1>, vector<512x2048xf32>
    %reduce_min3A_325 = arith.constant dense<0x7F800000> : vector<512xf32>
    %reduce_min3A_326 = vector.multi_reduction <minimumf>, %select_n3A_324, %reduce_min3A_325 [1] : vector<512x2048xf32> to vector<512xf32>
    %broadcast_in_dim3A_327 = vector.shape_cast %reduce_min3A_326 : vector<512xf32> to vector<512x1xf32>
    %convert_element_type3A_328 = arith.fptosi %broadcast_in_dim3A_327 : vector<512x1xf32> to vector<512x1xi32>
    %add3A_329 = vector.broadcast %mul3A_21 : i32 to vector<512x1xi32>
    %add3A_330 = arith.addi %convert_element_type3A_328, %add3A_329 : vector<512x1xi32>
    %swap3A_331 = arith.constant 0 : index
    %swap3A_332 = arith.constant 0 : index
    %swap3A_333 = arith.constant 12 : index
    %swap3A_334 = vector.load %arg4[%swap3A_331, %swap3A_332, %swap3A_333] : memref<1x512x16xi32, #tpu.memory_space<vmem>>, vector<1x512x1xi32>
    %swap3A_335 = vector.shape_cast %swap3A_334 : vector<1x512x1xi32> to vector<512x1xi32>
    %swap3A_336 = vector.shape_cast %add3A_330 : vector<512x1xi32> to vector<1x512x1xi32>
    tpu.vector_store %arg4[%swap3A_331, %swap3A_332, %swap3A_333], %swap3A_336 {strides = array<i32>} : memref<1x512x16xi32, #tpu.memory_space<vmem>>, vector<1x512x1xi32>,
    %eq3A_337 = vector.broadcast %broadcast_in_dim3A_327 : vector<512x1xf32> to vector<512x2048xf32>
    %eq3A_338 = arith.cmpf oeq, %convert_element_type3A, %eq3A_337 : vector<512x2048xf32>
    %jit3A_339 = arith.constant 3.000000e+38 : f32
    %broadcast_in_dim3A_340 = vector.broadcast %jit3A_339 : f32 to vector<512x2048xf32>
    %select_n3A_341 = arith.select %eq3A_338, %broadcast_in_dim3A_340, %select_n3A_316 : vector<512x2048xi1>, vector<512x2048xf32>
    %reduce_min3A_342 = arith.constant dense<0x7F800000> : vector<512xf32>
    %reduce_min3A_343 = vector.multi_reduction <minimumf>, %select_n3A_341, %reduce_min3A_342 [1] : vector<512x2048xf32> to vector<512xf32>
    %broadcast_in_dim3A_344 = vector.shape_cast %reduce_min3A_343 : vector<512xf32> to vector<512x1xf32>
    %eq3A_345 = vector.broadcast %broadcast_in_dim3A_344 : vector<512x1xf32> to vector<512x2048xf32>
    %eq3A_346 = arith.cmpf oeq, %select_n3A_341, %eq3A_345 : vector<512x2048xf32>
    %jit3A_347 = arith.constant 3.000000e+38 : f32
    %broadcast_in_dim3A_348 = vector.broadcast %jit3A_347 : f32 to vector<512x2048xf32>
    %select_n3A_349 = arith.select %eq3A_346, %convert_element_type3A, %broadcast_in_dim3A_348 : vector<512x2048xi1>, vector<512x2048xf32>
    %reduce_min3A_350 = arith.constant dense<0x7F800000> : vector<512xf32>
    %reduce_min3A_351 = vector.multi_reduction <minimumf>, %select_n3A_349, %reduce_min3A_350 [1] : vector<512x2048xf32> to vector<512xf32>
    %broadcast_in_dim3A_352 = vector.shape_cast %reduce_min3A_351 : vector<512xf32> to vector<512x1xf32>
    %convert_element_type3A_353 = arith.fptosi %broadcast_in_dim3A_352 : vector<512x1xf32> to vector<512x1xi32>
    %add3A_354 = vector.broadcast %mul3A_21 : i32 to vector<512x1xi32>
    %add3A_355 = arith.addi %convert_element_type3A_353, %add3A_354 : vector<512x1xi32>
    %swap3A_356 = arith.constant 0 : index
    %swap3A_357 = arith.constant 0 : index
    %swap3A_358 = arith.constant 13 : index
    %swap3A_359 = vector.load %arg4[%swap3A_356, %swap3A_357, %swap3A_358] : memref<1x512x16xi32, #tpu.memory_space<vmem>>, vector<1x512x1xi32>
    %swap3A_360 = vector.shape_cast %swap3A_359 : vector<1x512x1xi32> to vector<512x1xi32>
    %swap3A_361 = vector.shape_cast %add3A_355 : vector<512x1xi32> to vector<1x512x1xi32>
    tpu.vector_store %arg4[%swap3A_356, %swap3A_357, %swap3A_358], %swap3A_361 {strides = array<i32>} : memref<1x512x16xi32, #tpu.memory_space<vmem>>, vector<1x512x1xi32>,
    %eq3A_362 = vector.broadcast %broadcast_in_dim3A_352 : vector<512x1xf32> to vector<512x2048xf32>
    %eq3A_363 = arith.cmpf oeq, %convert_element_type3A, %eq3A_362 : vector<512x2048xf32>
    %jit3A_364 = arith.constant 3.000000e+38 : f32
    %broadcast_in_dim3A_365 = vector.broadcast %jit3A_364 : f32 to vector<512x2048xf32>
    %select_n3A_366 = arith.select %eq3A_363, %broadcast_in_dim3A_365, %select_n3A_341 : vector<512x2048xi1>, vector<512x2048xf32>
    %reduce_min3A_367 = arith.constant dense<0x7F800000> : vector<512xf32>
    %reduce_min3A_368 = vector.multi_reduction <minimumf>, %select_n3A_366, %reduce_min3A_367 [1] : vector<512x2048xf32> to vector<512xf32>
    %broadcast_in_dim3A_369 = vector.shape_cast %reduce_min3A_368 : vector<512xf32> to vector<512x1xf32>
    %eq3A_370 = vector.broadcast %broadcast_in_dim3A_369 : vector<512x1xf32> to vector<512x2048xf32>
    %eq3A_371 = arith.cmpf oeq, %select_n3A_366, %eq3A_370 : vector<512x2048xf32>
    %jit3A_372 = arith.constant 3.000000e+38 : f32
    %broadcast_in_dim3A_373 = vector.broadcast %jit3A_372 : f32 to vector<512x2048xf32>
    %select_n3A_374 = arith.select %eq3A_371, %convert_element_type3A, %broadcast_in_dim3A_373 : vector<512x2048xi1>, vector<512x2048xf32>
    %reduce_min3A_375 = arith.constant dense<0x7F800000> : vector<512xf32>
    %reduce_min3A_376 = vector.multi_reduction <minimumf>, %select_n3A_374, %reduce_min3A_375 [1] : vector<512x2048xf32> to vector<512xf32>
    %broadcast_in_dim3A_377 = vector.shape_cast %reduce_min3A_376 : vector<512xf32> to vector<512x1xf32>
    %convert_element_type3A_378 = arith.fptosi %broadcast_in_dim3A_377 : vector<512x1xf32> to vector<512x1xi32>
    %add3A_379 = vector.broadcast %mul3A_21 : i32 to vector<512x1xi32>
    %add3A_380 = arith.addi %convert_element_type3A_378, %add3A_379 : vector<512x1xi32>
    %swap3A_381 = arith.constant 0 : index
    %swap3A_382 = arith.constant 0 : index
    %swap3A_383 = arith.constant 14 : index
    %swap3A_384 = vector.load %arg4[%swap3A_381, %swap3A_382, %swap3A_383] : memref<1x512x16xi32, #tpu.memory_space<vmem>>, vector<1x512x1xi32>
    %swap3A_385 = vector.shape_cast %swap3A_384 : vector<1x512x1xi32> to vector<512x1xi32>
    %swap3A_386 = vector.shape_cast %add3A_380 : vector<512x1xi32> to vector<1x512x1xi32>
    tpu.vector_store %arg4[%swap3A_381, %swap3A_382, %swap3A_383], %swap3A_386 {strides = array<i32>} : memref<1x512x16xi32, #tpu.memory_space<vmem>>, vector<1x512x1xi32>,
    %eq3A_387 = vector.broadcast %broadcast_in_dim3A_377 : vector<512x1xf32> to vector<512x2048xf32>
    %eq3A_388 = arith.cmpf oeq, %convert_element_type3A, %eq3A_387 : vector<512x2048xf32>
    %jit3A_389 = arith.constant 3.000000e+38 : f32
    %broadcast_in_dim3A_390 = vector.broadcast %jit3A_389 : f32 to vector<512x2048xf32>
    %select_n3A_391 = arith.select %eq3A_388, %broadcast_in_dim3A_390, %select_n3A_366 : vector<512x2048xi1>, vector<512x2048xf32>
    %reduce_min3A_392 = arith.constant dense<0x7F800000> : vector<512xf32>
    %reduce_min3A_393 = vector.multi_reduction <minimumf>, %select_n3A_391, %reduce_min3A_392 [1] : vector<512x2048xf32> to vector<512xf32>
    %broadcast_in_dim3A_394 = vector.shape_cast %reduce_min3A_393 : vector<512xf32> to vector<512x1xf32>
    %eq3A_395 = vector.broadcast %broadcast_in_dim3A_394 : vector<512x1xf32> to vector<512x2048xf32>
    %eq3A_396 = arith.cmpf oeq, %select_n3A_391, %eq3A_395 : vector<512x2048xf32>
    %jit3A_397 = arith.constant 3.000000e+38 : f32
    %broadcast_in_dim3A_398 = vector.broadcast %jit3A_397 : f32 to vector<512x2048xf32>
    %select_n3A_399 = arith.select %eq3A_396, %convert_element_type3A, %broadcast_in_dim3A_398 : vector<512x2048xi1>, vector<512x2048xf32>
    %reduce_min3A_400 = arith.constant dense<0x7F800000> : vector<512xf32>
    %reduce_min3A_401 = vector.multi_reduction <minimumf>, %select_n3A_399, %reduce_min3A_400 [1] : vector<512x2048xf32> to vector<512xf32>
    %broadcast_in_dim3A_402 = vector.shape_cast %reduce_min3A_401 : vector<512xf32> to vector<512x1xf32>
    %convert_element_type3A_403 = arith.fptosi %broadcast_in_dim3A_402 : vector<512x1xf32> to vector<512x1xi32>
    %add3A_404 = vector.broadcast %mul3A_21 : i32 to vector<512x1xi32>
    %add3A_405 = arith.addi %convert_element_type3A_403, %add3A_404 : vector<512x1xi32>
    %swap3A_406 = arith.constant 0 : index
    %swap3A_407 = arith.constant 0 : index
    %swap3A_408 = arith.constant 15 : index
    %swap3A_409 = vector.load %arg4[%swap3A_406, %swap3A_407, %swap3A_408] : memref<1x512x16xi32, #tpu.memory_space<vmem>>, vector<1x512x1xi32>
    %swap3A_410 = vector.shape_cast %swap3A_409 : vector<1x512x1xi32> to vector<512x1xi32>
    %swap3A_411 = vector.shape_cast %add3A_405 : vector<512x1xi32> to vector<1x512x1xi32>
    tpu.vector_store %arg4[%swap3A_406, %swap3A_407, %swap3A_408], %swap3A_411 {strides = array<i32>} : memref<1x512x16xi32, #tpu.memory_space<vmem>>, vector<1x512x1xi32>,
    return
  }
  func.func @transform_0(%arg0: i32, %arg1: i32) -> (i32, i32, i32) {
    %add3A = arith.constant 0 : i32
    %add3A_0 = arith.addi %arg1, %add3A : i32
    %c0_i32 = arith.constant 0 : i32
    %c0_i32_1 = arith.constant 0 : i32
    return %arg0, %add3A_0, %c0_i32 : i32, i32, i32
  }
  func.func @transform_1(%arg0: i32, %arg1: i32) -> (i32, i32, i32) {
    %c0_i32 = arith.constant 0 : i32
    %c0_i32_0 = arith.constant 0 : i32
    %c0_i32_1 = arith.constant 0 : i32
    return %arg0, %c0_i32, %c0_i32_0 : i32, i32, i32
  }
  func.func @transform_2(%arg0: i32, %arg1: i32) -> (i32, i32, i32) {
    %c0_i32 = arith.constant 0 : i32
    %c0_i32_0 = arith.constant 0 : i32
    return %arg0, %arg1, %c0_i32 : i32, i32, i32
  }
}

module attributes {stable_mosaic.version = 14 : i64} {
  func.func @_attn_body(%arg0: i32, %arg1: i32, %arg2: memref<1x256x64xf32, #tpu.memory_space<vmem>>, %arg3: memref<1x256x64xf32, #tpu.memory_space<vmem>>, %arg4: memref<1x256x64xf32, #tpu.memory_space<vmem>>, %arg5: memref<4096x128xi32, #tpu.memory_space<vmem>>, %arg6: memref<64x64xf32, #tpu.memory_space<vmem>>, %arg7: memref<1x64xf32, #tpu.memory_space<vmem>>, %arg8: memref<64x64xf32, #tpu.memory_space<vmem>>, %arg9: memref<1x64xf32, #tpu.memory_space<vmem>>, %arg10: memref<64x64xf32, #tpu.memory_space<vmem>>, %arg11: memref<1x64xf32, #tpu.memory_space<vmem>>, %arg12: memref<64x64xf32, #tpu.memory_space<vmem>>, %arg13: memref<1x64xf32, #tpu.memory_space<vmem>>, %arg14: memref<1x64xf32, #tpu.memory_space<vmem>>, %arg15: memref<1x256x64xf32, #tpu.memory_space<vmem>>) attributes {dimension_semantics = [#tpu.dimension_semantics<arbitrary>, #tpu.dimension_semantics<arbitrary>], iteration_bounds = array<i64: 2, 4>, scalar_prefetch = 0 : i64, scratch_operands = 0 : i64, tpu.core_type = #tpu.core_type<tc>, window_params = [{transform_indices = @transform_0, window_bounds = array<i64: 1, 256, 64>}, {transform_indices = @transform_1, window_bounds = array<i64: 1, 256, 64>}, {transform_indices = @transform_2, window_bounds = array<i64: 1, 256, 64>}, {transform_indices = @transform_3, window_bounds = array<i64: 4096, 128>}, {pipeline_mode = #tpu.pipeline_mode<synchronous>, transform_indices = @transform_4, window_bounds = array<i64: 64, 64>}, {pipeline_mode = #tpu.pipeline_mode<synchronous>, transform_indices = @transform_5, window_bounds = array<i64: 1, 64>}, {pipeline_mode = #tpu.pipeline_mode<synchronous>, transform_indices = @transform_6, window_bounds = array<i64: 64, 64>}, {pipeline_mode = #tpu.pipeline_mode<synchronous>, transform_indices = @transform_7, window_bounds = array<i64: 1, 64>}, {pipeline_mode = #tpu.pipeline_mode<synchronous>, transform_indices = @transform_8, window_bounds = array<i64: 64, 64>}, {pipeline_mode = #tpu.pipeline_mode<synchronous>, transform_indices = @transform_9, window_bounds = array<i64: 1, 64>}, {pipeline_mode = #tpu.pipeline_mode<synchronous>, transform_indices = @transform_10, window_bounds = array<i64: 64, 64>}, {pipeline_mode = #tpu.pipeline_mode<synchronous>, transform_indices = @transform_11, window_bounds = array<i64: 1, 64>}, {pipeline_mode = #tpu.pipeline_mode<synchronous>, transform_indices = @transform_12, window_bounds = array<i64: 1, 64>}, {transform_indices = @transform_13, window_bounds = array<i64: 1, 256, 64>}]} {
    %get3A = arith.constant 0 : index
    %get3A_0 = arith.constant 0 : index
    %get3A_1 = arith.constant 0 : index
    %get3A_2 = vector.load %arg2[%get3A, %get3A_0, %get3A_1] : memref<1x256x64xf32, #tpu.memory_space<vmem>>, vector<1x256x64xf32>
    %get3A_3 = vector.shape_cast %get3A_2 : vector<1x256x64xf32> to vector<256x64xf32>
    %get3A_4 = arith.constant 0 : index
    %get3A_5 = arith.constant 0 : index
    %get3A_6 = arith.constant 0 : index
    %get3A_7 = vector.load %arg3[%get3A_4, %get3A_5, %get3A_6] : memref<1x256x64xf32, #tpu.memory_space<vmem>>, vector<1x256x64xf32>
    %get3A_8 = vector.shape_cast %get3A_7 : vector<1x256x64xf32> to vector<256x64xf32>
    %get3A_9 = arith.constant 0 : index
    %get3A_10 = arith.constant 0 : index
    %get3A_11 = vector.load %arg5[%get3A_9, %get3A_10] : memref<4096x128xi32, #tpu.memory_space<vmem>>, vector<4096x128xi32>
    %bitcast_convert_type3A = tpu.bitcast %get3A_11 : vector<4096x128xi32> -> vector<4096x128xi32>
    %slice3A = vector.extract_strided_slice %bitcast_convert_type3A {offsets = [0, 0], sizes = [4096, 64], strides = [1, 1]} : vector<4096x128xi32> to vector<4096x64xi32>
    %and3A = arith.constant 65535 : i32
    %and3A_12 = vector.broadcast %and3A : i32 to vector<4096x64xi32>
    %and3A_13 = arith.andi %slice3A, %and3A_12 : vector<4096x64xi32>
    %convert_element_type3A = arith.trunci %and3A_13 : vector<4096x64xi32> to vector<4096x64xi16>
    %bitcast_convert_type3A_14 = tpu.bitcast %convert_element_type3A : vector<4096x64xi16> -> vector<4096x64xbf16>
    %convert_element_type3A_15 = arith.extf %bitcast_convert_type3A_14 : vector<4096x64xbf16> to vector<4096x64xf32>
    %shift_right_logical3A = arith.constant 16 : i32
    %shift_right_logical3A_16 = vector.broadcast %shift_right_logical3A : i32 to vector<4096x64xi32>
    %shift_right_logical3A_17 = arith.shrui %slice3A, %shift_right_logical3A_16 : vector<4096x64xi32>
    %convert_element_type3A_18 = arith.trunci %shift_right_logical3A_17 : vector<4096x64xi32> to vector<4096x64xi16>
    %bitcast_convert_type3A_19 = tpu.bitcast %convert_element_type3A_18 : vector<4096x64xi16> -> vector<4096x64xbf16>
    %convert_element_type3A_20 = arith.extf %bitcast_convert_type3A_19 : vector<4096x64xbf16> to vector<4096x64xf32>
    %slice3A_21 = vector.extract_strided_slice %bitcast_convert_type3A {offsets = [0, 64], sizes = [4096, 64], strides = [1, 1]} : vector<4096x128xi32> to vector<4096x64xi32>
    %and3A_22 = arith.constant 65535 : i32
    %and3A_23 = vector.broadcast %and3A_22 : i32 to vector<4096x64xi32>
    %and3A_24 = arith.andi %slice3A_21, %and3A_23 : vector<4096x64xi32>
    %convert_element_type3A_25 = arith.trunci %and3A_24 : vector<4096x64xi32> to vector<4096x64xi16>
    %bitcast_convert_type3A_26 = tpu.bitcast %convert_element_type3A_25 : vector<4096x64xi16> -> vector<4096x64xbf16>
    %convert_element_type3A_27 = arith.extf %bitcast_convert_type3A_26 : vector<4096x64xbf16> to vector<4096x64xf32>
    %broadcast_in_dim3A = vector.shape_cast %get3A_8 : vector<256x64xf32> to vector<256x1x64xf32>
    %reshape3A = vector.shape_cast %convert_element_type3A_27 : vector<4096x64xf32> to vector<256x16x64xf32>
    %sub3A = vector.broadcast %broadcast_in_dim3A : vector<256x1x64xf32> to vector<256x16x64xf32>
    %sub3A_28 = arith.subf %sub3A, %reshape3A : vector<256x16x64xf32>
    %get3A_29 = arith.constant 0 : index
    %get3A_30 = arith.constant 0 : index
    %get3A_31 = vector.load %arg14[%get3A_29, %get3A_30] : memref<1x64xf32, #tpu.memory_space<vmem>>, vector<1x64xf32>
    %broadcast_in_dim3A_32 = vector.shape_cast %get3A_31 : vector<1x64xf32> to vector<1x1x64xf32>
    %add3A = vector.broadcast %broadcast_in_dim3A_32 : vector<1x1x64xf32> to vector<256x16x64xf32>
    %add3A_33 = arith.addf %sub3A_28, %add3A : vector<256x16x64xf32>
    %max3A = arith.constant 0.000000e+00 : f32
    %max3A_34 = vector.broadcast %max3A : f32 to vector<256x16x64xf32>
    %max3A_35 = arith.maximumf %add3A_33, %max3A_34 : vector<256x16x64xf32>
    %reshape3A_36 = vector.shape_cast %max3A_35 : vector<256x16x64xf32> to vector<4096x64xf32>
    %get3A_37 = arith.constant 0 : index
    %get3A_38 = arith.constant 0 : index
    %get3A_39 = vector.load %arg6[%get3A_37, %get3A_38] : memref<64x64xf32, #tpu.memory_space<vmem>>, vector<64x64xf32>
    %dot_general3A = arith.constant dense<0.000000e+00> : vector<4096x64xf32>
    %dot_general3A_40 = tpu.matmul %reshape3A_36, %get3A_39, %dot_general3A {dimension_numbers = #tpu.dot_dimension_numbers<[1], [1], [0], [0], [0, 0, 1, 0], [], []>, transpose_lhs_hint = false} : vector<4096x64xf32>, vector<64x64xf32>, vector<4096x64xf32> -> vector<4096x64xf32>
    %get3A_41 = arith.constant 0 : index
    %get3A_42 = arith.constant 0 : index
    %get3A_43 = vector.load %arg7[%get3A_41, %get3A_42] : memref<1x64xf32, #tpu.memory_space<vmem>>, vector<1x64xf32>
    %add3A_44 = vector.broadcast %get3A_43 : vector<1x64xf32> to vector<4096x64xf32>
    %add3A_45 = arith.addf %dot_general3A_40, %add3A_44 : vector<4096x64xf32>
    %broadcast_in_dim3A_46 = vector.shape_cast %get3A_3 : vector<256x64xf32> to vector<256x1x64xf32>
    %reshape3A_47 = vector.shape_cast %convert_element_type3A_15 : vector<4096x64xf32> to vector<256x16x64xf32>
    %sub3A_48 = vector.broadcast %broadcast_in_dim3A_46 : vector<256x1x64xf32> to vector<256x16x64xf32>
    %sub3A_49 = arith.subf %sub3A_48, %reshape3A_47 : vector<256x16x64xf32>
    %reshape3A_50 = vector.shape_cast %sub3A_49 : vector<256x16x64xf32> to vector<4096x64xf32>
    %add3A_51 = arith.addf %reshape3A_50, %add3A_45 : vector<4096x64xf32>
    %get3A_52 = arith.constant 0 : index
    %get3A_53 = arith.constant 0 : index
    %get3A_54 = vector.load %arg8[%get3A_52, %get3A_53] : memref<64x64xf32, #tpu.memory_space<vmem>>, vector<64x64xf32>
    %dot_general3A_55 = arith.constant dense<0.000000e+00> : vector<4096x64xf32>
    %dot_general3A_56 = tpu.matmul %add3A_51, %get3A_54, %dot_general3A_55 {dimension_numbers = #tpu.dot_dimension_numbers<[1], [1], [0], [0], [0, 0, 1, 0], [], []>, transpose_lhs_hint = false} : vector<4096x64xf32>, vector<64x64xf32>, vector<4096x64xf32> -> vector<4096x64xf32>
    %get3A_57 = arith.constant 0 : index
    %get3A_58 = arith.constant 0 : index
    %get3A_59 = vector.load %arg9[%get3A_57, %get3A_58] : memref<1x64xf32, #tpu.memory_space<vmem>>, vector<1x64xf32>
    %add3A_60 = vector.broadcast %get3A_59 : vector<1x64xf32> to vector<4096x64xf32>
    %add3A_61 = arith.addf %dot_general3A_56, %add3A_60 : vector<4096x64xf32>
    %max3A_62 = arith.constant 0.000000e+00 : f32
    %max3A_63 = vector.broadcast %max3A_62 : f32 to vector<4096x64xf32>
    %max3A_64 = arith.maximumf %add3A_61, %max3A_63 : vector<4096x64xf32>
    %get3A_65 = arith.constant 0 : index
    %get3A_66 = arith.constant 0 : index
    %get3A_67 = vector.load %arg10[%get3A_65, %get3A_66] : memref<64x64xf32, #tpu.memory_space<vmem>>, vector<64x64xf32>
    %dot_general3A_68 = arith.constant dense<0.000000e+00> : vector<4096x64xf32>
    %dot_general3A_69 = tpu.matmul %max3A_64, %get3A_67, %dot_general3A_68 {dimension_numbers = #tpu.dot_dimension_numbers<[1], [1], [0], [0], [0, 0, 1, 0], [], []>, transpose_lhs_hint = false} : vector<4096x64xf32>, vector<64x64xf32>, vector<4096x64xf32> -> vector<4096x64xf32>
    %get3A_70 = arith.constant 0 : index
    %get3A_71 = arith.constant 0 : index
    %get3A_72 = vector.load %arg11[%get3A_70, %get3A_71] : memref<1x64xf32, #tpu.memory_space<vmem>>, vector<1x64xf32>
    %add3A_73 = vector.broadcast %get3A_72 : vector<1x64xf32> to vector<4096x64xf32>
    %add3A_74 = arith.addf %dot_general3A_69, %add3A_73 : vector<4096x64xf32>
    %reshape3A_75 = vector.shape_cast %add3A_74 : vector<4096x64xf32> to vector<256x16x64xf32>
    %mul3A = arith.constant 1.250000e-01 : f32
    %mul3A_76 = vector.broadcast %mul3A : f32 to vector<256x16x64xf32>
    %mul3A_77 = arith.mulf %reshape3A_75, %mul3A_76 : vector<256x16x64xf32>
    %reduce_max3A = arith.constant dense<0xFF800000> : vector<256x64xf32>
    %reduce_max3A_78 = vector.multi_reduction <maximumf>, %mul3A_77, %reduce_max3A [1] : vector<256x16x64xf32> to vector<256x64xf32>
    %broadcast_in_dim3A_79 = vector.shape_cast %reduce_max3A_78 : vector<256x64xf32> to vector<256x1x64xf32>
    %sub3A_80 = vector.broadcast %broadcast_in_dim3A_79 : vector<256x1x64xf32> to vector<256x16x64xf32>
    %sub3A_81 = arith.subf %mul3A_77, %sub3A_80 : vector<256x16x64xf32>
    %exp3A = math.exp %sub3A_81 : vector<256x16x64xf32>
    %reduce_sum3A = arith.constant dense<0.000000e+00> : vector<256x64xf32>
    %reduce_sum3A_82 = vector.multi_reduction <add>, %exp3A, %reduce_sum3A [1] : vector<256x16x64xf32> to vector<256x64xf32>
    %broadcast_in_dim3A_83 = vector.shape_cast %reduce_sum3A_82 : vector<256x64xf32> to vector<256x1x64xf32>
    %div3A = vector.broadcast %broadcast_in_dim3A_83 : vector<256x1x64xf32> to vector<256x16x64xf32>
    %div3A_84 = arith.divf %exp3A, %div3A : vector<256x16x64xf32>
    %reshape3A_85 = vector.shape_cast %convert_element_type3A_20 : vector<4096x64xf32> to vector<256x16x64xf32>
    %reshape3A_86 = vector.shape_cast %add3A_45 : vector<4096x64xf32> to vector<256x16x64xf32>
    %add3A_87 = arith.addf %reshape3A_85, %reshape3A_86 : vector<256x16x64xf32>
    %mul3A_88 = arith.mulf %div3A_84, %add3A_87 : vector<256x16x64xf32>
    %reduce_sum3A_89 = arith.constant dense<0.000000e+00> : vector<256x64xf32>
    %reduce_sum3A_90 = vector.multi_reduction <add>, %mul3A_88, %reduce_sum3A_89 [1] : vector<256x16x64xf32> to vector<256x64xf32>
    %get3A_91 = arith.constant 0 : index
    %get3A_92 = arith.constant 0 : index
    %get3A_93 = vector.load %arg12[%get3A_91, %get3A_92] : memref<64x64xf32, #tpu.memory_space<vmem>>, vector<64x64xf32>
    %dot_general3A_94 = arith.constant dense<0.000000e+00> : vector<256x64xf32>
    %dot_general3A_95 = tpu.matmul %reduce_sum3A_90, %get3A_93, %dot_general3A_94 {dimension_numbers = #tpu.dot_dimension_numbers<[1], [1], [0], [0], [0, 0, 1, 0], [], []>, transpose_lhs_hint = false} : vector<256x64xf32>, vector<64x64xf32>, vector<256x64xf32> -> vector<256x64xf32>
    %get3A_96 = arith.constant 0 : index
    %get3A_97 = arith.constant 0 : index
    %get3A_98 = vector.load %arg13[%get3A_96, %get3A_97] : memref<1x64xf32, #tpu.memory_space<vmem>>, vector<1x64xf32>
    %add3A_99 = vector.broadcast %get3A_98 : vector<1x64xf32> to vector<256x64xf32>
    %add3A_100 = arith.addf %dot_general3A_95, %add3A_99 : vector<256x64xf32>
    %get3A_101 = arith.constant 0 : index
    %get3A_102 = arith.constant 0 : index
    %get3A_103 = arith.constant 0 : index
    %get3A_104 = vector.load %arg4[%get3A_101, %get3A_102, %get3A_103] : memref<1x256x64xf32, #tpu.memory_space<vmem>>, vector<1x256x64xf32>
    %get3A_105 = vector.shape_cast %get3A_104 : vector<1x256x64xf32> to vector<256x64xf32>
    %add3A_106 = arith.addf %add3A_100, %get3A_105 : vector<256x64xf32>
    %swap3A = arith.constant 0 : index
    %swap3A_107 = arith.constant 0 : index
    %swap3A_108 = arith.constant 0 : index
    %swap3A_109 = vector.load %arg15[%swap3A, %swap3A_107, %swap3A_108] : memref<1x256x64xf32, #tpu.memory_space<vmem>>, vector<1x256x64xf32>
    %swap3A_110 = vector.shape_cast %swap3A_109 : vector<1x256x64xf32> to vector<256x64xf32>
    %swap3A_111 = vector.shape_cast %add3A_106 : vector<256x64xf32> to vector<1x256x64xf32>
    tpu.vector_store %arg15[%swap3A, %swap3A_107, %swap3A_108], %swap3A_111 {strides = array<i32>} : memref<1x256x64xf32, #tpu.memory_space<vmem>>, vector<1x256x64xf32>,
    return
  }
  func.func @transform_0(%arg0: i32, %arg1: i32) -> (i32, i32, i32) {
    %add3A = arith.constant 0 : i32
    %add3A_0 = arith.addi %arg1, %add3A : i32
    %c0_i32 = arith.constant 0 : i32
    %c0_i32_1 = arith.constant 0 : i32
    return %arg0, %add3A_0, %c0_i32 : i32, i32, i32
  }
  func.func @transform_1(%arg0: i32, %arg1: i32) -> (i32, i32, i32) {
    %add3A = arith.constant 0 : i32
    %add3A_0 = arith.addi %arg1, %add3A : i32
    %c0_i32 = arith.constant 0 : i32
    %c0_i32_1 = arith.constant 0 : i32
    return %arg0, %add3A_0, %c0_i32 : i32, i32, i32
  }
  func.func @transform_2(%arg0: i32, %arg1: i32) -> (i32, i32, i32) {
    %add3A = arith.constant 0 : i32
    %add3A_0 = arith.addi %arg1, %add3A : i32
    %c0_i32 = arith.constant 0 : i32
    %c0_i32_1 = arith.constant 0 : i32
    return %arg0, %add3A_0, %c0_i32 : i32, i32, i32
  }
  func.func @transform_3(%arg0: i32, %arg1: i32) -> (i32, i32) {
    %mul3A = arith.constant 4 : i32
    %mul3A_0 = arith.muli %arg0, %mul3A : i32
    %add3A = arith.addi %mul3A_0, %arg1 : i32
    %c0_i32 = arith.constant 0 : i32
    %c0_i32_1 = arith.constant 0 : i32
    return %add3A, %c0_i32 : i32, i32
  }
  func.func @transform_4(%arg0: i32, %arg1: i32) -> (i32, i32) {
    %c0_i32 = arith.constant 0 : i32
    %c0_i32_0 = arith.constant 0 : i32
    %c0_i32_1 = arith.constant 0 : i32
    return %c0_i32, %c0_i32_0 : i32, i32
  }
  func.func @transform_5(%arg0: i32, %arg1: i32) -> (i32, i32) {
    %c0_i32 = arith.constant 0 : i32
    %c0_i32_0 = arith.constant 0 : i32
    %c0_i32_1 = arith.constant 0 : i32
    return %c0_i32, %c0_i32_0 : i32, i32
  }
  func.func @transform_6(%arg0: i32, %arg1: i32) -> (i32, i32) {
    %c0_i32 = arith.constant 0 : i32
    %c0_i32_0 = arith.constant 0 : i32
    %c0_i32_1 = arith.constant 0 : i32
    return %c0_i32, %c0_i32_0 : i32, i32
  }
  func.func @transform_7(%arg0: i32, %arg1: i32) -> (i32, i32) {
    %c0_i32 = arith.constant 0 : i32
    %c0_i32_0 = arith.constant 0 : i32
    %c0_i32_1 = arith.constant 0 : i32
    return %c0_i32, %c0_i32_0 : i32, i32
  }
  func.func @transform_8(%arg0: i32, %arg1: i32) -> (i32, i32) {
    %c0_i32 = arith.constant 0 : i32
    %c0_i32_0 = arith.constant 0 : i32
    %c0_i32_1 = arith.constant 0 : i32
    return %c0_i32, %c0_i32_0 : i32, i32
  }
  func.func @transform_9(%arg0: i32, %arg1: i32) -> (i32, i32) {
    %c0_i32 = arith.constant 0 : i32
    %c0_i32_0 = arith.constant 0 : i32
    %c0_i32_1 = arith.constant 0 : i32
    return %c0_i32, %c0_i32_0 : i32, i32
  }
  func.func @transform_10(%arg0: i32, %arg1: i32) -> (i32, i32) {
    %c0_i32 = arith.constant 0 : i32
    %c0_i32_0 = arith.constant 0 : i32
    %c0_i32_1 = arith.constant 0 : i32
    return %c0_i32, %c0_i32_0 : i32, i32
  }
  func.func @transform_11(%arg0: i32, %arg1: i32) -> (i32, i32) {
    %c0_i32 = arith.constant 0 : i32
    %c0_i32_0 = arith.constant 0 : i32
    %c0_i32_1 = arith.constant 0 : i32
    return %c0_i32, %c0_i32_0 : i32, i32
  }
  func.func @transform_12(%arg0: i32, %arg1: i32) -> (i32, i32) {
    %c0_i32 = arith.constant 0 : i32
    %c0_i32_0 = arith.constant 0 : i32
    %c0_i32_1 = arith.constant 0 : i32
    return %c0_i32, %c0_i32_0 : i32, i32
  }
  func.func @transform_13(%arg0: i32, %arg1: i32) -> (i32, i32, i32) {
    %c0_i32 = arith.constant 0 : i32
    %c0_i32_0 = arith.constant 0 : i32
    return %arg0, %arg1, %c0_i32 : i32, i32, i32
  }
}

</mosaic_0001>

<sc_bundles>
// kernel: kernel.12.cloned.1.call-start
scs
__scs_entry_jumppad:
0x0: {  	(pc) =	sbr.rel $0x88, $3  }
0x1: {  	(tag) =	ssettag $0x0;
	lr =	simm.s32 $0x1  }
0x2: {  	[smem:$0x3F90] =	sst lr;
	_ =	strace $0xD0000000  }
0x3: {  	_ = 	snop  }
0x4: {  	_ = 	snop  }
0x5: {  	_ = 	snop  }
0x6: {  	_ = 	snop  }
0x7: {  	_ = 	snop  }
__scs_overlays_trampoline_lowered:
0x8: {  	[smem:$0x3F9F] =	sst s0  }
0x9: {  	[smem:$0x3FA0] =	sst s1  }
0xa: {  	[smem:$0x3FA1] =	sst s2  }
0xb: {  	[smem:$0x3FA2] =	sst s3  }
0xc: {  	[smem:$0x3FA3] =	sst s4  }
0xd: {  	[smem:$0x3FA4] =	sst s5  }
0xe: {  	[smem:$0x3FA5] =	sst s6  }
0xf: {  	[smem:$0x3FA6] =	sst s7  }
0x10: {  	[smem:$0x3FA7] =	sst s8  }
0x11: {  	[smem:$0x3FA8] =	sst s9;
	s0 =	simm.s32 @!p0 $0x0  }
0x12: {  	s1 =	sld [smem:$0x3F8E];
	s0 =	simm.s32 @p0 $0x1  }
0x13: {  	[smem:$0x3FA9] =	sst s0;
	s0 =	simm.s32 @!p1 $0x0  }
0x14: {  	s2 =	sld [smem:$0x3F8D];
	s0 =	simm.s32 @p1 $0x1  }
0x15: {  	[smem:$0x3FAA] =	sst s0;
	s0 =	simm.s32 @!p2 $0x0  }
0x16: {  	s3 =	sld [smem:$0x3FDB];
	s0 =	simm.s32 @p2 $0x1  }
0x17: {  	s4 =	simm.s32 $0x1BF5;
	[smem:$0x3FAC] =	sst s0  }
0x18: {  	s0 =	sld [smem:$0x3F8F];
	_ =	swait.ge [sflag:s4], $0x0  }
0x19: {  	s7 =	sld [smem:$0x3F90]  }
0x1a: {  	s8 =	sadd.s32 $0xFFFFE003, lr  }
0x1b: {  	s9 =	sadd.s32 $0xFFFFFEF7, lr;
	s5 =	simm.s32 $0xFFFFFFFF;
	p2 =	slt.u32 s8, $0xFFFFF086  }
0x1c: {  	p1 =	slt.u32 s9, $0xF7A;
	s5 =	simm.s32 @!p2 $0x0  }
0x1d: {  	s5 =	simm.s32 @p1 $0x1;
	p0 =	seq.s32 s7, s2  }
0x1e: {  	s7 =	smul.u32 @!p0 $0xF7A, s2;
	p2 =	seq.s32 @!p0 s5, $0x0  }
0x1f: {  	s9 =	smul.u32 $0xF7A, s1;
	s8 =	simm.s32 @!p0 $0x1BF5;
	p2 =	por !p2, p0  }
0x20: {  	[sflag:s8] =	ssyncset.s32 @!p0 $0xFFFFF086;
	s6 =	sadd.s32 @!p0 s3, s7;
	s7 =	simm.s32 @!p0 $0x108  }
0x21: {  	s3 =	sadd.s32 s3, s9;
	s6 =	sadd.s32 @!p0 $0x88, s6;
	s7 =	simm.s32 @p2 $0x1082  }
0x22: {  	[simem:s7], [sflag:s8] =	dma.local @!p0 [hbm:s6], $0xF7A  }
0x23: {  	s9 =	sor.u32 $0xD0000000, s2;
	s6 =	simm.s32 $0x108;
	_ =	swait.ge @!p0 [sflag:s8], $0x0  }
0x24: {  	s3 =	sadd.s32 $0x88, s3;
	s6 =	simm.s32 @!p1 $0x1082;
	[sflag:s4] =	ssyncset.s32 $0xFFFFF086  }
0x25: {  	[simem:s6], [sflag:s4] =	dma.local [hbm:s3], $0xF7A  }
0x26: {  	[smem:$0x3F90] =	sst s1;
	(tag) =	ssettag s2;
	_ =	strace s9  }
0x27: {  	s1 =	sld [smem:$0x3FA0]  }
0x28: {  	s2 =	sld [smem:$0x3FA1]  }
0x29: {  	s4 =	sld [smem:$0x3FA3]  }
0x2a: {  	p0 =	seq.s32 s5, $0x0;
	s5 =	sld [smem:$0x3FA4]  }
0x2b: {  	s6 =	sld [smem:$0x3FA5]  }
0x2c: {  	s7 =	sld [smem:$0x3FA6]  }
0x2d: {  	s3 =	simm.s32 $0x108;
	s8 =	sld [smem:$0x3FA7]  }
0x2e: {  	s3 =	simm.s32 @!p0 $0x1082;
	s9 =	sld [smem:$0x3FA8]  }
0x2f: {  	lr =	sadd.s32 s0, s3;
	s0 =	sld [smem:$0x3F9F]  }
0x30: {  	s3 =	sld [smem:$0x3FA2]  }
0x31: {  	[smem:$0x3FAB] =	sst s10  }
0x32: {  	s10 =	sld [smem:$0x3FA9];
	_ =	sdelay $0x3  }
0x33: {  	p0 =	seq.s32 s10, $0x1;
	s10 =	sld [smem:$0x3FAB];
	_ =	sdelay $0x3  }
0x34: {  	[smem:$0x3FAB] =	sst s10  }
0x35: {  	s10 =	sld [smem:$0x3FAA];
	_ =	sdelay $0x3  }
0x36: {  	p1 =	seq.s32 s10, $0x1;
	s10 =	sld [smem:$0x3FAB];
	_ =	sdelay $0x3  }
0x37: {  	[smem:$0x3FAB] =	sst s10  }
0x38: {  	s10 =	sld [smem:$0x3FAC]  }
0x39: {  	_ = 	snop;
	(pc) =	sbr.ind lr, $3  }
0x3a: {  	_ = 	snop  }
0x3b: {  	_ = 	snop  }
0x3c: {  	p2 =	seq.s32 s10, $0x1;
	s10 =	sld [smem:$0x3FAB]  }
0x3d: {  	_ =	shalt  }
0x3e: {  	_ =	shalt  }
0x3f: {  	_ =	shalt  }
0x40: {  	_ =	shalt  }
0x41: {  	_ =	shalt  }
0x42: {  	_ =	shalt  }
0x43: {  	_ =	shalt  }
0x44: {  	_ =	shalt  }
0x45: {  	_ =	shalt  }
0x46: {  	_ =	shalt  }
0x47: {  	_ =	shalt  }
0x48: {  	_ =	shalt  }
0x49: {  	_ =	shalt  }
0x4a: {  	_ =	shalt  }
0x4b: {  	_ =	shalt  }
0x4c: {  	_ =	shalt  }
0x4d: {  	_ =	shalt  }
0x4e: {  	_ =	shalt  }
0x4f: {  	_ =	shalt  }
0x50: {  	_ =	shalt  }
0x51: {  	_ =	shalt  }
0x52: {  	_ =	shalt  }
0x53: {  	_ =	shalt  }
0x54: {  	_ =	shalt  }
0x55: {  	_ =	shalt  }
0x56: {  	_ =	shalt  }
0x57: {  	_ =	shalt  }
0x58: {  	_ =	shalt  }
0x59: {  	_ =	shalt  }
0x5a: {  	_ =	shalt  }
0x5b: {  	_ =	shalt  }
0x5c: {  	_ =	shalt  }
0x5d: {  	_ =	shalt  }
0x5e: {  	_ =	shalt  }
0x5f: {  	_ =	shalt  }
0x60: {  	_ =	shalt  }
0x61: {  	_ =	shalt  }
0x62: {  	_ =	shalt  }
0x63: {  	_ =	shalt  }
0x64: {  	_ =	shalt  }
0x65: {  	_ =	shalt  }
0x66: {  	_ =	shalt  }
0x67: {  	_ =	shalt  }
0x68: {  	_ =	shalt  }
0x69: {  	_ =	shalt  }
0x6a: {  	_ =	shalt  }
0x6b: {  	_ =	shalt  }
0x6c: {  	_ =	shalt  }
0x6d: {  	_ =	shalt  }
0x6e: {  	_ =	shalt  }
0x6f: {  	_ =	shalt  }
0x70: {  	_ =	shalt  }
0x71: {  	_ =	shalt  }
0x72: {  	_ =	shalt  }
0x73: {  	_ =	shalt  }
0x74: {  	_ =	shalt  }
0x75: {  	_ =	shalt  }
0x76: {  	_ =	shalt  }
0x77: {  	_ =	shalt  }
0x78: {  	_ =	shalt  }
0x79: {  	_ =	shalt  }
0x7a: {  	_ =	shalt  }
0x7b: {  	_ =	shalt  }
0x7c: {  	_ =	shalt  }
0x7d: {  	_ =	shalt  }
0x7e: {  	_ =	shalt  }
0x7f: {  	_ =	shalt  }
0x80: {  	_ =	shalt  }
0x81: {  	_ =	shalt  }
0x82: {  	_ =	shalt  }
0x83: {  	_ =	shalt  }
0x84: {  	_ =	shalt  }
0x85: {  	_ =	shalt  }
0x86: {  	_ =	shalt  }
0x87: {  	_ =	shalt  }
.Lfunc_end0:
.L_simem_size_0:
called_computation.1_lowered:
.L_overlay_start_0:
0x88: {  	s2 =	sld [smem:$0x3FD9]  }
0x89: {  	s3 =	sld [smem:$0x3FFE];
	_ =	sdelay $0x1  }
0x8a: {  	s1 =	srdreg.scid  }
0x8b: {  	s0 =	sand.u32 $0x1, s1  }
0x8c: {  	s17 =	sshll.u32 s0, $0xA;
	s2 =	sadd.s32 s3, s2  }
0x8d: {  	s2 =	sadd.s32 s2, s17  }
0x8e: {  	[smem:$0x3FB7] =	sst s2  }
0x8f: {  	_ = 	snop  }
0x90: {  	s2 =	sld [smem:$0x3FD0];
	(tm) =	ssettm $0x1  }
0x91: {  	s18 =	sld [smem:$0x3FFB];
	_ =	sdelay $0x3  }
0x92: {  	_ =	strace s18  }
0x93: {  	s3 =	sld [smem:$0x3FFC];
	_ =	sdelay $0x3  }
0x94: {  	_ =	strace s3  }
0x95: {  	s3 =	sld [smem:$0x3FFD];
	_ =	sdelay $0x3  }
0x96: {  	_ =	strace s3  }
0x97: {  	_ =	strace $0x8FFFFFFF  }
0x98: {  	s19 =	sld [smem:$0x3FDB];
	_ =	sdelay $0x1  }
0x99: {  	s4 =	simm.s32 $_scs_section_size  }
0x9a: {  	s5 =	simm.s32 $_size__tile_overlayer_lowered;
	s6 =	simm.s32 $_tile_overlayer_lowered  }
0x9b: {  	s22 =	simm.s32 $0x1BFF;
	s21 =	sshll.u32 s6, $0x1;
	s3 =	sadd.s32 s4, s19  }
0x9c: {  	s7 =	simm.s32 $0x0;
	s20 =	sshll.u32 s5, $0x1;
	s5 =	sadd.s32 s21, s3  }
0x9d: {  	[timem:s7], [sflag:s22] =	dma.local [hbm:s5], s20  }
0x9e: {  	_ =	swait.ge [sflag:s22], s20  }
0x9f: {  	s4 =	ssub.s32 $0x0, s20;
	[sflag:s22] =	ssyncset.done $0x0  }
0xa0: {  	[sflag:s22] =	ssyncadd.s32 s4;
	_ =	sdelay $0x1  }
0xa1: {  	s23 =	simm.s32 $0x1B8B  }
0xa2: {  	_ =	swait.ge [sflag:s23], $0x1  }
0xa3: {  	[sflag:s23] =	ssyncset.done $0x0  }
0xa4: {  	s25 =	simm.s32 $0x1B8E;
	s24 =	sld [smem:$0x3FFE];
	[sflag:s23] =	ssyncadd.s32 $0xFFFFFFFF  }
0xa5: {  	s26 =	simm.s32 $execute0_lowered;
	[smem:$0x3FD2] =	sst s25  }
0xa6: {  	s5 =	sshll.u32 s26, $0x1;
	_ =	strace $0x80000046;
	[dreg:$0x1] =	wrdreg $0xFFFFFFFF  }
0xa7: {  	s28 =	simm.s32 $_size_execute0_lowered;
	s3 =	sadd.s32 s3, s5;
	[dreg:$0x0] =	wrdreg $0x0  }
0xa8: {  	s5 =	sshll.u32 s28, $0x1;
	[dreg:$0x2] =	wrdreg s3  }
0xa9: {  	[dreg:$0x3] =	wrdreg s5  }
0xaa: {  	[dreg:$0x4] =	wrdreg $0xC0  }
0xab: {  	_ =	task [dreg:s7], $0x5FFFF  }
0xac: {  	[dreg:$0x1] =	wrdreg $0xFFFFFFFF  }
0xad: {  	[dreg:$0x0] =	wrdreg $0x60  }
0xae: {  	[dreg:$0x2] =	wrdreg s2  }
0xaf: {  	[dreg:$0x3] =	wrdreg s24  }
0xb0: {  	[dreg:$0x4] =	wrdreg $0xA  }
0xb1: {  	_ =	task.clear_ibuf [dreg:s7], $0x5FFFF;
	_ =	strace $0x90000046  }
0xb2: {  	s29 =	simm.s32 $0xA;
	_ =	strace $0x80000048  }
0xb3: {  	_ =	swait.ge [sflag:s29], $0x1  }
0xb4: {  	[sflag:s29] =	ssyncadd.s32 $0xFFFFFFFF  }
0xb5: {  	_ =	strace $0x90000048  }
0xb6: {  	_ =	sfence  }
0xb7: {  	s30 =	sld [smem:$0x0];
	_ =	sdelay $0x2  }
0xb8: {  	s31 =	sshll.u32 s1, $0xD;
	s1 =	sshrl.u32 s1, $0x2  }
0xb9: {  	s3 =	sand.u32 $0x4000, s31;
	s1 =	sadd.s32 s1, s30  }
0xba: {  	s0 =	sor.u32 s3, s0;
	s1 =	sshll.u32 s1, $0x11  }
0xbb: {  	s0 =	sor.u32 s1, s0  }
0xbc: {  	s0 =	sadd.s32 $0x8F2B, s0  }
0xbd: {  	[sflag:s0] =	ssyncadd.remote.s32 $0x1  }
0xbe: {  	_ =	sfence.sel $0xFFFF  }
0xbf: {  	[dreg:$0x0] =	wrdreg $0xFFFFFFFF;
	(pc) =	sbr.abs _section_cstart, $3  }
0xc0: {  	[dreg:$0x1] =	wrdreg $0xFFFFFFFF  }
0xc1: {  	_ =	task.clear_ibuf [dreg:s7], $0x2FFFF;
	_ =	strace $0x9FFFFFFF  }
0xc2: {  	(tm) =	ssettm $0x7FFFFFFF  }
0xc3: {  	_ =	shalt  }
tec
execute0_lowered:
.L_overlay_start_1:
0x0: {  	(tag) =	ssettag $0x1  }
0x1: {  	s1 =	srdreg.scid  }
0x2: {  	s21 =	rddreg [dreg:$0x0];
	s0 =	stileid.u32;
	s22 =	sand.u32 $0x1, s1  }
0x3: {  	s8 =	rddreg [dreg:$0x1];
	s3 =	sshll.u32 s0, $0xB;
	s4 =	sshll.u32 s22, $0xA  }
0x4: {  	s2 =	simm.s32 $0x0;
	s1 =	rddreg [dreg:$0x2];
	s24 =	sor.u32 s4, s3  }
0x5: {  	[smem:$0x7FF] =	sst s2;
	s3 =	sshrl.u32 s24, $0x3  }
0x6: {  	_ =	strace $0x80000047;
	s4 =	sadd.s32 s21, s3;
	s3 =	simm.s32 $0x2  }
0x7: {  	[tilespmem:s2], [sflag:$0x2] =	stream.linear.gather [hbm4b:s4+s2], $0x80, $0x38;
	[tilespmem:$0x4080] =	vst v63  }
0x8: {  	_ =	swait.ge [sflag:s3], $0x80  }
0x9: {  	s6 =	simm.s32 $0x80;
	[sflag:s3] =	ssyncset.done $0x0  }
0xa: {  	s7 =	simm.s32 $0x1;
	s5 =	sadd.s32 $0x2C00, s8;
	[sflag:s3] =	ssyncadd.s32 $0xFFFFFF80  }
0xb: {  	[tilespmem:s6], [sflag:$0x1] =	stream.indirect.gather [hbm4b:s5+s6], $0x80, s2, s6, $0xb8;
	[tilespmem:$0x4080] =	vst v63  }
0xc: {  	_ =	swait.ge [sflag:s7], $0x4000  }
0xd: {  	s23 =	sadd.s32 $0x12C00, s8;
	s28 =	sshll.u32 s24, $0x4;
	[sflag:s7] =	ssyncset.done $0x0  }
0xe: {  	s8 =	sadd.s32 s23, s28;
	[sflag:s7] =	ssyncadd.s32 $0xFFFFC000  }
0xf: {  	[hbm4b:s8+s2] =	stream.linear.scatter [tilespmem:s6], [sflag:$0x2], $0x4000, $0x38;
	[tilespmem:$0x4080] =	vst v63  }
0x10: {  	s10 =	sor.u32 $0x80, s24;
	_ =	swait.ge [sflag:s3], $0x4000  }
0x11: {  	s9 =	sshrl.u32 s10, $0x3;
	[sflag:s3] =	ssyncset.done $0x0  }
0x12: {  	s9 =	sadd.s32 s21, s9;
	[sflag:s3] =	ssyncadd.s32 $0xFFFFC000  }
0x13: {  	[tilespmem:s2], [sflag:$0x2] =	stream.linear.gather [hbm4b:s9+s2], $0x80, $0x38;
	[tilespmem:$0x4080] =	vst v63  }
0x14: {  	_ =	swait.ge [sflag:s3], $0x80  }
0x15: {  	[sflag:s3] =	ssyncset.done $0x0  }
0x16: {  	[sflag:s3] =	ssyncadd.s32 $0xFFFFFF80  }
0x17: {  	[tilespmem:s6], [sflag:$0x1] =	stream.indirect.gather [hbm4b:s5+s6], $0x80, s2, s6, $0xb8;
	[tilespmem:$0x4080] =	vst v63  }
0x18: {  	_ =	swait.ge [sflag:s7], $0x4000  }
0x19: {  	s10 =	sshll.u32 s10, $0x4;
	[sflag:s7] =	ssyncset.done $0x0  }
0x1a: {  	s10 =	sadd.s32 s23, s10;
	[sflag:s7] =	ssyncadd.s32 $0xFFFFC000  }
0x1b: {  	[hbm4b:s10+s2] =	stream.linear.scatter [tilespmem:s6], [sflag:$0x2], $0x4000, $0x38;
	[tilespmem:$0x4080] =	vst v63  }
0x1c: {  	s12 =	sor.u32 $0x100, s24;
	_ =	swait.ge [sflag:s3], $0x4000  }
0x1d: {  	s11 =	sshrl.u32 s12, $0x3;
	[sflag:s3] =	ssyncset.done $0x0  }
0x1e: {  	s11 =	sadd.s32 s21, s11;
	[sflag:s3] =	ssyncadd.s32 $0xFFFFC000  }
0x1f: {  	[tilespmem:s2], [sflag:$0x2] =	stream.linear.gather [hbm4b:s11+s2], $0x80, $0x38;
	[tilespmem:$0x4080] =	vst v63  }
0x20: {  	_ =	swait.ge [sflag:s3], $0x80  }
0x21: {  	[sflag:s3] =	ssyncset.done $0x0  }
0x22: {  	[sflag:s3] =	ssyncadd.s32 $0xFFFFFF80  }
0x23: {  	[tilespmem:s6], [sflag:$0x1] =	stream.indirect.gather [hbm4b:s5+s6], $0x80, s2, s6, $0xb8;
	[tilespmem:$0x4080] =	vst v63  }
0x24: {  	_ =	swait.ge [sflag:s7], $0x4000  }
0x25: {  	s12 =	sshll.u32 s12, $0x4;
	[sflag:s7] =	ssyncset.done $0x0  }
0x26: {  	s12 =	sadd.s32 s23, s12;
	[sflag:s7] =	ssyncadd.s32 $0xFFFFC000  }
0x27: {  	[hbm4b:s12+s2] =	stream.linear.scatter [tilespmem:s6], [sflag:$0x2], $0x4000, $0x38;
	[tilespmem:$0x4080] =	vst v63  }
0x28: {  	s14 =	sor.u32 $0x180, s24;
	_ =	swait.ge [sflag:s3], $0x4000  }
0x29: {  	s13 =	sshrl.u32 s14, $0x3;
	[sflag:s3] =	ssyncset.done $0x0  }
0x2a: {  	s13 =	sadd.s32 s21, s13;
	[sflag:s3] =	ssyncadd.s32 $0xFFFFC000  }
0x2b: {  	[tilespmem:s2], [sflag:$0x2] =	stream.linear.gather [hbm4b:s13+s2], $0x80, $0x38;
	[tilespmem:$0x4080] =	vst v63  }
0x2c: {  	_ =	swait.ge [sflag:s3], $0x80  }
0x2d: {  	[sflag:s3] =	ssyncset.done $0x0  }
0x2e: {  	[sflag:s3] =	ssyncadd.s32 $0xFFFFFF80  }
0x2f: {  	[tilespmem:s6], [sflag:$0x1] =	stream.indirect.gather [hbm4b:s5+s6], $0x80, s2, s6, $0xb8;
	[tilespmem:$0x4080] =	vst v63  }
0x30: {  	_ =	swait.ge [sflag:s7], $0x4000  }
0x31: {  	s14 =	sshll.u32 s14, $0x4;
	[sflag:s7] =	ssyncset.done $0x0  }
0x32: {  	s14 =	sadd.s32 s23, s14;
	[sflag:s7] =	ssyncadd.s32 $0xFFFFC000  }
0x33: {  	[hbm4b:s14+s2] =	stream.linear.scatter [tilespmem:s6], [sflag:$0x2], $0x4000, $0x38;
	[tilespmem:$0x4080] =	vst v63  }
0x34: {  	s16 =	sor.u32 $0x200, s24;
	_ =	swait.ge [sflag:s3], $0x4000  }
0x35: {  	s15 =	sshrl.u32 s16, $0x3;
	[sflag:s3] =	ssyncset.done $0x0  }
0x36: {  	s15 =	sadd.s32 s21, s15;
	[sflag:s3] =	ssyncadd.s32 $0xFFFFC000  }
0x37: {  	[tilespmem:s2], [sflag:$0x2] =	stream.linear.gather [hbm4b:s15+s2], $0x80, $0x38;
	[tilespmem:$0x4080] =	vst v63  }
0x38: {  	_ =	swait.ge [sflag:s3], $0x80  }
0x39: {  	[sflag:s3] =	ssyncset.done $0x0  }
0x3a: {  	[sflag:s3] =	ssyncadd.s32 $0xFFFFFF80  }
0x3b: {  	[tilespmem:s6], [sflag:$0x1] =	stream.indirect.gather [hbm4b:s5+s6], $0x80, s2, s6, $0xb8;
	[tilespmem:$0x4080] =	vst v63  }
0x3c: {  	_ =	swait.ge [sflag:s7], $0x4000  }
0x3d: {  	s16 =	sshll.u32 s16, $0x4;
	[sflag:s7] =	ssyncset.done $0x0  }
0x3e: {  	s16 =	sadd.s32 s23, s16;
	[sflag:s7] =	ssyncadd.s32 $0xFFFFC000  }
0x3f: {  	[hbm4b:s16+s2] =	stream.linear.scatter [tilespmem:s6], [sflag:$0x2], $0x4000, $0x38;
	[tilespmem:$0x4080] =	vst v63  }
0x40: {  	s18 =	sor.u32 $0x280, s24;
	_ =	swait.ge [sflag:s3], $0x4000  }
0x41: {  	s17 =	sshrl.u32 s18, $0x3;
	[sflag:s3] =	ssyncset.done $0x0  }
0x42: {  	s17 =	sadd.s32 s21, s17;
	[sflag:s3] =	ssyncadd.s32 $0xFFFFC000  }
0x43: {  	[tilespmem:s2], [sflag:$0x2] =	stream.linear.gather [hbm4b:s17+s2], $0x80, $0x38;
	[tilespmem:$0x4080] =	vst v63  }
0x44: {  	_ =	swait.ge [sflag:s3], $0x80  }
0x45: {  	[sflag:s3] =	ssyncset.done $0x0  }
0x46: {  	[sflag:s3] =	ssyncadd.s32 $0xFFFFFF80  }
0x47: {  	[tilespmem:s6], [sflag:$0x1] =	stream.indirect.gather [hbm4b:s5+s6], $0x80, s2, s6, $0xb8;
	[tilespmem:$0x4080] =	vst v63  }
0x48: {  	_ =	swait.ge [sflag:s7], $0x4000  }
0x49: {  	s18 =	sshll.u32 s18, $0x4;
	[sflag:s7] =	ssyncset.done $0x0  }
0x4a: {  	s18 =	sadd.s32 s23, s18;
	[sflag:s7] =	ssyncadd.s32 $0xFFFFC000  }
0x4b: {  	[hbm4b:s18+s2] =	stream.linear.scatter [tilespmem:s6], [sflag:$0x2], $0x4000, $0x38;
	[tilespmem:$0x4080] =	vst v63  }
0x4c: {  	s20 =	sor.u32 $0x300, s24;
	_ =	swait.ge [sflag:s3], $0x4000  }
0x4d: {  	s19 =	sshrl.u32 s20, $0x3;
	[sflag:s3] =	ssyncset.done $0x0  }
0x4e: {  	s19 =	sadd.s32 s21, s19;
	[sflag:s3] =	ssyncadd.s32 $0xFFFFC000  }
0x4f: {  	[tilespmem:s2], [sflag:$0x2] =	stream.linear.gather [hbm4b:s19+s2], $0x80, $0x38;
	[tilespmem:$0x4080] =	vst v63  }
0x50: {  	_ =	swait.ge [sflag:s3], $0x80  }
0x51: {  	[sflag:s3] =	ssyncset.done $0x0  }
0x52: {  	[sflag:s3] =	ssyncadd.s32 $0xFFFFFF80  }
0x53: {  	[tilespmem:s6], [sflag:$0x1] =	stream.indirect.gather [hbm4b:s5+s6], $0x80, s2, s6, $0xb8;
	[tilespmem:$0x4080] =	vst v63  }
0x54: {  	_ =	swait.ge [sflag:s7], $0x4000  }
0x55: {  	s20 =	sshll.u32 s20, $0x4;
	[sflag:s7] =	ssyncset.done $0x0  }
0x56: {  	s20 =	sadd.s32 s23, s20;
	[sflag:s7] =	ssyncadd.s32 $0xFFFFC000  }
0x57: {  	[hbm4b:s20+s2] =	stream.linear.scatter [tilespmem:s6], [sflag:$0x2], $0x4000, $0x38;
	[tilespmem:$0x4080] =	vst v63  }
0x58: {  	s24 =	sor.u32 $0x380, s24;
	_ =	swait.ge [sflag:s3], $0x4000  }
0x59: {  	s25 =	sshrl.u32 s24, $0x3;
	[sflag:s3] =	ssyncset.done $0x0  }
0x5a: {  	s22 =	ssub.s32 $0x2, s22;
	s21 =	sadd.s32 s21, s25;
	[sflag:s3] =	ssyncadd.s32 $0xFFFFC000  }
0x5b: {  	[tilespmem:s2], [sflag:$0x2] =	stream.linear.gather [hbm4b:s21+s2], $0x80, $0x38;
	[tilespmem:$0x4080] =	vst v63  }
0x5c: {  	s29 =	sshrl.u32 s22, $0x1;
	_ =	swait.ge [sflag:s3], $0x80  }
0x5d: {  	s25 =	ssub.s32 s22, s29;
	[sflag:s3] =	ssyncset.done $0x0  }
0x5e: {  	s31 =	smax.u32 s25, $0x1;
	[sflag:s3] =	ssyncadd.s32 $0xFFFFFF80  }
0x5f: {  	[tilespmem:s6], [sflag:$0x1] =	stream.indirect.gather [hbm4b:s5+s6], $0x80, s2, s6, $0xb8;
	[tilespmem:$0x4080] =	vst v63  }
0x60: {  	p0 =	sne.s32 s31, $0x1;
	_ =	swait.ge [sflag:s7], $0x4000  }
.Ltmp0:
0x61: {  	s30 =	sshll.u32 s24, $0x4;
	[sflag:s7] =	ssyncset.done $0x0;
	(pc) =	sbr.rel @!p0 .LBB2_2-.Ltmp0, $4  }
0x62: {  	s22 =	sadd.s32 s23, s30;
	[sflag:s7] =	ssyncadd.s32 $0xFFFFC000  }
0x63: {  	[hbm4b:s22+s2] =	stream.linear.scatter [tilespmem:s6], [sflag:$0x2], $0x4000, $0x38;
	[tilespmem:$0x4080] =	vst v63  }
0x64: {  	_ =	swait.ge [sflag:s3], $0x4000  }
0x65: {  	s23 =	sadd.s32 $0xFFFFFFFF, s31;
	[sflag:s3] =	ssyncset.done $0x0  }
.LBB2_1:
0x66: {  	p0 =	sne.s32 s23, $0x1;
	s23 =	sadd.s32 $0xFFFFFFFF, s23;
	[sflag:s3] =	ssyncadd.s32 $0xFFFFC000  }
0x67: {  	[tilespmem:s2], [sflag:$0x2] =	stream.linear.gather [hbm4b:s4+s2], $0x80, $0x38;
	[tilespmem:$0x4080] =	vst v63  }
0x68: {  	_ =	swait.ge [sflag:s3], $0x80  }
0x69: {  	[sflag:s3] =	ssyncset.done $0x0  }
0x6a: {  	[sflag:s3] =	ssyncadd.s32 $0xFFFFFF80  }
0x6b: {  	[tilespmem:s6], [sflag:$0x1] =	stream.indirect.gather [hbm4b:s5+s6], $0x80, s2, s6, $0xb8;
	[tilespmem:$0x4080] =	vst v63  }
0x6c: {  	_ =	swait.ge [sflag:s7], $0x4000  }
0x6d: {  	[sflag:s7] =	ssyncset.done $0x0  }
0x6e: {  	[sflag:s7] =	ssyncadd.s32 $0xFFFFC000  }
0x6f: {  	[hbm4b:s8+s2] =	stream.linear.scatter [tilespmem:s6], [sflag:$0x2], $0x4000, $0x38;
	[tilespmem:$0x4080] =	vst v63  }
0x70: {  	_ =	swait.ge [sflag:s3], $0x4000  }
0x71: {  	[sflag:s3] =	ssyncset.done $0x0  }
0x72: {  	[sflag:s3] =	ssyncadd.s32 $0xFFFFC000  }
0x73: {  	[tilespmem:s2], [sflag:$0x2] =	stream.linear.gather [hbm4b:s9+s2], $0x80, $0x38;
	[tilespmem:$0x4080] =	vst v63  }
0x74: {  	_ =	swait.ge [sflag:s3], $0x80  }
0x75: {  	[sflag:s3] =	ssyncset.done $0x0  }
0x76: {  	[sflag:s3] =	ssyncadd.s32 $0xFFFFFF80  }
0x77: {  	[tilespmem:s6], [sflag:$0x1] =	stream.indirect.gather [hbm4b:s5+s6], $0x80, s2, s6, $0xb8;
	[tilespmem:$0x4080] =	vst v63  }
0x78: {  	_ =	swait.ge [sflag:s7], $0x4000  }
0x79: {  	[sflag:s7] =	ssyncset.done $0x0  }
0x7a: {  	[sflag:s7] =	ssyncadd.s32 $0xFFFFC000  }
0x7b: {  	[hbm4b:s10+s2] =	stream.linear.scatter [tilespmem:s6], [sflag:$0x2], $0x4000, $0x38;
	[tilespmem:$0x4080] =	vst v63  }
0x7c: {  	_ =	swait.ge [sflag:s3], $0x4000  }
0x7d: {  	[sflag:s3] =	ssyncset.done $0x0  }
0x7e: {  	[sflag:s3] =	ssyncadd.s32 $0xFFFFC000  }
0x7f: {  	[tilespmem:s2], [sflag:$0x2] =	stream.linear.gather [hbm4b:s11+s2], $0x80, $0x38;
	[tilespmem:$0x4080] =	vst v63  }
0x80: {  	_ =	swait.ge [sflag:s3], $0x80  }
0x81: {  	[sflag:s3] =	ssyncset.done $0x0  }
0x82: {  	[sflag:s3] =	ssyncadd.s32 $0xFFFFFF80  }
0x83: {  	[tilespmem:s6], [sflag:$0x1] =	stream.indirect.gather [hbm4b:s5+s6], $0x80, s2, s6, $0xb8;
	[tilespmem:$0x4080] =	vst v63  }
0x84: {  	_ =	swait.ge [sflag:s7], $0x4000  }
0x85: {  	[sflag:s7] =	ssyncset.done $0x0  }
0x86: {  	[sflag:s7] =	ssyncadd.s32 $0xFFFFC000  }
0x87: {  	[hbm4b:s12+s2] =	stream.linear.scatter [tilespmem:s6], [sflag:$0x2], $0x4000, $0x38;
	[tilespmem:$0x4080] =	vst v63  }
0x88: {  	_ =	swait.ge [sflag:s3], $0x4000  }
0x89: {  	[sflag:s3] =	ssyncset.done $0x0  }
0x8a: {  	[sflag:s3] =	ssyncadd.s32 $0xFFFFC000  }
0x8b: {  	[tilespmem:s2], [sflag:$0x2] =	stream.linear.gather [hbm4b:s13+s2], $0x80, $0x38;
	[tilespmem:$0x4080] =	vst v63  }
0x8c: {  	_ =	swait.ge [sflag:s3], $0x80  }
0x8d: {  	[sflag:s3] =	ssyncset.done $0x0  }
0x8e: {  	[sflag:s3] =	ssyncadd.s32 $0xFFFFFF80  }
0x8f: {  	[tilespmem:s6], [sflag:$0x1] =	stream.indirect.gather [hbm4b:s5+s6], $0x80, s2, s6, $0xb8;
	[tilespmem:$0x4080] =	vst v63  }
0x90: {  	_ =	swait.ge [sflag:s7], $0x4000  }
0x91: {  	[sflag:s7] =	ssyncset.done $0x0  }
0x92: {  	[sflag:s7] =	ssyncadd.s32 $0xFFFFC000  }
0x93: {  	[hbm4b:s14+s2] =	stream.linear.scatter [tilespmem:s6], [sflag:$0x2], $0x4000, $0x38;
	[tilespmem:$0x4080] =	vst v63  }
0x94: {  	_ =	swait.ge [sflag:s3], $0x4000  }
0x95: {  	[sflag:s3] =	ssyncset.done $0x0  }
0x96: {  	[sflag:s3] =	ssyncadd.s32 $0xFFFFC000  }
0x97: {  	[tilespmem:s2], [sflag:$0x2] =	stream.linear.gather [hbm4b:s15+s2], $0x80, $0x38;
	[tilespmem:$0x4080] =	vst v63  }
0x98: {  	_ =	swait.ge [sflag:s3], $0x80  }
0x99: {  	[sflag:s3] =	ssyncset.done $0x0  }
0x9a: {  	[sflag:s3] =	ssyncadd.s32 $0xFFFFFF80  }
0x9b: {  	[tilespmem:s6], [sflag:$0x1] =	stream.indirect.gather [hbm4b:s5+s6], $0x80, s2, s6, $0xb8;
	[tilespmem:$0x4080] =	vst v63  }
0x9c: {  	_ =	swait.ge [sflag:s7], $0x4000  }
0x9d: {  	[sflag:s7] =	ssyncset.done $0x0  }
0x9e: {  	[sflag:s7] =	ssyncadd.s32 $0xFFFFC000  }
0x9f: {  	[hbm4b:s16+s2] =	stream.linear.scatter [tilespmem:s6], [sflag:$0x2], $0x4000, $0x38;
	[tilespmem:$0x4080] =	vst v63  }
0xa0: {  	_ =	swait.ge [sflag:s3], $0x4000  }
0xa1: {  	[sflag:s3] =	ssyncset.done $0x0  }
0xa2: {  	[sflag:s3] =	ssyncadd.s32 $0xFFFFC000  }
0xa3: {  	[tilespmem:s2], [sflag:$0x2] =	stream.linear.gather [hbm4b:s17+s2], $0x80, $0x38;
	[tilespmem:$0x4080] =	vst v63  }
0xa4: {  	_ =	swait.ge [sflag:s3], $0x80  }
0xa5: {  	[sflag:s3] =	ssyncset.done $0x0  }
0xa6: {  	[sflag:s3] =	ssyncadd.s32 $0xFFFFFF80  }
0xa7: {  	[tilespmem:s6], [sflag:$0x1] =	stream.indirect.gather [hbm4b:s5+s6], $0x80, s2, s6, $0xb8;
	[tilespmem:$0x4080] =	vst v63  }
0xa8: {  	_ =	swait.ge [sflag:s7], $0x4000  }
0xa9: {  	[sflag:s7] =	ssyncset.done $0x0  }
0xaa: {  	[sflag:s7] =	ssyncadd.s32 $0xFFFFC000  }
0xab: {  	[hbm4b:s18+s2] =	stream.linear.scatter [tilespmem:s6], [sflag:$0x2], $0x4000, $0x38;
	[tilespmem:$0x4080] =	vst v63  }
0xac: {  	_ =	swait.ge [sflag:s3], $0x4000  }
0xad: {  	[sflag:s3] =	ssyncset.done $0x0  }
0xae: {  	[sflag:s3] =	ssyncadd.s32 $0xFFFFC000  }
0xaf: {  	[tilespmem:s2], [sflag:$0x2] =	stream.linear.gather [hbm4b:s19+s2], $0x80, $0x38;
	[tilespmem:$0x4080] =	vst v63  }
0xb0: {  	_ =	swait.ge [sflag:s3], $0x80  }
0xb1: {  	[sflag:s3] =	ssyncset.done $0x0  }
0xb2: {  	[sflag:s3] =	ssyncadd.s32 $0xFFFFFF80  }
0xb3: {  	[tilespmem:s6], [sflag:$0x1] =	stream.indirect.gather [hbm4b:s5+s6], $0x80, s2, s6, $0xb8;
	[tilespmem:$0x4080] =	vst v63  }
0xb4: {  	_ =	swait.ge [sflag:s7], $0x4000  }
0xb5: {  	[sflag:s7] =	ssyncset.done $0x0  }
0xb6: {  	[sflag:s7] =	ssyncadd.s32 $0xFFFFC000  }
0xb7: {  	[hbm4b:s20+s2] =	stream.linear.scatter [tilespmem:s6], [sflag:$0x2], $0x4000, $0x38;
	[tilespmem:$0x4080] =	vst v63  }
0xb8: {  	_ =	swait.ge [sflag:s3], $0x4000  }
0xb9: {  	[sflag:s3] =	ssyncset.done $0x0  }
0xba: {  	[sflag:s3] =	ssyncadd.s32 $0xFFFFC000  }
0xbb: {  	[tilespmem:s2], [sflag:$0x2] =	stream.linear.gather [hbm4b:s21+s2], $0x80, $0x38;
	[tilespmem:$0x4080] =	vst v63  }
0xbc: {  	_ =	swait.ge [sflag:s3], $0x80  }
0xbd: {  	[sflag:s3] =	ssyncset.done $0x0  }
0xbe: {  	[sflag:s3] =	ssyncadd.s32 $0xFFFFFF80  }
0xbf: {  	[tilespmem:s6], [sflag:$0x1] =	stream.indirect.gather [hbm4b:s5+s6], $0x80, s2, s6, $0xb8;
	[tilespmem:$0x4080] =	vst v63  }
0xc0: {  	_ =	swait.ge [sflag:s7], $0x4000  }
.Ltmp1:
0xc1: {  	[sflag:s7] =	ssyncset.done $0x0;
	(pc) =	sbr.rel @p0 .LBB2_1-.Ltmp1, $4  }
0xc2: {  	[sflag:s7] =	ssyncadd.s32 $0xFFFFC000  }
0xc3: {  	[hbm4b:s22+s2] =	stream.linear.scatter [tilespmem:s6], [sflag:$0x2], $0x4000, $0x38;
	[tilespmem:$0x4080] =	vst v63  }
0xc4: {  	_ =	swait.ge [sflag:s3], $0x4000  }
0xc5: {  	[sflag:s3] =	ssyncset.done $0x0  }
.LBB2_2:
0xc6: {  	[sflag:s3] =	ssyncadd.s32 $0xFFFFC000  }
0xc7: {  	_ =	sfence.sel $0x180000  }
0xc8: {  	[bflag:$0x0] =	sbarrier.arrive $0xFFFF  }
0xc9: {  	p0 =	sne.s32 s0, $0x0;
	_ =	strace $0x90000047  }
0xca: {  	s0 =	sadd.s32 @!p0 $0x100000, s1;
	[bflag:$0x2] =	sbarrier.arrive $0xFFFF  }
0xcb: {  	[sflag:s0] =	ssyncadd.tile.s32 @!p0 $0x1;
	_ =	shalt  }
.Lfunc_end2:
_tile_overlayer_lowered:
.L_overlay_start_2:
0xcc: {  	(tag) =	ssettag $0x2  }
0xcd: {  	s0 =	rddreg [dreg:$0x0];
	s2 =	stileid.u32  }
0xce: {  	s1 =	rddreg [dreg:$0x1];
	p0 =	sne.s32 s2, $0x0  }
0xcf: {  	s3 =	rddreg [dreg:$0x2];
	[bflag:$0x3] =	sbarrier.arrive $0xFFFF;
	s2 =	simm.s32 @!p0 $0x1C02  }
0xd0: {  	[timem:s3], [sflag:s2] =	dma.local @!p0 [hbm:s0], s1  }
0xd1: {  	s0 =	simm.s32 @!p0 $0x2  }
0xd2: {  	_ =	swait.ge @!p0 [sflag:s0], s1  }
0xd3: {  	s1 =	ssub.s32 @!p0 $0x0, s1;
	[sflag:s0] =	ssyncset.done @!p0 $0x0  }
0xd4: {  	[sflag:s0] =	ssyncadd.s32 @!p0 s1  }
0xd5: {  	[bflag:$0x3] =	sbarrier.arrive $0xFFFF  }
0xd6: {  	_ =	shalt  }

// kernel: kernel.9.cloned.1.call-start
scs
__scs_entry_jumppad:
0x0: {  	(pc) =	sbr.rel $0x88, $3  }
0x1: {  	(tag) =	ssettag $0x0;
	lr =	simm.s32 $0x1  }
0x2: {  	[smem:$0x3F90] =	sst lr;
	_ =	strace $0xD0000000  }
0x3: {  	_ = 	snop  }
0x4: {  	_ = 	snop  }
0x5: {  	_ = 	snop  }
0x6: {  	_ = 	snop  }
0x7: {  	_ = 	snop  }
__scs_overlays_trampoline_lowered:
0x8: {  	[smem:$0x3F9F] =	sst s0  }
0x9: {  	[smem:$0x3FA0] =	sst s1  }
0xa: {  	[smem:$0x3FA1] =	sst s2  }
0xb: {  	[smem:$0x3FA2] =	sst s3  }
0xc: {  	[smem:$0x3FA3] =	sst s4  }
0xd: {  	[smem:$0x3FA4] =	sst s5  }
0xe: {  	[smem:$0x3FA5] =	sst s6  }
0xf: {  	[smem:$0x3FA6] =	sst s7  }
0x10: {  	[smem:$0x3FA7] =	sst s8  }
0x11: {  	[smem:$0x3FA8] =	sst s9;
	s0 =	simm.s32 @!p0 $0x0  }
0x12: {  	s1 =	sld [smem:$0x3F8E];
	s0 =	simm.s32 @p0 $0x1  }
0x13: {  	[smem:$0x3FA9] =	sst s0;
	s0 =	simm.s32 @!p1 $0x0  }
0x14: {  	s2 =	sld [smem:$0x3F8D];
	s0 =	simm.s32 @p1 $0x1  }
0x15: {  	[smem:$0x3FAA] =	sst s0;
	s0 =	simm.s32 @!p2 $0x0  }
0x16: {  	s3 =	sld [smem:$0x3FDB];
	s0 =	simm.s32 @p2 $0x1  }
0x17: {  	s4 =	simm.s32 $0x1BF5;
	[smem:$0x3FAC] =	sst s0  }
0x18: {  	s0 =	sld [smem:$0x3F8F];
	_ =	swait.ge [sflag:s4], $0x0  }
0x19: {  	s7 =	sld [smem:$0x3F90]  }
0x1a: {  	s8 =	sadd.s32 $0xFFFFE003, lr  }
0x1b: {  	s9 =	sadd.s32 $0xFFFFFEF7, lr;
	s5 =	simm.s32 $0xFFFFFFFF;
	p2 =	slt.u32 s8, $0xFFFFF086  }
0x1c: {  	p1 =	slt.u32 s9, $0xF7A;
	s5 =	simm.s32 @!p2 $0x0  }
0x1d: {  	s5 =	simm.s32 @p1 $0x1;
	p0 =	seq.s32 s7, s2  }
0x1e: {  	s7 =	smul.u32 @!p0 $0xF7A, s2;
	p2 =	seq.s32 @!p0 s5, $0x0  }
0x1f: {  	s9 =	smul.u32 $0xF7A, s1;
	s8 =	simm.s32 @!p0 $0x1BF5;
	p2 =	por !p2, p0  }
0x20: {  	[sflag:s8] =	ssyncset.s32 @!p0 $0xFFFFF086;
	s6 =	sadd.s32 @!p0 s3, s7;
	s7 =	simm.s32 @!p0 $0x108  }
0x21: {  	s3 =	sadd.s32 s3, s9;
	s6 =	sadd.s32 @!p0 $0x88, s6;
	s7 =	simm.s32 @p2 $0x1082  }
0x22: {  	[simem:s7], [sflag:s8] =	dma.local @!p0 [hbm:s6], $0xF7A  }
0x23: {  	s9 =	sor.u32 $0xD0000000, s2;
	s6 =	simm.s32 $0x108;
	_ =	swait.ge @!p0 [sflag:s8], $0x0  }
0x24: {  	s3 =	sadd.s32 $0x88, s3;
	s6 =	simm.s32 @!p1 $0x1082;
	[sflag:s4] =	ssyncset.s32 $0xFFFFF086  }
0x25: {  	[simem:s6], [sflag:s4] =	dma.local [hbm:s3], $0xF7A  }
0x26: {  	[smem:$0x3F90] =	sst s1;
	(tag) =	ssettag s2;
	_ =	strace s9  }
0x27: {  	s1 =	sld [smem:$0x3FA0]  }
0x28: {  	s2 =	sld [smem:$0x3FA1]  }
0x29: {  	s4 =	sld [smem:$0x3FA3]  }
0x2a: {  	p0 =	seq.s32 s5, $0x0;
	s5 =	sld [smem:$0x3FA4]  }
0x2b: {  	s6 =	sld [smem:$0x3FA5]  }
0x2c: {  	s7 =	sld [smem:$0x3FA6]  }
0x2d: {  	s3 =	simm.s32 $0x108;
	s8 =	sld [smem:$0x3FA7]  }
0x2e: {  	s3 =	simm.s32 @!p0 $0x1082;
	s9 =	sld [smem:$0x3FA8]  }
0x2f: {  	lr =	sadd.s32 s0, s3;
	s0 =	sld [smem:$0x3F9F]  }
0x30: {  	s3 =	sld [smem:$0x3FA2]  }
0x31: {  	[smem:$0x3FAB] =	sst s10  }
0x32: {  	s10 =	sld [smem:$0x3FA9];
	_ =	sdelay $0x3  }
0x33: {  	p0 =	seq.s32 s10, $0x1;
	s10 =	sld [smem:$0x3FAB];
	_ =	sdelay $0x3  }
0x34: {  	[smem:$0x3FAB] =	sst s10  }
0x35: {  	s10 =	sld [smem:$0x3FAA];
	_ =	sdelay $0x3  }
0x36: {  	p1 =	seq.s32 s10, $0x1;
	s10 =	sld [smem:$0x3FAB];
	_ =	sdelay $0x3  }
0x37: {  	[smem:$0x3FAB] =	sst s10  }
0x38: {  	s10 =	sld [smem:$0x3FAC]  }
0x39: {  	_ = 	snop;
	(pc) =	sbr.ind lr, $3  }
0x3a: {  	_ = 	snop  }
0x3b: {  	_ = 	snop  }
0x3c: {  	p2 =	seq.s32 s10, $0x1;
	s10 =	sld [smem:$0x3FAB]  }
0x3d: {  	_ =	shalt  }
0x3e: {  	_ =	shalt  }
0x3f: {  	_ =	shalt  }
0x40: {  	_ =	shalt  }
0x41: {  	_ =	shalt  }
0x42: {  	_ =	shalt  }
0x43: {  	_ =	shalt  }
0x44: {  	_ =	shalt  }
0x45: {  	_ =	shalt  }
0x46: {  	_ =	shalt  }
0x47: {  	_ =	shalt  }
0x48: {  	_ =	shalt  }
0x49: {  	_ =	shalt  }
0x4a: {  	_ =	shalt  }
0x4b: {  	_ =	shalt  }
0x4c: {  	_ =	shalt  }
0x4d: {  	_ =	shalt  }
0x4e: {  	_ =	shalt  }
0x4f: {  	_ =	shalt  }
0x50: {  	_ =	shalt  }
0x51: {  	_ =	shalt  }
0x52: {  	_ =	shalt  }
0x53: {  	_ =	shalt  }
0x54: {  	_ =	shalt  }
0x55: {  	_ =	shalt  }
0x56: {  	_ =	shalt  }
0x57: {  	_ =	shalt  }
0x58: {  	_ =	shalt  }
0x59: {  	_ =	shalt  }
0x5a: {  	_ =	shalt  }
0x5b: {  	_ =	shalt  }
0x5c: {  	_ =	shalt  }
0x5d: {  	_ =	shalt  }
0x5e: {  	_ =	shalt  }
0x5f: {  	_ =	shalt  }
0x60: {  	_ =	shalt  }
0x61: {  	_ =	shalt  }
0x62: {  	_ =	shalt  }
0x63: {  	_ =	shalt  }
0x64: {  	_ =	shalt  }
0x65: {  	_ =	shalt  }
0x66: {  	_ =	shalt  }
0x67: {  	_ =	shalt  }
0x68: {  	_ =	shalt  }
0x69: {  	_ =	shalt  }
0x6a: {  	_ =	shalt  }
0x6b: {  	_ =	shalt  }
0x6c: {  	_ =	shalt  }
0x6d: {  	_ =	shalt  }
0x6e: {  	_ =	shalt  }
0x6f: {  	_ =	shalt  }
0x70: {  	_ =	shalt  }
0x71: {  	_ =	shalt  }
0x72: {  	_ =	shalt  }
0x73: {  	_ =	shalt  }
0x74: {  	_ =	shalt  }
0x75: {  	_ =	shalt  }
0x76: {  	_ =	shalt  }
0x77: {  	_ =	shalt  }
0x78: {  	_ =	shalt  }
0x79: {  	_ =	shalt  }
0x7a: {  	_ =	shalt  }
0x7b: {  	_ =	shalt  }
0x7c: {  	_ =	shalt  }
0x7d: {  	_ =	shalt  }
0x7e: {  	_ =	shalt  }
0x7f: {  	_ =	shalt  }
0x80: {  	_ =	shalt  }
0x81: {  	_ =	shalt  }
0x82: {  	_ =	shalt  }
0x83: {  	_ =	shalt  }
0x84: {  	_ =	shalt  }
0x85: {  	_ =	shalt  }
0x86: {  	_ =	shalt  }
0x87: {  	_ =	shalt  }
.Lfunc_end0:
.L_simem_size_0:
called_computation_lowered:
.L_overlay_start_0:
0x88: {  	s2 =	sld [smem:$0x3FD9]  }
0x89: {  	s3 =	sld [smem:$0x3FFE];
	_ =	sdelay $0x1  }
0x8a: {  	s1 =	srdreg.scid  }
0x8b: {  	s0 =	sand.u32 $0x1, s1  }
0x8c: {  	s17 =	sshll.u32 s0, $0xA;
	s2 =	sadd.s32 s3, s2  }
0x8d: {  	s2 =	sadd.s32 s2, s17  }
0x8e: {  	[smem:$0x3FB7] =	sst s2  }
0x8f: {  	_ = 	snop  }
0x90: {  	(tm) =	ssettm $0x1  }
0x91: {  	s18 =	sld [smem:$0x3FFB];
	_ =	sdelay $0x3  }
0x92: {  	_ =	strace s18  }
0x93: {  	s2 =	sld [smem:$0x3FFC];
	_ =	sdelay $0x3  }
0x94: {  	_ =	strace s2  }
0x95: {  	s2 =	sld [smem:$0x3FFD];
	_ =	sdelay $0x3  }
0x96: {  	_ =	strace s2  }
0x97: {  	_ =	strace $0x8FFFFFFF  }
0x98: {  	s19 =	sld [smem:$0x3FDB];
	_ =	sdelay $0x1  }
0x99: {  	s20 =	simm.s32 $_scs_section_size  }
0x9a: {  	s4 =	simm.s32 $_size__tile_overlayer_lowered;
	s5 =	simm.s32 $_tile_overlayer_lowered  }
0x9b: {  	s6 =	simm.s32 $0x1BFF;
	s21 =	sshll.u32 s5, $0x1;
	s3 =	sadd.s32 s20, s19  }
0x9c: {  	s22 =	simm.s32 $0x0;
	s4 =	sshll.u32 s4, $0x1;
	s5 =	sadd.s32 s21, s3  }
0x9d: {  	[timem:s22], [sflag:s6] =	dma.local [hbm:s5], s4  }
0x9e: {  	_ =	swait.ge [sflag:s6], s4  }
0x9f: {  	s4 =	ssub.s32 $0x0, s4;
	[sflag:s6] =	ssyncset.done $0x0  }
0xa0: {  	[sflag:s6] =	ssyncadd.s32 s4;
	_ =	sdelay $0x1  }
0xa1: {  	s23 =	simm.s32 $0x1B8B  }
0xa2: {  	_ =	swait.ge [sflag:s23], $0x1  }
0xa3: {  	[sflag:s23] =	ssyncset.done $0x0  }
0xa4: {  	[sflag:s23] =	ssyncadd.s32 $0xFFFFFFFF  }
0xa5: {  	s4 =	sld [smem:$0x0]  }
0xa6: {  	s5 =	sand.u32 $0xFFFFFFFE, s1  }
0xa7: {  	p0 =	sne.s32 s1, s5  }
0xa8: {  	s5 =	sshll.u32 @p0 s5, $0xE  }
0xa9: {  	s5 =	sadd.s32 @p0 $0x11B8D, s5;
	s6 =	sshll.u32 @p0 s4, $0x11  }
0xaa: {  	s5 =	sor.u32 @p0 s6, s5  }
0xab: {  	[sflag:s5] =	ssyncadd.remote.s32 @p0 $0x1;
	_ =	sdelay $0x1  }
0xac: {  	s5 =	simm.s32 @p0 $0x1B8D  }
0xad: {  	_ =	swait.eq @p0 [sflag:s5], $0x1  }
0xae: {  	[sflag:s5] =	ssyncadd.s32 @p0 $0xFFFFFFFF  }
0xaf: {  	s6 =	sshll.u32 @!p0 s1, $0xE  }
0xb0: {  	s6 =	sor.u32 @!p0 $0x4000, s6;
	s5 =	simm.s32 @!p0 $0x1B8D  }
0xb1: {  	s4 =	sshll.u32 @!p0 s4, $0x11;
	s6 =	sadd.s32 @!p0 $0x11B8D, s6;
	_ =	swait.eq @!p0 [sflag:s5], $0x1  }
0xb2: {  	s4 =	sor.u32 @!p0 s4, s6;
	[sflag:s5] =	ssyncadd.s32 @!p0 $0xFFFFFFFF  }
0xb3: {  	s25 =	simm.s32 $0x1B8E;
	s24 =	sld [smem:$0x3FFE];
	[sflag:s4] =	ssyncadd.remote.s32 @!p0 $0x1  }
0xb4: {  	s26 =	simm.s32 $execute0_lowered;
	[smem:$0x3FD2] =	sst s25  }
0xb5: {  	s5 =	sshll.u32 s26, $0x1;
	_ =	strace $0x80000049;
	[dreg:$0x1] =	wrdreg $0xFFFFFFFF  }
0xb6: {  	s28 =	simm.s32 $_size_execute0_lowered;
	s3 =	sadd.s32 s3, s5;
	[dreg:$0x0] =	wrdreg $0x0  }
0xb7: {  	s5 =	sshll.u32 s28, $0x1;
	[dreg:$0x2] =	wrdreg s3  }
0xb8: {  	[dreg:$0x3] =	wrdreg s5  }
0xb9: {  	[dreg:$0x4] =	wrdreg $0xC0  }
0xba: {  	_ =	task [dreg:s22], $0x5FFFF  }
0xbb: {  	[dreg:$0x1] =	wrdreg $0xFFFFFFFF  }
0xbc: {  	[dreg:$0x0] =	wrdreg $0x60  }
0xbd: {  	[dreg:$0x2] =	wrdreg s24  }
0xbe: {  	[dreg:$0x3] =	wrdreg $0x9  }
0xbf: {  	_ =	task.clear_ibuf [dreg:s22], $0x4FFFF;
	_ =	strace $0x90000049  }
0xc0: {  	s29 =	simm.s32 $0x9;
	_ =	strace $0x8000004B  }
0xc1: {  	_ =	swait.ge [sflag:s29], $0x1  }
0xc2: {  	[sflag:s29] =	ssyncadd.s32 $0xFFFFFFFF  }
0xc3: {  	_ =	strace $0x9000004B  }
0xc4: {  	_ =	sfence  }
0xc5: {  	s30 =	sld [smem:$0x0];
	_ =	sdelay $0x2  }
0xc6: {  	s31 =	sshll.u32 s1, $0xD;
	s1 =	sshrl.u32 s1, $0x2  }
0xc7: {  	s4 =	sand.u32 $0x4000, s31;
	s1 =	sadd.s32 s1, s30  }
0xc8: {  	s0 =	sor.u32 s4, s0;
	s1 =	sshll.u32 s1, $0x11  }
0xc9: {  	s0 =	sor.u32 s1, s0  }
0xca: {  	s0 =	sadd.s32 $0x8F2B, s0  }
0xcb: {  	[sflag:s0] =	ssyncadd.remote.s32 $0x1  }
0xcc: {  	_ =	sfence.sel $0xFFFF  }
0xcd: {  	[dreg:$0x0] =	wrdreg $0xFFFFFFFF;
	(pc) =	sbr.abs _section_cstart, $3  }
0xce: {  	[dreg:$0x1] =	wrdreg $0xFFFFFFFF  }
0xcf: {  	_ =	task.clear_ibuf [dreg:s22], $0x2FFFF;
	_ =	strace $0x9FFFFFFF  }
0xd0: {  	(tm) =	ssettm $0x7FFFFFFF  }
0xd1: {  	_ =	shalt  }
tec
execute0_lowered:
.L_overlay_start_1:
0x0: {  	(tag) =	ssettag $0x1  }
0x1: {  	s1 =	srdreg.scid  }
0x2: {  	s0 =	stileid.u32;
	s22 =	sand.u32 $0x1, s1  }
0x3: {  	s8 =	rddreg [dreg:$0x0];
	s3 =	sshll.u32 s0, $0xB;
	s4 =	sshll.u32 s22, $0xA  }
0x4: {  	s2 =	simm.s32 $0x0;
	s1 =	rddreg [dreg:$0x1];
	s24 =	sor.u32 s4, s3  }
0x5: {  	[smem:$0x7FF] =	sst s2;
	s21 =	sadd.s32 $0x92C00, s8;
	s3 =	sshrl.u32 s24, $0x3  }
0x6: {  	_ =	strace $0x8000004A;
	s4 =	sadd.s32 s21, s3;
	s3 =	simm.s32 $0x2  }
0x7: {  	[tilespmem:s2], [sflag:$0x2] =	stream.linear.gather [hbm4b:s4+s2], $0x80, $0x38;
	[tilespmem:$0x4080] =	vst v63  }
0x8: {  	_ =	swait.ge [sflag:s3], $0x80  }
0x9: {  	s6 =	simm.s32 $0x80;
	[sflag:s3] =	ssyncset.done $0x0  }
0xa: {  	s7 =	simm.s32 $0x1;
	s5 =	sadd.s32 $0x2C00, s8;
	[sflag:s3] =	ssyncadd.s32 $0xFFFFFF80  }
0xb: {  	[tilespmem:s6], [sflag:$0x1] =	stream.indirect.gather [hbm4b:s5+s6], $0x80, s2, s6, $0xb8;
	[tilespmem:$0x4080] =	vst v63  }
0xc: {  	_ =	swait.ge [sflag:s7], $0x4000  }
0xd: {  	s23 =	sadd.s32 $0x93C00, s8;
	s28 =	sshll.u32 s24, $0x4;
	[sflag:s7] =	ssyncset.done $0x0  }
0xe: {  	s8 =	sadd.s32 s23, s28;
	[sflag:s7] =	ssyncadd.s32 $0xFFFFC000  }
0xf: {  	[hbm4b:s8+s2] =	stream.linear.scatter [tilespmem:s6], [sflag:$0x2], $0x4000, $0x38;
	[tilespmem:$0x4080] =	vst v63  }
0x10: {  	s10 =	sor.u32 $0x80, s24;
	_ =	swait.ge [sflag:s3], $0x4000  }
0x11: {  	s9 =	sshrl.u32 s10, $0x3;
	[sflag:s3] =	ssyncset.done $0x0  }
0x12: {  	s9 =	sadd.s32 s21, s9;
	[sflag:s3] =	ssyncadd.s32 $0xFFFFC000  }
0x13: {  	[tilespmem:s2], [sflag:$0x2] =	stream.linear.gather [hbm4b:s9+s2], $0x80, $0x38;
	[tilespmem:$0x4080] =	vst v63  }
0x14: {  	_ =	swait.ge [sflag:s3], $0x80  }
0x15: {  	[sflag:s3] =	ssyncset.done $0x0  }
0x16: {  	[sflag:s3] =	ssyncadd.s32 $0xFFFFFF80  }
0x17: {  	[tilespmem:s6], [sflag:$0x1] =	stream.indirect.gather [hbm4b:s5+s6], $0x80, s2, s6, $0xb8;
	[tilespmem:$0x4080] =	vst v63  }
0x18: {  	_ =	swait.ge [sflag:s7], $0x4000  }
0x19: {  	s10 =	sshll.u32 s10, $0x4;
	[sflag:s7] =	ssyncset.done $0x0  }
0x1a: {  	s10 =	sadd.s32 s23, s10;
	[sflag:s7] =	ssyncadd.s32 $0xFFFFC000  }
0x1b: {  	[hbm4b:s10+s2] =	stream.linear.scatter [tilespmem:s6], [sflag:$0x2], $0x4000, $0x38;
	[tilespmem:$0x4080] =	vst v63  }
0x1c: {  	s12 =	sor.u32 $0x100, s24;
	_ =	swait.ge [sflag:s3], $0x4000  }
0x1d: {  	s11 =	sshrl.u32 s12, $0x3;
	[sflag:s3] =	ssyncset.done $0x0  }
0x1e: {  	s11 =	sadd.s32 s21, s11;
	[sflag:s3] =	ssyncadd.s32 $0xFFFFC000  }
0x1f: {  	[tilespmem:s2], [sflag:$0x2] =	stream.linear.gather [hbm4b:s11+s2], $0x80, $0x38;
	[tilespmem:$0x4080] =	vst v63  }
0x20: {  	_ =	swait.ge [sflag:s3], $0x80  }
0x21: {  	[sflag:s3] =	ssyncset.done $0x0  }
0x22: {  	[sflag:s3] =	ssyncadd.s32 $0xFFFFFF80  }
0x23: {  	[tilespmem:s6], [sflag:$0x1] =	stream.indirect.gather [hbm4b:s5+s6], $0x80, s2, s6, $0xb8;
	[tilespmem:$0x4080] =	vst v63  }
0x24: {  	_ =	swait.ge [sflag:s7], $0x4000  }
0x25: {  	s12 =	sshll.u32 s12, $0x4;
	[sflag:s7] =	ssyncset.done $0x0  }
0x26: {  	s12 =	sadd.s32 s23, s12;
	[sflag:s7] =	ssyncadd.s32 $0xFFFFC000  }
0x27: {  	[hbm4b:s12+s2] =	stream.linear.scatter [tilespmem:s6], [sflag:$0x2], $0x4000, $0x38;
	[tilespmem:$0x4080] =	vst v63  }
0x28: {  	s14 =	sor.u32 $0x180, s24;
	_ =	swait.ge [sflag:s3], $0x4000  }
0x29: {  	s13 =	sshrl.u32 s14, $0x3;
	[sflag:s3] =	ssyncset.done $0x0  }
0x2a: {  	s13 =	sadd.s32 s21, s13;
	[sflag:s3] =	ssyncadd.s32 $0xFFFFC000  }
0x2b: {  	[tilespmem:s2], [sflag:$0x2] =	stream.linear.gather [hbm4b:s13+s2], $0x80, $0x38;
	[tilespmem:$0x4080] =	vst v63  }
0x2c: {  	_ =	swait.ge [sflag:s3], $0x80  }
0x2d: {  	[sflag:s3] =	ssyncset.done $0x0  }
0x2e: {  	[sflag:s3] =	ssyncadd.s32 $0xFFFFFF80  }
0x2f: {  	[tilespmem:s6], [sflag:$0x1] =	stream.indirect.gather [hbm4b:s5+s6], $0x80, s2, s6, $0xb8;
	[tilespmem:$0x4080] =	vst v63  }
0x30: {  	_ =	swait.ge [sflag:s7], $0x4000  }
0x31: {  	s14 =	sshll.u32 s14, $0x4;
	[sflag:s7] =	ssyncset.done $0x0  }
0x32: {  	s14 =	sadd.s32 s23, s14;
	[sflag:s7] =	ssyncadd.s32 $0xFFFFC000  }
0x33: {  	[hbm4b:s14+s2] =	stream.linear.scatter [tilespmem:s6], [sflag:$0x2], $0x4000, $0x38;
	[tilespmem:$0x4080] =	vst v63  }
0x34: {  	s16 =	sor.u32 $0x200, s24;
	_ =	swait.ge [sflag:s3], $0x4000  }
0x35: {  	s15 =	sshrl.u32 s16, $0x3;
	[sflag:s3] =	ssyncset.done $0x0  }
0x36: {  	s15 =	sadd.s32 s21, s15;
	[sflag:s3] =	ssyncadd.s32 $0xFFFFC000  }
0x37: {  	[tilespmem:s2], [sflag:$0x2] =	stream.linear.gather [hbm4b:s15+s2], $0x80, $0x38;
	[tilespmem:$0x4080] =	vst v63  }
0x38: {  	_ =	swait.ge [sflag:s3], $0x80  }
0x39: {  	[sflag:s3] =	ssyncset.done $0x0  }
0x3a: {  	[sflag:s3] =	ssyncadd.s32 $0xFFFFFF80  }
0x3b: {  	[tilespmem:s6], [sflag:$0x1] =	stream.indirect.gather [hbm4b:s5+s6], $0x80, s2, s6, $0xb8;
	[tilespmem:$0x4080] =	vst v63  }
0x3c: {  	_ =	swait.ge [sflag:s7], $0x4000  }
0x3d: {  	s16 =	sshll.u32 s16, $0x4;
	[sflag:s7] =	ssyncset.done $0x0  }
0x3e: {  	s16 =	sadd.s32 s23, s16;
	[sflag:s7] =	ssyncadd.s32 $0xFFFFC000  }
0x3f: {  	[hbm4b:s16+s2] =	stream.linear.scatter [tilespmem:s6], [sflag:$0x2], $0x4000, $0x38;
	[tilespmem:$0x4080] =	vst v63  }
0x40: {  	s18 =	sor.u32 $0x280, s24;
	_ =	swait.ge [sflag:s3], $0x4000  }
0x41: {  	s17 =	sshrl.u32 s18, $0x3;
	[sflag:s3] =	ssyncset.done $0x0  }
0x42: {  	s17 =	sadd.s32 s21, s17;
	[sflag:s3] =	ssyncadd.s32 $0xFFFFC000  }
0x43: {  	[tilespmem:s2], [sflag:$0x2] =	stream.linear.gather [hbm4b:s17+s2], $0x80, $0x38;
	[tilespmem:$0x4080] =	vst v63  }
0x44: {  	_ =	swait.ge [sflag:s3], $0x80  }
0x45: {  	[sflag:s3] =	ssyncset.done $0x0  }
0x46: {  	[sflag:s3] =	ssyncadd.s32 $0xFFFFFF80  }
0x47: {  	[tilespmem:s6], [sflag:$0x1] =	stream.indirect.gather [hbm4b:s5+s6], $0x80, s2, s6, $0xb8;
	[tilespmem:$0x4080] =	vst v63  }
0x48: {  	_ =	swait.ge [sflag:s7], $0x4000  }
0x49: {  	s18 =	sshll.u32 s18, $0x4;
	[sflag:s7] =	ssyncset.done $0x0  }
0x4a: {  	s18 =	sadd.s32 s23, s18;
	[sflag:s7] =	ssyncadd.s32 $0xFFFFC000  }
0x4b: {  	[hbm4b:s18+s2] =	stream.linear.scatter [tilespmem:s6], [sflag:$0x2], $0x4000, $0x38;
	[tilespmem:$0x4080] =	vst v63  }
0x4c: {  	s20 =	sor.u32 $0x300, s24;
	_ =	swait.ge [sflag:s3], $0x4000  }
0x4d: {  	s19 =	sshrl.u32 s20, $0x3;
	[sflag:s3] =	ssyncset.done $0x0  }
0x4e: {  	s19 =	sadd.s32 s21, s19;
	[sflag:s3] =	ssyncadd.s32 $0xFFFFC000  }
0x4f: {  	[tilespmem:s2], [sflag:$0x2] =	stream.linear.gather [hbm4b:s19+s2], $0x80, $0x38;
	[tilespmem:$0x4080] =	vst v63  }
0x50: {  	_ =	swait.ge [sflag:s3], $0x80  }
0x51: {  	[sflag:s3] =	ssyncset.done $0x0  }
0x52: {  	[sflag:s3] =	ssyncadd.s32 $0xFFFFFF80  }
0x53: {  	[tilespmem:s6], [sflag:$0x1] =	stream.indirect.gather [hbm4b:s5+s6], $0x80, s2, s6, $0xb8;
	[tilespmem:$0x4080] =	vst v63  }
0x54: {  	_ =	swait.ge [sflag:s7], $0x4000  }
0x55: {  	s20 =	sshll.u32 s20, $0x4;
	[sflag:s7] =	ssyncset.done $0x0  }
0x56: {  	s20 =	sadd.s32 s23, s20;
	[sflag:s7] =	ssyncadd.s32 $0xFFFFC000  }
0x57: {  	[hbm4b:s20+s2] =	stream.linear.scatter [tilespmem:s6], [sflag:$0x2], $0x4000, $0x38;
	[tilespmem:$0x4080] =	vst v63  }
0x58: {  	s24 =	sor.u32 $0x380, s24;
	_ =	swait.ge [sflag:s3], $0x4000  }
0x59: {  	s25 =	sshrl.u32 s24, $0x3;
	[sflag:s3] =	ssyncset.done $0x0  }
0x5a: {  	s22 =	ssub.s32 $0x2, s22;
	s21 =	sadd.s32 s21, s25;
	[sflag:s3] =	ssyncadd.s32 $0xFFFFC000  }
0x5b: {  	[tilespmem:s2], [sflag:$0x2] =	stream.linear.gather [hbm4b:s21+s2], $0x80, $0x38;
	[tilespmem:$0x4080] =	vst v63  }
0x5c: {  	s29 =	sshrl.u32 s22, $0x1;
	_ =	swait.ge [sflag:s3], $0x80  }
0x5d: {  	s25 =	ssub.s32 s22, s29;
	[sflag:s3] =	ssyncset.done $0x0  }
0x5e: {  	s31 =	smax.u32 s25, $0x1;
	[sflag:s3] =	ssyncadd.s32 $0xFFFFFF80  }
0x5f: {  	[tilespmem:s6], [sflag:$0x1] =	stream.indirect.gather [hbm4b:s5+s6], $0x80, s2, s6, $0xb8;
	[tilespmem:$0x4080] =	vst v63  }
0x60: {  	p0 =	sne.s32 s31, $0x1;
	_ =	swait.ge [sflag:s7], $0x4000  }
.Ltmp0:
0x61: {  	s30 =	sshll.u32 s24, $0x4;
	[sflag:s7] =	ssyncset.done $0x0;
	(pc) =	sbr.rel @!p0 .LBB2_2-.Ltmp0, $4  }
0x62: {  	s22 =	sadd.s32 s23, s30;
	[sflag:s7] =	ssyncadd.s32 $0xFFFFC000  }
0x63: {  	[hbm4b:s22+s2] =	stream.linear.scatter [tilespmem:s6], [sflag:$0x2], $0x4000, $0x38;
	[tilespmem:$0x4080] =	vst v63  }
0x64: {  	_ =	swait.ge [sflag:s3], $0x4000  }
0x65: {  	s23 =	sadd.s32 $0xFFFFFFFF, s31;
	[sflag:s3] =	ssyncset.done $0x0  }
.LBB2_1:
0x66: {  	p0 =	sne.s32 s23, $0x1;
	s23 =	sadd.s32 $0xFFFFFFFF, s23;
	[sflag:s3] =	ssyncadd.s32 $0xFFFFC000  }
0x67: {  	[tilespmem:s2], [sflag:$0x2] =	stream.linear.gather [hbm4b:s4+s2], $0x80, $0x38;
	[tilespmem:$0x4080] =	vst v63  }
0x68: {  	_ =	swait.ge [sflag:s3], $0x80  }
0x69: {  	[sflag:s3] =	ssyncset.done $0x0  }
0x6a: {  	[sflag:s3] =	ssyncadd.s32 $0xFFFFFF80  }
0x6b: {  	[tilespmem:s6], [sflag:$0x1] =	stream.indirect.gather [hbm4b:s5+s6], $0x80, s2, s6, $0xb8;
	[tilespmem:$0x4080] =	vst v63  }
0x6c: {  	_ =	swait.ge [sflag:s7], $0x4000  }
0x6d: {  	[sflag:s7] =	ssyncset.done $0x0  }
0x6e: {  	[sflag:s7] =	ssyncadd.s32 $0xFFFFC000  }
0x6f: {  	[hbm4b:s8+s2] =	stream.linear.scatter [tilespmem:s6], [sflag:$0x2], $0x4000, $0x38;
	[tilespmem:$0x4080] =	vst v63  }
0x70: {  	_ =	swait.ge [sflag:s3], $0x4000  }
0x71: {  	[sflag:s3] =	ssyncset.done $0x0  }
0x72: {  	[sflag:s3] =	ssyncadd.s32 $0xFFFFC000  }
0x73: {  	[tilespmem:s2], [sflag:$0x2] =	stream.linear.gather [hbm4b:s9+s2], $0x80, $0x38;
	[tilespmem:$0x4080] =	vst v63  }
0x74: {  	_ =	swait.ge [sflag:s3], $0x80  }
0x75: {  	[sflag:s3] =	ssyncset.done $0x0  }
0x76: {  	[sflag:s3] =	ssyncadd.s32 $0xFFFFFF80  }
0x77: {  	[tilespmem:s6], [sflag:$0x1] =	stream.indirect.gather [hbm4b:s5+s6], $0x80, s2, s6, $0xb8;
	[tilespmem:$0x4080] =	vst v63  }
0x78: {  	_ =	swait.ge [sflag:s7], $0x4000  }
0x79: {  	[sflag:s7] =	ssyncset.done $0x0  }
0x7a: {  	[sflag:s7] =	ssyncadd.s32 $0xFFFFC000  }
0x7b: {  	[hbm4b:s10+s2] =	stream.linear.scatter [tilespmem:s6], [sflag:$0x2], $0x4000, $0x38;
	[tilespmem:$0x4080] =	vst v63  }
0x7c: {  	_ =	swait.ge [sflag:s3], $0x4000  }
0x7d: {  	[sflag:s3] =	ssyncset.done $0x0  }
0x7e: {  	[sflag:s3] =	ssyncadd.s32 $0xFFFFC000  }
0x7f: {  	[tilespmem:s2], [sflag:$0x2] =	stream.linear.gather [hbm4b:s11+s2], $0x80, $0x38;
	[tilespmem:$0x4080] =	vst v63  }
0x80: {  	_ =	swait.ge [sflag:s3], $0x80  }
0x81: {  	[sflag:s3] =	ssyncset.done $0x0  }
0x82: {  	[sflag:s3] =	ssyncadd.s32 $0xFFFFFF80  }
0x83: {  	[tilespmem:s6], [sflag:$0x1] =	stream.indirect.gather [hbm4b:s5+s6], $0x80, s2, s6, $0xb8;
	[tilespmem:$0x4080] =	vst v63  }
0x84: {  	_ =	swait.ge [sflag:s7], $0x4000  }
0x85: {  	[sflag:s7] =	ssyncset.done $0x0  }
0x86: {  	[sflag:s7] =	ssyncadd.s32 $0xFFFFC000  }
0x87: {  	[hbm4b:s12+s2] =	stream.linear.scatter [tilespmem:s6], [sflag:$0x2], $0x4000, $0x38;
	[tilespmem:$0x4080] =	vst v63  }
0x88: {  	_ =	swait.ge [sflag:s3], $0x4000  }
0x89: {  	[sflag:s3] =	ssyncset.done $0x0  }
0x8a: {  	[sflag:s3] =	ssyncadd.s32 $0xFFFFC000  }
0x8b: {  	[tilespmem:s2], [sflag:$0x2] =	stream.linear.gather [hbm4b:s13+s2], $0x80, $0x38;
	[tilespmem:$0x4080] =	vst v63  }
0x8c: {  	_ =	swait.ge [sflag:s3], $0x80  }
0x8d: {  	[sflag:s3] =	ssyncset.done $0x0  }
0x8e: {  	[sflag:s3] =	ssyncadd.s32 $0xFFFFFF80  }
0x8f: {  	[tilespmem:s6], [sflag:$0x1] =	stream.indirect.gather [hbm4b:s5+s6], $0x80, s2, s6, $0xb8;
	[tilespmem:$0x4080] =	vst v63  }
0x90: {  	_ =	swait.ge [sflag:s7], $0x4000  }
0x91: {  	[sflag:s7] =	ssyncset.done $0x0  }
0x92: {  	[sflag:s7] =	ssyncadd.s32 $0xFFFFC000  }
0x93: {  	[hbm4b:s14+s2] =	stream.linear.scatter [tilespmem:s6], [sflag:$0x2], $0x4000, $0x38;
	[tilespmem:$0x4080] =	vst v63  }
0x94: {  	_ =	swait.ge [sflag:s3], $0x4000  }
0x95: {  	[sflag:s3] =	ssyncset.done $0x0  }
0x96: {  	[sflag:s3] =	ssyncadd.s32 $0xFFFFC000  }
0x97: {  	[tilespmem:s2], [sflag:$0x2] =	stream.linear.gather [hbm4b:s15+s2], $0x80, $0x38;
	[tilespmem:$0x4080] =	vst v63  }
0x98: {  	_ =	swait.ge [sflag:s3], $0x80  }
0x99: {  	[sflag:s3] =	ssyncset.done $0x0  }
0x9a: {  	[sflag:s3] =	ssyncadd.s32 $0xFFFFFF80  }
0x9b: {  	[tilespmem:s6], [sflag:$0x1] =	stream.indirect.gather [hbm4b:s5+s6], $0x80, s2, s6, $0xb8;
	[tilespmem:$0x4080] =	vst v63  }
0x9c: {  	_ =	swait.ge [sflag:s7], $0x4000  }
0x9d: {  	[sflag:s7] =	ssyncset.done $0x0  }
0x9e: {  	[sflag:s7] =	ssyncadd.s32 $0xFFFFC000  }
0x9f: {  	[hbm4b:s16+s2] =	stream.linear.scatter [tilespmem:s6], [sflag:$0x2], $0x4000, $0x38;
	[tilespmem:$0x4080] =	vst v63  }
0xa0: {  	_ =	swait.ge [sflag:s3], $0x4000  }
0xa1: {  	[sflag:s3] =	ssyncset.done $0x0  }
0xa2: {  	[sflag:s3] =	ssyncadd.s32 $0xFFFFC000  }
0xa3: {  	[tilespmem:s2], [sflag:$0x2] =	stream.linear.gather [hbm4b:s17+s2], $0x80, $0x38;
	[tilespmem:$0x4080] =	vst v63  }
0xa4: {  	_ =	swait.ge [sflag:s3], $0x80  }
0xa5: {  	[sflag:s3] =	ssyncset.done $0x0  }
0xa6: {  	[sflag:s3] =	ssyncadd.s32 $0xFFFFFF80  }
0xa7: {  	[tilespmem:s6], [sflag:$0x1] =	stream.indirect.gather [hbm4b:s5+s6], $0x80, s2, s6, $0xb8;
	[tilespmem:$0x4080] =	vst v63  }
0xa8: {  	_ =	swait.ge [sflag:s7], $0x4000  }
0xa9: {  	[sflag:s7] =	ssyncset.done $0x0  }
0xaa: {  	[sflag:s7] =	ssyncadd.s32 $0xFFFFC000  }
0xab: {  	[hbm4b:s18+s2] =	stream.linear.scatter [tilespmem:s6], [sflag:$0x2], $0x4000, $0x38;
	[tilespmem:$0x4080] =	vst v63  }
0xac: {  	_ =	swait.ge [sflag:s3], $0x4000  }
0xad: {  	[sflag:s3] =	ssyncset.done $0x0  }
0xae: {  	[sflag:s3] =	ssyncadd.s32 $0xFFFFC000  }
0xaf: {  	[tilespmem:s2], [sflag:$0x2] =	stream.linear.gather [hbm4b:s19+s2], $0x80, $0x38;
	[tilespmem:$0x4080] =	vst v63  }
0xb0: {  	_ =	swait.ge [sflag:s3], $0x80  }
0xb1: {  	[sflag:s3] =	ssyncset.done $0x0  }
0xb2: {  	[sflag:s3] =	ssyncadd.s32 $0xFFFFFF80  }
0xb3: {  	[tilespmem:s6], [sflag:$0x1] =	stream.indirect.gather [hbm4b:s5+s6], $0x80, s2, s6, $0xb8;
	[tilespmem:$0x4080] =	vst v63  }
0xb4: {  	_ =	swait.ge [sflag:s7], $0x4000  }
0xb5: {  	[sflag:s7] =	ssyncset.done $0x0  }
0xb6: {  	[sflag:s7] =	ssyncadd.s32 $0xFFFFC000  }
0xb7: {  	[hbm4b:s20+s2] =	stream.linear.scatter [tilespmem:s6], [sflag:$0x2], $0x4000, $0x38;
	[tilespmem:$0x4080] =	vst v63  }
0xb8: {  	_ =	swait.ge [sflag:s3], $0x4000  }
0xb9: {  	[sflag:s3] =	ssyncset.done $0x0  }
0xba: {  	[sflag:s3] =	ssyncadd.s32 $0xFFFFC000  }
0xbb: {  	[tilespmem:s2], [sflag:$0x2] =	stream.linear.gather [hbm4b:s21+s2], $0x80, $0x38;
	[tilespmem:$0x4080] =	vst v63  }
0xbc: {  	_ =	swait.ge [sflag:s3], $0x80  }
0xbd: {  	[sflag:s3] =	ssyncset.done $0x0  }
0xbe: {  	[sflag:s3] =	ssyncadd.s32 $0xFFFFFF80  }
0xbf: {  	[tilespmem:s6], [sflag:$0x1] =	stream.indirect.gather [hbm4b:s5+s6], $0x80, s2, s6, $0xb8;
	[tilespmem:$0x4080] =	vst v63  }
0xc0: {  	_ =	swait.ge [sflag:s7], $0x4000  }
.Ltmp1:
0xc1: {  	[sflag:s7] =	ssyncset.done $0x0;
	(pc) =	sbr.rel @p0 .LBB2_1-.Ltmp1, $4  }
0xc2: {  	[sflag:s7] =	ssyncadd.s32 $0xFFFFC000  }
0xc3: {  	[hbm4b:s22+s2] =	stream.linear.scatter [tilespmem:s6], [sflag:$0x2], $0x4000, $0x38;
	[tilespmem:$0x4080] =	vst v63  }
0xc4: {  	_ =	swait.ge [sflag:s3], $0x4000  }
0xc5: {  	[sflag:s3] =	ssyncset.done $0x0  }
.LBB2_2:
0xc6: {  	[sflag:s3] =	ssyncadd.s32 $0xFFFFC000  }
0xc7: {  	_ =	sfence.sel $0x180000  }
0xc8: {  	[bflag:$0x0] =	sbarrier.arrive $0xFFFF  }
0xc9: {  	p0 =	sne.s32 s0, $0x0;
	_ =	strace $0x9000004A  }
0xca: {  	s0 =	sadd.s32 @!p0 $0x100000, s1;
	[bflag:$0x2] =	sbarrier.arrive $0xFFFF  }
0xcb: {  	[sflag:s0] =	ssyncadd.tile.s32 @!p0 $0x1;
	_ =	shalt  }
.Lfunc_end2:
_tile_overlayer_lowered:
.L_overlay_start_2:
0xcc: {  	(tag) =	ssettag $0x2  }
0xcd: {  	s0 =	rddreg [dreg:$0x0];
	s2 =	stileid.u32  }
0xce: {  	s1 =	rddreg [dreg:$0x1];
	p0 =	sne.s32 s2, $0x0  }
0xcf: {  	s3 =	rddreg [dreg:$0x2];
	[bflag:$0x3] =	sbarrier.arrive $0xFFFF;
	s2 =	simm.s32 @!p0 $0x1C02  }
0xd0: {  	[timem:s3], [sflag:s2] =	dma.local @!p0 [hbm:s0], s1  }
0xd1: {  	s0 =	simm.s32 @!p0 $0x2  }
0xd2: {  	_ =	swait.ge @!p0 [sflag:s0], s1  }
0xd3: {  	s1 =	ssub.s32 @!p0 $0x0, s1;
	[sflag:s0] =	ssyncset.done @!p0 $0x0  }
0xd4: {  	[sflag:s0] =	ssyncadd.s32 @!p0 s1  }
0xd5: {  	[bflag:$0x3] =	sbarrier.arrive $0xFFFF  }
0xd6: {  	_ =	shalt  }

</sc_bundles>
